<compile_context>
chip_gen: v7x
topology: tpu7x:2x2x1
jax: 0.10.2.dev20260603
libtpu: 0.0.44.dev20260713+nightly
codegen_flags: <defaults>
</compile_context>

<pallas_src>
import functools

import jax
import jax.numpy as jnp
from jax import lax
from jax.experimental import pallas as pl
from jax.experimental.pallas import tpu as pltpu
from jax.experimental.pallas import tpu_sc as plsc

N = 32768
S = 4
D_IN = 256
D_H = 512
D_OUT = 256

NC = 2
NS = 16
NW = NC * NS
ROWS_PER_W = N // NW
CH = 128
NCH = ROWS_PER_W // CH

_mesh = plsc.VectorSubcoreMesh(core_axis_name="c", subcore_axis_name="s")


def _worker_base():
    wid = lax.axis_index("s") * NC + lax.axis_index("c")
    return wid, wid * ROWS_PER_W


@functools.partial(
    pl.kernel,
    out_type=jax.ShapeDtypeStruct((N, D_IN), jnp.float32),
    mesh=_mesh,
    scratch_types=[
        pltpu.VMEM((NCH, CH), jnp.int32),
        pltpu.VMEM((CH, D_IN), jnp.float32),
        pltpu.VMEM((CH, D_IN), jnp.float32),
        pltpu.SemaphoreType.DMA,
        pltpu.SemaphoreType.DMA,
    ],
)
def _sc_gather(emb_hbm, idx_hbm, xg_hbm, idx_v, buf0, buf1, sem0, sem1):
    wid, base = _worker_base()
    pltpu.sync_copy(idx_hbm.at[wid], idx_v)
    bufs = (buf0, buf1)
    sems = (sem0, sem1)
    cps = [
        pltpu.async_copy(emb_hbm.at[idx_v.at[0]], buf0, sem0),
        pltpu.async_copy(emb_hbm.at[idx_v.at[1]], buf1, sem1),
    ]
    for c in range(NCH):
        b = c % 2
        cps[b].wait()
        pltpu.sync_copy(bufs[b], xg_hbm.at[pl.ds(base + c * CH, CH)])
        if c + 2 < NCH:
            cps[b] = pltpu.async_copy(emb_hbm.at[idx_v.at[c + 2]], bufs[b], sems[b])


@functools.partial(
    pl.kernel,
    out_type=jax.ShapeDtypeStruct((N, D_OUT), jnp.float32),
    mesh=_mesh,
    scratch_types=[
        pltpu.VMEM((NCH, CH), jnp.int32),
        pltpu.VMEM((CH, D_OUT), jnp.float32),
        pltpu.VMEM((CH, D_OUT), jnp.float32),
        pltpu.SemaphoreType.DMA,
        pltpu.SemaphoreType.DMA,
    ],
)
def _sc_scatter(o_hbm, idx_hbm, out_hbm, idx_v, buf0, buf1, sem0, sem1):
    wid, base = _worker_base()
    pltpu.sync_copy(idx_hbm.at[wid], idx_v)
    bufs = (buf0, buf1)
    sems = (sem0, sem1)
    pltpu.sync_copy(o_hbm.at[pl.ds(base, CH)], buf0)
    prev = None
    for c in range(NCH):
        b = c % 2
        if c + 1 < NCH:
            pltpu.sync_copy(o_hbm.at[pl.ds(base + (c + 1) * CH, CH)], bufs[1 - b])
        if prev is not None:
            prev.wait()
        prev = pltpu.async_copy(bufs[b], out_hbm.at[idx_v.at[c]], sems[b])
    prev.wait()


BM = 512
MB = (N // S) // BM


def _mlp_body(x_ref, w1_ref, b1_ref, w2_ref, b2_ref, w3_ref, b3_ref, o_ref):
    x = x_ref[...]
    h = jnp.dot(x, w1_ref[0], preferred_element_type=jnp.float32) + b1_ref[0]
    h = h * jax.nn.sigmoid(h)
    h = jnp.dot(h, w2_ref[0], preferred_element_type=jnp.float32) + b2_ref[0]
    h = h * jax.nn.sigmoid(h)
    o_ref[...] = jnp.dot(h, w3_ref[0], preferred_element_type=jnp.float32) + b3_ref[0]


_mlp = pl.pallas_call(
    _mlp_body,
    grid=(S, MB),
    in_specs=[
        pl.BlockSpec((BM, D_IN), lambda s, m: (s * MB + m, 0)),
        pl.BlockSpec((1, D_IN, D_H), lambda s, m: (s, 0, 0)),
        pl.BlockSpec((1, 1, D_H), lambda s, m: (s, 0, 0)),
        pl.BlockSpec((1, D_H, D_H), lambda s, m: (s, 0, 0)),
        pl.BlockSpec((1, 1, D_H), lambda s, m: (s, 0, 0)),
        pl.BlockSpec((1, D_H, D_OUT), lambda s, m: (s, 0, 0)),
        pl.BlockSpec((1, 1, D_OUT), lambda s, m: (s, 0, 0)),
    ],
    out_specs=pl.BlockSpec((BM, D_OUT), lambda s, m: (s * MB + m, 0)),
    out_shape=jax.ShapeDtypeStruct((N, D_OUT), jnp.float32),
    compiler_params=pltpu.CompilerParams(
        dimension_semantics=("arbitrary", "arbitrary"),
    ),
)


@jax.jit
def kernel(species, embedding, idx0, idx1, idx2, idx3, W1, b1, W2, b2, W3, b3):
    del species
    idx_all = jnp.concatenate([idx0, idx1, idx2, idx3]).astype(jnp.int32)
    idx3d = idx_all.reshape(NW, NCH, CH)
    xg = _sc_gather(embedding, idx3d)
    o = _mlp(
        xg,
        W1,
        b1.reshape(S, 1, D_H),
        W2,
        b2.reshape(S, 1, D_H),
        W3,
        b3.reshape(S, 1, D_OUT),
    )
    return _sc_scatter(o, idx3d)

# --- scband reference (transcript-rebuilt; emitter-appended) ---
"""Pipeline reference for scband-species-index-net-57750130262456 (READ-ONLY COPY).

The authoritative reference and input builder live on the scoring server;
editing this copy changes nothing except your own understanding.
"""

import jax, jax.numpy as jnp
import numpy as np

N = 32768
S = 4
D_IN = 256
D_H = 512
D_OUT = 256


def setup_inputs(seed: int = 0) -> dict:
    key = jax.random.key(seed)
    ks = jax.random.split(key, 12)
    embedding = jax.random.normal(ks[0], (N, D_IN), dtype=jnp.float32)
    species = jax.random.randint(ks[1], (N,), 0, S)
    # disjoint species index partition (as produced by a SPECIES_INDEXER preprocessing step)
    perm = jax.random.permutation(ks[2], N)
    chunk = N // S
    idx0 = perm[0 * chunk:1 * chunk]
    idx1 = perm[1 * chunk:2 * chunk]
    idx2 = perm[2 * chunk:3 * chunk]
    idx3 = perm[3 * chunk:4 * chunk]
    # species-specific MLP weights (one stack entry per species), lecun-normal-like scaling
    W1 = jax.random.normal(ks[3], (S, D_IN, D_H), dtype=jnp.float32) / np.sqrt(D_IN)
    b1 = jnp.zeros((S, D_H), dtype=jnp.float32)
    W2 = jax.random.normal(ks[4], (S, D_H, D_H), dtype=jnp.float32) / np.sqrt(D_H)
    b2 = jnp.zeros((S, D_H), dtype=jnp.float32)
    W3 = jax.random.normal(ks[5], (S, D_H, D_OUT), dtype=jnp.float32) / np.sqrt(D_H)
    b3 = jnp.zeros((S, D_OUT), dtype=jnp.float32)
    return {
        "species": species,
        "embedding": embedding,
        "idx0": idx0,
        "idx1": idx1,
        "idx2": idx2,
        "idx3": idx3,
        "W1": W1,
        "b1": b1,
        "W2": W2,
        "b2": b2,
        "W3": W3,
        "b3": b3,
    }


def reference(species, embedding, idx0, idx1, idx2, idx3, W1, b1, W2, b2, W3, b3):
    idx_list = [idx0, idx1, idx2, idx3]
    outputs = []
    indices = []
    for s in range(S):
        idx = idx_list[s]
        x = embedding[idx]  # gather atoms of this species
        h = jax.nn.silu(x @ W1[s] + b1[s])
        h = jax.nn.silu(h @ W2[s] + b2[s])
        o = h @ W3[s] + b3[s]
        outputs.append(o)
        indices.append(idx)
    o_all = jnp.concatenate(outputs, axis=0)
    idx_all = jnp.concatenate(indices, axis=0)
    out = jnp.zeros((species.shape[0], o_all.shape[-1]), dtype=o_all.dtype).at[idx_all].set(o_all, mode="drop")
    return out


if False:  # reference __main__ guard neutralized (emitter)
    inp = setup_inputs()
    out = reference(**inp)
    print(out.shape, out.dtype)

if __name__ == "__main__":
    import jax
    _d = setup_inputs()
    print(jax.jit(kernel)(*tuple(_d.values())))

</pallas_src>

<mosaic_0001>
#map = affine_map<(d0, d1) -> (0, 0)>
#map1 = affine_map<(d0, d1) -> (0, 0, 0)>
module attributes {stable_mosaic.version = 14 : i64} {
  func.func @_sc_gather(%arg0: i32, %arg1: i32, %arg2: memref<32768x256xf32, #tpu.memory_space<hbm>>, %arg3: memref<32x8x128xi32, #tpu.memory_space<hbm>>, %arg4: memref<32768x256xf32, #tpu.memory_space<hbm>>, %arg5: memref<8x128xi32, #tpu.memory_space<vmem>>, %arg6: memref<128x256xf32, #tpu.memory_space<vmem>>, %arg7: memref<128x256xf32, #tpu.memory_space<vmem>>, %arg8: memref<!tpu.dma_semaphore, #tpu.memory_space<semaphore_mem>>, %arg9: memref<!tpu.dma_semaphore, #tpu.memory_space<semaphore_mem>>) attributes {dimension_semantics = [#tpu.dimension_semantics<core_parallel>, #tpu.dimension_semantics<subcore_parallel>], iteration_bounds = array<i64: 2, 16>, scalar_prefetch = 0 : i64, scratch_operands = 5 : i64, tpu.core_type = #tpu.core_type<sc_vector_subcore>, window_params = [{transform_indices = #map}, {transform_indices = #map1}, {transform_indices = #map}]} {
    %mul3A = arith.constant 2 : i32
    %mul3A_0 = arith.muli %arg1, %mul3A : i32
    %add3A = arith.addi %mul3A_0, %arg0 : i32
    %mul3A_1 = arith.constant 1024 : i32
    %mul3A_2 = arith.muli %add3A, %mul3A_1 : i32
    "tpu.region"() ({
      %run_scoped3A = tpu.sem_alloc : memref<!tpu.dma_semaphore, #tpu.memory_space<semaphore_mem>>
      %dma_start3A_129 = arith.constant 0 : i32
      %dma_start3A_130 = arith.constant 0 : i32
      %dma_start3A_131 = tpu.memref_slice %arg3[%add3A, %dma_start3A_129, %dma_start3A_130] : memref<32x8x128xi32, #tpu.memory_space<hbm>> -> memref<1x8x128xi32, #tpu.memory_space<hbm>>
      %dma_start3A_132 = tpu.memref_squeeze %dma_start3A_131 : memref<1x8x128xi32, #tpu.memory_space<hbm>> -> memref<8x128xi32, #tpu.memory_space<hbm>>
      %dma_start3A_133 = arith.constant 0 : i32
      %dma_start3A_134 = arith.constant 0 : i32
      %dma_start3A_135 = tpu.memref_slice %arg3[%add3A, %dma_start3A_133, %dma_start3A_134] : memref<32x8x128xi32, #tpu.memory_space<hbm>> -> memref<1x8x128xi32, #tpu.memory_space<hbm>>
      %dma_start3A_136 = tpu.memref_squeeze %dma_start3A_135 : memref<1x8x128xi32, #tpu.memory_space<hbm>> -> memref<8x128xi32, #tpu.memory_space<hbm>>
      tpu.enqueue_dma source(%dma_start3A_136 : memref<8x128xi32, #tpu.memory_space<hbm>>) target(%arg5 : memref<8x128xi32, #tpu.memory_space<vmem>>) target_semaphore(%run_scoped3A : memref<!tpu.dma_semaphore, #tpu.memory_space<semaphore_mem>>)
      %dma_wait3A_137 = arith.constant 0 : i32
      %dma_wait3A_138 = arith.constant 0 : i32
      %dma_wait3A_139 = tpu.memref_slice %arg3[%add3A, %dma_wait3A_137, %dma_wait3A_138] : memref<32x8x128xi32, #tpu.memory_space<hbm>> -> memref<1x8x128xi32, #tpu.memory_space<hbm>>
      %dma_wait3A_140 = tpu.memref_squeeze %dma_wait3A_139 : memref<1x8x128xi32, #tpu.memory_space<hbm>> -> memref<8x128xi32, #tpu.memory_space<hbm>>
      %dma_wait3A_141 = arith.constant 0 : i32
      %dma_wait3A_142 = arith.constant 0 : i32
      %dma_wait3A_143 = tpu.memref_slice %arg3[%add3A, %dma_wait3A_141, %dma_wait3A_142] : memref<32x8x128xi32, #tpu.memory_space<hbm>> -> memref<1x8x128xi32, #tpu.memory_space<hbm>>
      %dma_wait3A_144 = tpu.memref_squeeze %dma_wait3A_143 : memref<1x8x128xi32, #tpu.memory_space<hbm>> -> memref<8x128xi32, #tpu.memory_space<hbm>>
      tpu.wait_dma2 semaphore(%run_scoped3A : memref<!tpu.dma_semaphore, #tpu.memory_space<semaphore_mem>>) src(%dma_wait3A_144 : memref<8x128xi32, #tpu.memory_space<hbm>>) dst(%arg5 : memref<8x128xi32, #tpu.memory_space<vmem>>)
      tpu.yield
    }) : () -> ()
    %dma_start3A = arith.constant 0 : i32
    %dma_start3A_3 = arith.constant 0 : i32
    %dma_start3A_4 = tpu.memref_slice %arg5[%dma_start3A, %dma_start3A_3] : memref<8x128xi32, #tpu.memory_space<vmem>> -> memref<1x128xi32, #tpu.memory_space<vmem>>
    %dma_start3A_5 = tpu.memref_squeeze %dma_start3A_4 : memref<1x128xi32, #tpu.memory_space<vmem>> -> memref<128xi32, #tpu.memory_space<vmem>>
    %dma_start3A_6 = arith.constant 0 : i32
    %dma_start3A_7 = arith.constant 0 : i32
    %dma_start3A_8 = tpu.memref_slice %arg2[%dma_start3A_6, %dma_start3A_7] : memref<32768x256xf32, #tpu.memory_space<hbm>> -> memref<32768x256xf32, #tpu.memory_space<hbm>>
    tpu.enqueue_indirect_dma source(%dma_start3A_8 : memref<32768x256xf32, #tpu.memory_space<hbm>>) target(%arg6 : memref<128x256xf32, #tpu.memory_space<vmem>>) offsets(%dma_start3A_5 : memref<128xi32, #tpu.memory_space<vmem>>) semaphore(%arg8 : memref<!tpu.dma_semaphore, #tpu.memory_space<semaphore_mem>>)
    %dma_start3A_9 = arith.constant 1 : i32
    %dma_start3A_10 = arith.constant 0 : i32
    %dma_start3A_11 = tpu.memref_slice %arg5[%dma_start3A_9, %dma_start3A_10] : memref<8x128xi32, #tpu.memory_space<vmem>> -> memref<1x128xi32, #tpu.memory_space<vmem>>
    %dma_start3A_12 = tpu.memref_squeeze %dma_start3A_11 : memref<1x128xi32, #tpu.memory_space<vmem>> -> memref<128xi32, #tpu.memory_space<vmem>>
    %dma_start3A_13 = arith.constant 0 : i32
    %dma_start3A_14 = arith.constant 0 : i32
    %dma_start3A_15 = tpu.memref_slice %arg2[%dma_start3A_13, %dma_start3A_14] : memref<32768x256xf32, #tpu.memory_space<hbm>> -> memref<32768x256xf32, #tpu.memory_space<hbm>>
    tpu.enqueue_indirect_dma source(%dma_start3A_15 : memref<32768x256xf32, #tpu.memory_space<hbm>>) target(%arg7 : memref<128x256xf32, #tpu.memory_space<vmem>>) offsets(%dma_start3A_12 : memref<128xi32, #tpu.memory_space<vmem>>) semaphore(%arg9 : memref<!tpu.dma_semaphore, #tpu.memory_space<semaphore_mem>>)
    %dma_wait3A = arith.constant 0 : i32
    %dma_wait3A_16 = arith.constant 0 : i32
    %dma_wait3A_17 = tpu.memref_slice %arg5[%dma_wait3A, %dma_wait3A_16] : memref<8x128xi32, #tpu.memory_space<vmem>> -> memref<1x128xi32, #tpu.memory_space<vmem>>
    %dma_wait3A_18 = tpu.memref_squeeze %dma_wait3A_17 : memref<1x128xi32, #tpu.memory_space<vmem>> -> memref<128xi32, #tpu.memory_space<vmem>>
    %dma_wait3A_19 = arith.constant 0 : i32
    %dma_wait3A_20 = arith.constant 0 : i32
    %dma_wait3A_21 = tpu.memref_slice %arg2[%dma_wait3A_19, %dma_wait3A_20] : memref<32768x256xf32, #tpu.memory_space<hbm>> -> memref<32768x256xf32, #tpu.memory_space<hbm>>
    tpu.wait_indirect_dma semaphore(%arg8 : memref<!tpu.dma_semaphore, #tpu.memory_space<semaphore_mem>>) src(%dma_wait3A_21 : memref<32768x256xf32, #tpu.memory_space<hbm>>) dst(%arg6 : memref<128x256xf32, #tpu.memory_space<vmem>>)
    %add3A_22 = arith.constant 0 : i32
    %add3A_23 = arith.addi %mul3A_2, %add3A_22 : i32
    "tpu.region"() ({
      %run_scoped3A = tpu.sem_alloc : memref<!tpu.dma_semaphore, #tpu.memory_space<semaphore_mem>>
      %dma_start3A_129 = arith.constant 0 : i32
      %dma_start3A_130 = tpu.memref_slice %arg4[%add3A_23, %dma_start3A_129] : memref<32768x256xf32, #tpu.memory_space<hbm>> -> memref<128x256xf32, #tpu.memory_space<hbm>>
      %dma_start3A_131 = arith.constant 0 : i32
      %dma_start3A_132 = tpu.memref_slice %arg4[%add3A_23, %dma_start3A_131] : memref<32768x256xf32, #tpu.memory_space<hbm>> -> memref<128x256xf32, #tpu.memory_space<hbm>>
      tpu.enqueue_dma source(%arg6 : memref<128x256xf32, #tpu.memory_space<vmem>>) target(%dma_start3A_132 : memref<128x256xf32, #tpu.memory_space<hbm>>) target_semaphore(%run_scoped3A : memref<!tpu.dma_semaphore, #tpu.memory_space<semaphore_mem>>)
      %dma_wait3A_133 = arith.constant 0 : i32
      %dma_wait3A_134 = tpu.memref_slice %arg4[%add3A_23, %dma_wait3A_133] : memref<32768x256xf32, #tpu.memory_space<hbm>> -> memref<128x256xf32, #tpu.memory_space<hbm>>
      %dma_wait3A_135 = arith.constant 0 : i32
      %dma_wait3A_136 = tpu.memref_slice %arg4[%add3A_23, %dma_wait3A_135] : memref<32768x256xf32, #tpu.memory_space<hbm>> -> memref<128x256xf32, #tpu.memory_space<hbm>>
      tpu.wait_dma2 semaphore(%run_scoped3A : memref<!tpu.dma_semaphore, #tpu.memory_space<semaphore_mem>>) src(%arg6 : memref<128x256xf32, #tpu.memory_space<vmem>>) dst(%dma_wait3A_136 : memref<128x256xf32, #tpu.memory_space<hbm>>)
      tpu.yield
    }) : () -> ()
    %dma_start3A_24 = arith.constant 2 : i32
    %dma_start3A_25 = arith.constant 0 : i32
    %dma_start3A_26 = tpu.memref_slice %arg5[%dma_start3A_24, %dma_start3A_25] : memref<8x128xi32, #tpu.memory_space<vmem>> -> memref<1x128xi32, #tpu.memory_space<vmem>>
    %dma_start3A_27 = tpu.memref_squeeze %dma_start3A_26 : memref<1x128xi32, #tpu.memory_space<vmem>> -> memref<128xi32, #tpu.memory_space<vmem>>
    %dma_start3A_28 = arith.constant 0 : i32
    %dma_start3A_29 = arith.constant 0 : i32
    %dma_start3A_30 = tpu.memref_slice %arg2[%dma_start3A_28, %dma_start3A_29] : memref<32768x256xf32, #tpu.memory_space<hbm>> -> memref<32768x256xf32, #tpu.memory_space<hbm>>
    tpu.enqueue_indirect_dma source(%dma_start3A_30 : memref<32768x256xf32, #tpu.memory_space<hbm>>) target(%arg6 : memref<128x256xf32, #tpu.memory_space<vmem>>) offsets(%dma_start3A_27 : memref<128xi32, #tpu.memory_space<vmem>>) semaphore(%arg8 : memref<!tpu.dma_semaphore, #tpu.memory_space<semaphore_mem>>)
    %dma_wait3A_31 = arith.constant 1 : i32
    %dma_wait3A_32 = arith.constant 0 : i32
    %dma_wait3A_33 = tpu.memref_slice %arg5[%dma_wait3A_31, %dma_wait3A_32] : memref<8x128xi32, #tpu.memory_space<vmem>> -> memref<1x128xi32, #tpu.memory_space<vmem>>
    %dma_wait3A_34 = tpu.memref_squeeze %dma_wait3A_33 : memref<1x128xi32, #tpu.memory_space<vmem>> -> memref<128xi32, #tpu.memory_space<vmem>>
    %dma_wait3A_35 = arith.constant 0 : i32
    %dma_wait3A_36 = arith.constant 0 : i32
    %dma_wait3A_37 = tpu.memref_slice %arg2[%dma_wait3A_35, %dma_wait3A_36] : memref<32768x256xf32, #tpu.memory_space<hbm>> -> memref<32768x256xf32, #tpu.memory_space<hbm>>
    tpu.wait_indirect_dma semaphore(%arg9 : memref<!tpu.dma_semaphore, #tpu.memory_space<semaphore_mem>>) src(%dma_wait3A_37 : memref<32768x256xf32, #tpu.memory_space<hbm>>) dst(%arg7 : memref<128x256xf32, #tpu.memory_space<vmem>>)
    %add3A_38 = arith.constant 128 : i32
    %add3A_39 = arith.addi %mul3A_2, %add3A_38 : i32
    "tpu.region"() ({
      %run_scoped3A = tpu.sem_alloc : memref<!tpu.dma_semaphore, #tpu.memory_space<semaphore_mem>>
      %dma_start3A_129 = arith.constant 0 : i32
      %dma_start3A_130 = tpu.memref_slice %arg4[%add3A_39, %dma_start3A_129] : memref<32768x256xf32, #tpu.memory_space<hbm>> -> memref<128x256xf32, #tpu.memory_space<hbm>>
      %dma_start3A_131 = arith.constant 0 : i32
      %dma_start3A_132 = tpu.memref_slice %arg4[%add3A_39, %dma_start3A_131] : memref<32768x256xf32, #tpu.memory_space<hbm>> -> memref<128x256xf32, #tpu.memory_space<hbm>>
      tpu.enqueue_dma source(%arg7 : memref<128x256xf32, #tpu.memory_space<vmem>>) target(%dma_start3A_132 : memref<128x256xf32, #tpu.memory_space<hbm>>) target_semaphore(%run_scoped3A : memref<!tpu.dma_semaphore, #tpu.memory_space<semaphore_mem>>)
      %dma_wait3A_133 = arith.constant 0 : i32
      %dma_wait3A_134 = tpu.memref_slice %arg4[%add3A_39, %dma_wait3A_133] : memref<32768x256xf32, #tpu.memory_space<hbm>> -> memref<128x256xf32, #tpu.memory_space<hbm>>
      %dma_wait3A_135 = arith.constant 0 : i32
      %dma_wait3A_136 = tpu.memref_slice %arg4[%add3A_39, %dma_wait3A_135] : memref<32768x256xf32, #tpu.memory_space<hbm>> -> memref<128x256xf32, #tpu.memory_space<hbm>>
      tpu.wait_dma2 semaphore(%run_scoped3A : memref<!tpu.dma_semaphore, #tpu.memory_space<semaphore_mem>>) src(%arg7 : memref<128x256xf32, #tpu.memory_space<vmem>>) dst(%dma_wait3A_136 : memref<128x256xf32, #tpu.memory_space<hbm>>)
      tpu.yield
    }) : () -> ()
    %dma_start3A_40 = arith.constant 3 : i32
    %dma_start3A_41 = arith.constant 0 : i32
    %dma_start3A_42 = tpu.memref_slice %arg5[%dma_start3A_40, %dma_start3A_41] : memref<8x128xi32, #tpu.memory_space<vmem>> -> memref<1x128xi32, #tpu.memory_space<vmem>>
    %dma_start3A_43 = tpu.memref_squeeze %dma_start3A_42 : memref<1x128xi32, #tpu.memory_space<vmem>> -> memref<128xi32, #tpu.memory_space<vmem>>
    %dma_start3A_44 = arith.constant 0 : i32
    %dma_start3A_45 = arith.constant 0 : i32
    %dma_start3A_46 = tpu.memref_slice %arg2[%dma_start3A_44, %dma_start3A_45] : memref<32768x256xf32, #tpu.memory_space<hbm>> -> memref<32768x256xf32, #tpu.memory_space<hbm>>
    tpu.enqueue_indirect_dma source(%dma_start3A_46 : memref<32768x256xf32, #tpu.memory_space<hbm>>) target(%arg7 : memref<128x256xf32, #tpu.memory_space<vmem>>) offsets(%dma_start3A_43 : memref<128xi32, #tpu.memory_space<vmem>>) semaphore(%arg9 : memref<!tpu.dma_semaphore, #tpu.memory_space<semaphore_mem>>)
    %dma_wait3A_47 = arith.constant 2 : i32
    %dma_wait3A_48 = arith.constant 0 : i32
    %dma_wait3A_49 = tpu.memref_slice %arg5[%dma_wait3A_47, %dma_wait3A_48] : memref<8x128xi32, #tpu.memory_space<vmem>> -> memref<1x128xi32, #tpu.memory_space<vmem>>
    %dma_wait3A_50 = tpu.memref_squeeze %dma_wait3A_49 : memref<1x128xi32, #tpu.memory_space<vmem>> -> memref<128xi32, #tpu.memory_space<vmem>>
    %dma_wait3A_51 = arith.constant 0 : i32
    %dma_wait3A_52 = arith.constant 0 : i32
    %dma_wait3A_53 = tpu.memref_slice %arg2[%dma_wait3A_51, %dma_wait3A_52] : memref<32768x256xf32, #tpu.memory_space<hbm>> -> memref<32768x256xf32, #tpu.memory_space<hbm>>
    tpu.wait_indirect_dma semaphore(%arg8 : memref<!tpu.dma_semaphore, #tpu.memory_space<semaphore_mem>>) src(%dma_wait3A_53 : memref<32768x256xf32, #tpu.memory_space<hbm>>) dst(%arg6 : memref<128x256xf32, #tpu.memory_space<vmem>>)
    %add3A_54 = arith.constant 256 : i32
    %add3A_55 = arith.addi %mul3A_2, %add3A_54 : i32
    "tpu.region"() ({
      %run_scoped3A = tpu.sem_alloc : memref<!tpu.dma_semaphore, #tpu.memory_space<semaphore_mem>>
      %dma_start3A_129 = arith.constant 0 : i32
      %dma_start3A_130 = tpu.memref_slice %arg4[%add3A_55, %dma_start3A_129] : memref<32768x256xf32, #tpu.memory_space<hbm>> -> memref<128x256xf32, #tpu.memory_space<hbm>>
      %dma_start3A_131 = arith.constant 0 : i32
      %dma_start3A_132 = tpu.memref_slice %arg4[%add3A_55, %dma_start3A_131] : memref<32768x256xf32, #tpu.memory_space<hbm>> -> memref<128x256xf32, #tpu.memory_space<hbm>>
      tpu.enqueue_dma source(%arg6 : memref<128x256xf32, #tpu.memory_space<vmem>>) target(%dma_start3A_132 : memref<128x256xf32, #tpu.memory_space<hbm>>) target_semaphore(%run_scoped3A : memref<!tpu.dma_semaphore, #tpu.memory_space<semaphore_mem>>)
      %dma_wait3A_133 = arith.constant 0 : i32
      %dma_wait3A_134 = tpu.memref_slice %arg4[%add3A_55, %dma_wait3A_133] : memref<32768x256xf32, #tpu.memory_space<hbm>> -> memref<128x256xf32, #tpu.memory_space<hbm>>
      %dma_wait3A_135 = arith.constant 0 : i32
      %dma_wait3A_136 = tpu.memref_slice %arg4[%add3A_55, %dma_wait3A_135] : memref<32768x256xf32, #tpu.memory_space<hbm>> -> memref<128x256xf32, #tpu.memory_space<hbm>>
      tpu.wait_dma2 semaphore(%run_scoped3A : memref<!tpu.dma_semaphore, #tpu.memory_space<semaphore_mem>>) src(%arg6 : memref<128x256xf32, #tpu.memory_space<vmem>>) dst(%dma_wait3A_136 : memref<128x256xf32, #tpu.memory_space<hbm>>)
      tpu.yield
    }) : () -> ()
    %dma_start3A_56 = arith.constant 4 : i32
    %dma_start3A_57 = arith.constant 0 : i32
    %dma_start3A_58 = tpu.memref_slice %arg5[%dma_start3A_56, %dma_start3A_57] : memref<8x128xi32, #tpu.memory_space<vmem>> -> memref<1x128xi32, #tpu.memory_space<vmem>>
    %dma_start3A_59 = tpu.memref_squeeze %dma_start3A_58 : memref<1x128xi32, #tpu.memory_space<vmem>> -> memref<128xi32, #tpu.memory_space<vmem>>
    %dma_start3A_60 = arith.constant 0 : i32
    %dma_start3A_61 = arith.constant 0 : i32
    %dma_start3A_62 = tpu.memref_slice %arg2[%dma_start3A_60, %dma_start3A_61] : memref<32768x256xf32, #tpu.memory_space<hbm>> -> memref<32768x256xf32, #tpu.memory_space<hbm>>
    tpu.enqueue_indirect_dma source(%dma_start3A_62 : memref<32768x256xf32, #tpu.memory_space<hbm>>) target(%arg6 : memref<128x256xf32, #tpu.memory_space<vmem>>) offsets(%dma_start3A_59 : memref<128xi32, #tpu.memory_space<vmem>>) semaphore(%arg8 : memref<!tpu.dma_semaphore, #tpu.memory_space<semaphore_mem>>)
    %dma_wait3A_63 = arith.constant 3 : i32
    %dma_wait3A_64 = arith.constant 0 : i32
    %dma_wait3A_65 = tpu.memref_slice %arg5[%dma_wait3A_63, %dma_wait3A_64] : memref<8x128xi32, #tpu.memory_space<vmem>> -> memref<1x128xi32, #tpu.memory_space<vmem>>
    %dma_wait3A_66 = tpu.memref_squeeze %dma_wait3A_65 : memref<1x128xi32, #tpu.memory_space<vmem>> -> memref<128xi32, #tpu.memory_space<vmem>>
    %dma_wait3A_67 = arith.constant 0 : i32
    %dma_wait3A_68 = arith.constant 0 : i32
    %dma_wait3A_69 = tpu.memref_slice %arg2[%dma_wait3A_67, %dma_wait3A_68] : memref<32768x256xf32, #tpu.memory_space<hbm>> -> memref<32768x256xf32, #tpu.memory_space<hbm>>
    tpu.wait_indirect_dma semaphore(%arg9 : memref<!tpu.dma_semaphore, #tpu.memory_space<semaphore_mem>>) src(%dma_wait3A_69 : memref<32768x256xf32, #tpu.memory_space<hbm>>) dst(%arg7 : memref<128x256xf32, #tpu.memory_space<vmem>>)
    %add3A_70 = arith.constant 384 : i32
    %add3A_71 = arith.addi %mul3A_2, %add3A_70 : i32
    "tpu.region"() ({
      %run_scoped3A = tpu.sem_alloc : memref<!tpu.dma_semaphore, #tpu.memory_space<semaphore_mem>>
      %dma_start3A_129 = arith.constant 0 : i32
      %dma_start3A_130 = tpu.memref_slice %arg4[%add3A_71, %dma_start3A_129] : memref<32768x256xf32, #tpu.memory_space<hbm>> -> memref<128x256xf32, #tpu.memory_space<hbm>>
      %dma_start3A_131 = arith.constant 0 : i32
      %dma_start3A_132 = tpu.memref_slice %arg4[%add3A_71, %dma_start3A_131] : memref<32768x256xf32, #tpu.memory_space<hbm>> -> memref<128x256xf32, #tpu.memory_space<hbm>>
      tpu.enqueue_dma source(%arg7 : memref<128x256xf32, #tpu.memory_space<vmem>>) target(%dma_start3A_132 : memref<128x256xf32, #tpu.memory_space<hbm>>) target_semaphore(%run_scoped3A : memref<!tpu.dma_semaphore, #tpu.memory_space<semaphore_mem>>)
      %dma_wait3A_133 = arith.constant 0 : i32
      %dma_wait3A_134 = tpu.memref_slice %arg4[%add3A_71, %dma_wait3A_133] : memref<32768x256xf32, #tpu.memory_space<hbm>> -> memref<128x256xf32, #tpu.memory_space<hbm>>
      %dma_wait3A_135 = arith.constant 0 : i32
      %dma_wait3A_136 = tpu.memref_slice %arg4[%add3A_71, %dma_wait3A_135] : memref<32768x256xf32, #tpu.memory_space<hbm>> -> memref<128x256xf32, #tpu.memory_space<hbm>>
      tpu.wait_dma2 semaphore(%run_scoped3A : memref<!tpu.dma_semaphore, #tpu.memory_space<semaphore_mem>>) src(%arg7 : memref<128x256xf32, #tpu.memory_space<vmem>>) dst(%dma_wait3A_136 : memref<128x256xf32, #tpu.memory_space<hbm>>)
      tpu.yield
    }) : () -> ()
    %dma_start3A_72 = arith.constant 5 : i32
    %dma_start3A_73 = arith.constant 0 : i32
    %dma_start3A_74 = tpu.memref_slice %arg5[%dma_start3A_72, %dma_start3A_73] : memref<8x128xi32, #tpu.memory_space<vmem>> -> memref<1x128xi32, #tpu.memory_space<vmem>>
    %dma_start3A_75 = tpu.memref_squeeze %dma_start3A_74 : memref<1x128xi32, #tpu.memory_space<vmem>> -> memref<128xi32, #tpu.memory_space<vmem>>
    %dma_start3A_76 = arith.constant 0 : i32
    %dma_start3A_77 = arith.constant 0 : i32
    %dma_start3A_78 = tpu.memref_slice %arg2[%dma_start3A_76, %dma_start3A_77] : memref<32768x256xf32, #tpu.memory_space<hbm>> -> memref<32768x256xf32, #tpu.memory_space<hbm>>
    tpu.enqueue_indirect_dma source(%dma_start3A_78 : memref<32768x256xf32, #tpu.memory_space<hbm>>) target(%arg7 : memref<128x256xf32, #tpu.memory_space<vmem>>) offsets(%dma_start3A_75 : memref<128xi32, #tpu.memory_space<vmem>>) semaphore(%arg9 : memref<!tpu.dma_semaphore, #tpu.memory_space<semaphore_mem>>)
    %dma_wait3A_79 = arith.constant 4 : i32
    %dma_wait3A_80 = arith.constant 0 : i32
    %dma_wait3A_81 = tpu.memref_slice %arg5[%dma_wait3A_79, %dma_wait3A_80] : memref<8x128xi32, #tpu.memory_space<vmem>> -> memref<1x128xi32, #tpu.memory_space<vmem>>
    %dma_wait3A_82 = tpu.memref_squeeze %dma_wait3A_81 : memref<1x128xi32, #tpu.memory_space<vmem>> -> memref<128xi32, #tpu.memory_space<vmem>>
    %dma_wait3A_83 = arith.constant 0 : i32
    %dma_wait3A_84 = arith.constant 0 : i32
    %dma_wait3A_85 = tpu.memref_slice %arg2[%dma_wait3A_83, %dma_wait3A_84] : memref<32768x256xf32, #tpu.memory_space<hbm>> -> memref<32768x256xf32, #tpu.memory_space<hbm>>
    tpu.wait_indirect_dma semaphore(%arg8 : memref<!tpu.dma_semaphore, #tpu.memory_space<semaphore_mem>>) src(%dma_wait3A_85 : memref<32768x256xf32, #tpu.memory_space<hbm>>) dst(%arg6 : memref<128x256xf32, #tpu.memory_space<vmem>>)
    %add3A_86 = arith.constant 512 : i32
    %add3A_87 = arith.addi %mul3A_2, %add3A_86 : i32
    "tpu.region"() ({
      %run_scoped3A = tpu.sem_alloc : memref<!tpu.dma_semaphore, #tpu.memory_space<semaphore_mem>>
      %dma_start3A_129 = arith.constant 0 : i32
      %dma_start3A_130 = tpu.memref_slice %arg4[%add3A_87, %dma_start3A_129] : memref<32768x256xf32, #tpu.memory_space<hbm>> -> memref<128x256xf32, #tpu.memory_space<hbm>>
      %dma_start3A_131 = arith.constant 0 : i32
      %dma_start3A_132 = tpu.memref_slice %arg4[%add3A_87, %dma_start3A_131] : memref<32768x256xf32, #tpu.memory_space<hbm>> -> memref<128x256xf32, #tpu.memory_space<hbm>>
      tpu.enqueue_dma source(%arg6 : memref<128x256xf32, #tpu.memory_space<vmem>>) target(%dma_start3A_132 : memref<128x256xf32, #tpu.memory_space<hbm>>) target_semaphore(%run_scoped3A : memref<!tpu.dma_semaphore, #tpu.memory_space<semaphore_mem>>)
      %dma_wait3A_133 = arith.constant 0 : i32
      %dma_wait3A_134 = tpu.memref_slice %arg4[%add3A_87, %dma_wait3A_133] : memref<32768x256xf32, #tpu.memory_space<hbm>> -> memref<128x256xf32, #tpu.memory_space<hbm>>
      %dma_wait3A_135 = arith.constant 0 : i32
      %dma_wait3A_136 = tpu.memref_slice %arg4[%add3A_87, %dma_wait3A_135] : memref<32768x256xf32, #tpu.memory_space<hbm>> -> memref<128x256xf32, #tpu.memory_space<hbm>>
      tpu.wait_dma2 semaphore(%run_scoped3A : memref<!tpu.dma_semaphore, #tpu.memory_space<semaphore_mem>>) src(%arg6 : memref<128x256xf32, #tpu.memory_space<vmem>>) dst(%dma_wait3A_136 : memref<128x256xf32, #tpu.memory_space<hbm>>)
      tpu.yield
    }) : () -> ()
    %dma_start3A_88 = arith.constant 6 : i32
    %dma_start3A_89 = arith.constant 0 : i32
    %dma_start3A_90 = tpu.memref_slice %arg5[%dma_start3A_88, %dma_start3A_89] : memref<8x128xi32, #tpu.memory_space<vmem>> -> memref<1x128xi32, #tpu.memory_space<vmem>>
    %dma_start3A_91 = tpu.memref_squeeze %dma_start3A_90 : memref<1x128xi32, #tpu.memory_space<vmem>> -> memref<128xi32, #tpu.memory_space<vmem>>
    %dma_start3A_92 = arith.constant 0 : i32
    %dma_start3A_93 = arith.constant 0 : i32
    %dma_start3A_94 = tpu.memref_slice %arg2[%dma_start3A_92, %dma_start3A_93] : memref<32768x256xf32, #tpu.memory_space<hbm>> -> memref<32768x256xf32, #tpu.memory_space<hbm>>
    tpu.enqueue_indirect_dma source(%dma_start3A_94 : memref<32768x256xf32, #tpu.memory_space<hbm>>) target(%arg6 : memref<128x256xf32, #tpu.memory_space<vmem>>) offsets(%dma_start3A_91 : memref<128xi32, #tpu.memory_space<vmem>>) semaphore(%arg8 : memref<!tpu.dma_semaphore, #tpu.memory_space<semaphore_mem>>)
    %dma_wait3A_95 = arith.constant 5 : i32
    %dma_wait3A_96 = arith.constant 0 : i32
    %dma_wait3A_97 = tpu.memref_slice %arg5[%dma_wait3A_95, %dma_wait3A_96] : memref<8x128xi32, #tpu.memory_space<vmem>> -> memref<1x128xi32, #tpu.memory_space<vmem>>
    %dma_wait3A_98 = tpu.memref_squeeze %dma_wait3A_97 : memref<1x128xi32, #tpu.memory_space<vmem>> -> memref<128xi32, #tpu.memory_space<vmem>>
    %dma_wait3A_99 = arith.constant 0 : i32
    %dma_wait3A_100 = arith.constant 0 : i32
    %dma_wait3A_101 = tpu.memref_slice %arg2[%dma_wait3A_99, %dma_wait3A_100] : memref<32768x256xf32, #tpu.memory_space<hbm>> -> memref<32768x256xf32, #tpu.memory_space<hbm>>
    tpu.wait_indirect_dma semaphore(%arg9 : memref<!tpu.dma_semaphore, #tpu.memory_space<semaphore_mem>>) src(%dma_wait3A_101 : memref<32768x256xf32, #tpu.memory_space<hbm>>) dst(%arg7 : memref<128x256xf32, #tpu.memory_space<vmem>>)
    %add3A_102 = arith.constant 640 : i32
    %add3A_103 = arith.addi %mul3A_2, %add3A_102 : i32
    "tpu.region"() ({
      %run_scoped3A = tpu.sem_alloc : memref<!tpu.dma_semaphore, #tpu.memory_space<semaphore_mem>>
      %dma_start3A_129 = arith.constant 0 : i32
      %dma_start3A_130 = tpu.memref_slice %arg4[%add3A_103, %dma_start3A_129] : memref<32768x256xf32, #tpu.memory_space<hbm>> -> memref<128x256xf32, #tpu.memory_space<hbm>>
      %dma_start3A_131 = arith.constant 0 : i32
      %dma_start3A_132 = tpu.memref_slice %arg4[%add3A_103, %dma_start3A_131] : memref<32768x256xf32, #tpu.memory_space<hbm>> -> memref<128x256xf32, #tpu.memory_space<hbm>>
      tpu.enqueue_dma source(%arg7 : memref<128x256xf32, #tpu.memory_space<vmem>>) target(%dma_start3A_132 : memref<128x256xf32, #tpu.memory_space<hbm>>) target_semaphore(%run_scoped3A : memref<!tpu.dma_semaphore, #tpu.memory_space<semaphore_mem>>)
      %dma_wait3A_133 = arith.constant 0 : i32
      %dma_wait3A_134 = tpu.memref_slice %arg4[%add3A_103, %dma_wait3A_133] : memref<32768x256xf32, #tpu.memory_space<hbm>> -> memref<128x256xf32, #tpu.memory_space<hbm>>
      %dma_wait3A_135 = arith.constant 0 : i32
      %dma_wait3A_136 = tpu.memref_slice %arg4[%add3A_103, %dma_wait3A_135] : memref<32768x256xf32, #tpu.memory_space<hbm>> -> memref<128x256xf32, #tpu.memory_space<hbm>>
      tpu.wait_dma2 semaphore(%run_scoped3A : memref<!tpu.dma_semaphore, #tpu.memory_space<semaphore_mem>>) src(%arg7 : memref<128x256xf32, #tpu.memory_space<vmem>>) dst(%dma_wait3A_136 : memref<128x256xf32, #tpu.memory_space<hbm>>)
      tpu.yield
    }) : () -> ()
    %dma_start3A_104 = arith.constant 7 : i32
    %dma_start3A_105 = arith.constant 0 : i32
    %dma_start3A_106 = tpu.memref_slice %arg5[%dma_start3A_104, %dma_start3A_105] : memref<8x128xi32, #tpu.memory_space<vmem>> -> memref<1x128xi32, #tpu.memory_space<vmem>>
    %dma_start3A_107 = tpu.memref_squeeze %dma_start3A_106 : memref<1x128xi32, #tpu.memory_space<vmem>> -> memref<128xi32, #tpu.memory_space<vmem>>
    %dma_start3A_108 = arith.constant 0 : i32
    %dma_start3A_109 = arith.constant 0 : i32
    %dma_start3A_110 = tpu.memref_slice %arg2[%dma_start3A_108, %dma_start3A_109] : memref<32768x256xf32, #tpu.memory_space<hbm>> -> memref<32768x256xf32, #tpu.memory_space<hbm>>
    tpu.enqueue_indirect_dma source(%dma_start3A_110 : memref<32768x256xf32, #tpu.memory_space<hbm>>) target(%arg7 : memref<128x256xf32, #tpu.memory_space<vmem>>) offsets(%dma_start3A_107 : memref<128xi32, #tpu.memory_space<vmem>>) semaphore(%arg9 : memref<!tpu.dma_semaphore, #tpu.memory_space<semaphore_mem>>)
    %dma_wait3A_111 = arith.constant 6 : i32
    %dma_wait3A_112 = arith.constant 0 : i32
    %dma_wait3A_113 = tpu.memref_slice %arg5[%dma_wait3A_111, %dma_wait3A_112] : memref<8x128xi32, #tpu.memory_space<vmem>> -> memref<1x128xi32, #tpu.memory_space<vmem>>
    %dma_wait3A_114 = tpu.memref_squeeze %dma_wait3A_113 : memref<1x128xi32, #tpu.memory_space<vmem>> -> memref<128xi32, #tpu.memory_space<vmem>>
    %dma_wait3A_115 = arith.constant 0 : i32
    %dma_wait3A_116 = arith.constant 0 : i32
    %dma_wait3A_117 = tpu.memref_slice %arg2[%dma_wait3A_115, %dma_wait3A_116] : memref<32768x256xf32, #tpu.memory_space<hbm>> -> memref<32768x256xf32, #tpu.memory_space<hbm>>
    tpu.wait_indirect_dma semaphore(%arg8 : memref<!tpu.dma_semaphore, #tpu.memory_space<semaphore_mem>>) src(%dma_wait3A_117 : memref<32768x256xf32, #tpu.memory_space<hbm>>) dst(%arg6 : memref<128x256xf32, #tpu.memory_space<vmem>>)
    %add3A_118 = arith.constant 768 : i32
    %add3A_119 = arith.addi %mul3A_2, %add3A_118 : i32
    "tpu.region"() ({
      %run_scoped3A = tpu.sem_alloc : memref<!tpu.dma_semaphore, #tpu.memory_space<semaphore_mem>>
      %dma_start3A_129 = arith.constant 0 : i32
      %dma_start3A_130 = tpu.memref_slice %arg4[%add3A_119, %dma_start3A_129] : memref<32768x256xf32, #tpu.memory_space<hbm>> -> memref<128x256xf32, #tpu.memory_space<hbm>>
      %dma_start3A_131 = arith.constant 0 : i32
      %dma_start3A_132 = tpu.memref_slice %arg4[%add3A_119, %dma_start3A_131] : memref<32768x256xf32, #tpu.memory_space<hbm>> -> memref<128x256xf32, #tpu.memory_space<hbm>>
      tpu.enqueue_dma source(%arg6 : memref<128x256xf32, #tpu.memory_space<vmem>>) target(%dma_start3A_132 : memref<128x256xf32, #tpu.memory_space<hbm>>) target_semaphore(%run_scoped3A : memref<!tpu.dma_semaphore, #tpu.memory_space<semaphore_mem>>)
      %dma_wait3A_133 = arith.constant 0 : i32
      %dma_wait3A_134 = tpu.memref_slice %arg4[%add3A_119, %dma_wait3A_133] : memref<32768x256xf32, #tpu.memory_space<hbm>> -> memref<128x256xf32, #tpu.memory_space<hbm>>
      %dma_wait3A_135 = arith.constant 0 : i32
      %dma_wait3A_136 = tpu.memref_slice %arg4[%add3A_119, %dma_wait3A_135] : memref<32768x256xf32, #tpu.memory_space<hbm>> -> memref<128x256xf32, #tpu.memory_space<hbm>>
      tpu.wait_dma2 semaphore(%run_scoped3A : memref<!tpu.dma_semaphore, #tpu.memory_space<semaphore_mem>>) src(%arg6 : memref<128x256xf32, #tpu.memory_space<vmem>>) dst(%dma_wait3A_136 : memref<128x256xf32, #tpu.memory_space<hbm>>)
      tpu.yield
    }) : () -> ()
    %dma_wait3A_120 = arith.constant 7 : i32
    %dma_wait3A_121 = arith.constant 0 : i32
    %dma_wait3A_122 = tpu.memref_slice %arg5[%dma_wait3A_120, %dma_wait3A_121] : memref<8x128xi32, #tpu.memory_space<vmem>> -> memref<1x128xi32, #tpu.memory_space<vmem>>
    %dma_wait3A_123 = tpu.memref_squeeze %dma_wait3A_122 : memref<1x128xi32, #tpu.memory_space<vmem>> -> memref<128xi32, #tpu.memory_space<vmem>>
    %dma_wait3A_124 = arith.constant 0 : i32
    %dma_wait3A_125 = arith.constant 0 : i32
    %dma_wait3A_126 = tpu.memref_slice %arg2[%dma_wait3A_124, %dma_wait3A_125] : memref<32768x256xf32, #tpu.memory_space<hbm>> -> memref<32768x256xf32, #tpu.memory_space<hbm>>
    tpu.wait_indirect_dma semaphore(%arg9 : memref<!tpu.dma_semaphore, #tpu.memory_space<semaphore_mem>>) src(%dma_wait3A_126 : memref<32768x256xf32, #tpu.memory_space<hbm>>) dst(%arg7 : memref<128x256xf32, #tpu.memory_space<vmem>>)
    %add3A_127 = arith.constant 896 : i32
    %add3A_128 = arith.addi %mul3A_2, %add3A_127 : i32
    "tpu.region"() ({
      %run_scoped3A = tpu.sem_alloc : memref<!tpu.dma_semaphore, #tpu.memory_space<semaphore_mem>>
      %dma_start3A_129 = arith.constant 0 : i32
      %dma_start3A_130 = tpu.memref_slice %arg4[%add3A_128, %dma_start3A_129] : memref<32768x256xf32, #tpu.memory_space<hbm>> -> memref<128x256xf32, #tpu.memory_space<hbm>>
      %dma_start3A_131 = arith.constant 0 : i32
      %dma_start3A_132 = tpu.memref_slice %arg4[%add3A_128, %dma_start3A_131] : memref<32768x256xf32, #tpu.memory_space<hbm>> -> memref<128x256xf32, #tpu.memory_space<hbm>>
      tpu.enqueue_dma source(%arg7 : memref<128x256xf32, #tpu.memory_space<vmem>>) target(%dma_start3A_132 : memref<128x256xf32, #tpu.memory_space<hbm>>) target_semaphore(%run_scoped3A : memref<!tpu.dma_semaphore, #tpu.memory_space<semaphore_mem>>)
      %dma_wait3A_133 = arith.constant 0 : i32
      %dma_wait3A_134 = tpu.memref_slice %arg4[%add3A_128, %dma_wait3A_133] : memref<32768x256xf32, #tpu.memory_space<hbm>> -> memref<128x256xf32, #tpu.memory_space<hbm>>
      %dma_wait3A_135 = arith.constant 0 : i32
      %dma_wait3A_136 = tpu.memref_slice %arg4[%add3A_128, %dma_wait3A_135] : memref<32768x256xf32, #tpu.memory_space<hbm>> -> memref<128x256xf32, #tpu.memory_space<hbm>>
      tpu.wait_dma2 semaphore(%run_scoped3A : memref<!tpu.dma_semaphore, #tpu.memory_space<semaphore_mem>>) src(%arg7 : memref<128x256xf32, #tpu.memory_space<vmem>>) dst(%dma_wait3A_136 : memref<128x256xf32, #tpu.memory_space<hbm>>)
      tpu.yield
    }) : () -> ()
    return
  }
}

#map = affine_map<(d0, d1) -> (0, 0)>
#map1 = affine_map<(d0, d1) -> (0, 0, 0)>
module attributes {stable_mosaic.version = 14 : i64} {
  func.func @_sc_scatter(%arg0: i32, %arg1: i32, %arg2: memref<32768x256xf32, #tpu.memory_space<hbm>>, %arg3: memref<32x8x128xi32, #tpu.memory_space<hbm>>, %arg4: memref<32768x256xf32, #tpu.memory_space<hbm>>, %arg5: memref<8x128xi32, #tpu.memory_space<vmem>>, %arg6: memref<128x256xf32, #tpu.memory_space<vmem>>, %arg7: memref<128x256xf32, #tpu.memory_space<vmem>>, %arg8: memref<!tpu.dma_semaphore, #tpu.memory_space<semaphore_mem>>, %arg9: memref<!tpu.dma_semaphore, #tpu.memory_space<semaphore_mem>>) attributes {dimension_semantics = [#tpu.dimension_semantics<core_parallel>, #tpu.dimension_semantics<subcore_parallel>], iteration_bounds = array<i64: 2, 16>, scalar_prefetch = 0 : i64, scratch_operands = 5 : i64, tpu.core_type = #tpu.core_type<sc_vector_subcore>, window_params = [{transform_indices = #map}, {transform_indices = #map1}, {transform_indices = #map}]} {
    %mul3A = arith.constant 2 : i32
    %mul3A_0 = arith.muli %arg1, %mul3A : i32
    %add3A = arith.addi %mul3A_0, %arg0 : i32
    %mul3A_1 = arith.constant 1024 : i32
    %mul3A_2 = arith.muli %add3A, %mul3A_1 : i32
    "tpu.region"() ({
      %run_scoped3A = tpu.sem_alloc : memref<!tpu.dma_semaphore, #tpu.memory_space<semaphore_mem>>
      %dma_start3A_127 = arith.constant 0 : i32
      %dma_start3A_128 = arith.constant 0 : i32
      %dma_start3A_129 = tpu.memref_slice %arg3[%add3A, %dma_start3A_127, %dma_start3A_128] : memref<32x8x128xi32, #tpu.memory_space<hbm>> -> memref<1x8x128xi32, #tpu.memory_space<hbm>>
      %dma_start3A_130 = tpu.memref_squeeze %dma_start3A_129 : memref<1x8x128xi32, #tpu.memory_space<hbm>> -> memref<8x128xi32, #tpu.memory_space<hbm>>
      %dma_start3A_131 = arith.constant 0 : i32
      %dma_start3A_132 = arith.constant 0 : i32
      %dma_start3A_133 = tpu.memref_slice %arg3[%add3A, %dma_start3A_131, %dma_start3A_132] : memref<32x8x128xi32, #tpu.memory_space<hbm>> -> memref<1x8x128xi32, #tpu.memory_space<hbm>>
      %dma_start3A_134 = tpu.memref_squeeze %dma_start3A_133 : memref<1x8x128xi32, #tpu.memory_space<hbm>> -> memref<8x128xi32, #tpu.memory_space<hbm>>
      tpu.enqueue_dma source(%dma_start3A_134 : memref<8x128xi32, #tpu.memory_space<hbm>>) target(%arg5 : memref<8x128xi32, #tpu.memory_space<vmem>>) target_semaphore(%run_scoped3A : memref<!tpu.dma_semaphore, #tpu.memory_space<semaphore_mem>>)
      %dma_wait3A_135 = arith.constant 0 : i32
      %dma_wait3A_136 = arith.constant 0 : i32
      %dma_wait3A_137 = tpu.memref_slice %arg3[%add3A, %dma_wait3A_135, %dma_wait3A_136] : memref<32x8x128xi32, #tpu.memory_space<hbm>> -> memref<1x8x128xi32, #tpu.memory_space<hbm>>
      %dma_wait3A_138 = tpu.memref_squeeze %dma_wait3A_137 : memref<1x8x128xi32, #tpu.memory_space<hbm>> -> memref<8x128xi32, #tpu.memory_space<hbm>>
      %dma_wait3A_139 = arith.constant 0 : i32
      %dma_wait3A_140 = arith.constant 0 : i32
      %dma_wait3A_141 = tpu.memref_slice %arg3[%add3A, %dma_wait3A_139, %dma_wait3A_140] : memref<32x8x128xi32, #tpu.memory_space<hbm>> -> memref<1x8x128xi32, #tpu.memory_space<hbm>>
      %dma_wait3A_142 = tpu.memref_squeeze %dma_wait3A_141 : memref<1x8x128xi32, #tpu.memory_space<hbm>> -> memref<8x128xi32, #tpu.memory_space<hbm>>
      tpu.wait_dma2 semaphore(%run_scoped3A : memref<!tpu.dma_semaphore, #tpu.memory_space<semaphore_mem>>) src(%dma_wait3A_142 : memref<8x128xi32, #tpu.memory_space<hbm>>) dst(%arg5 : memref<8x128xi32, #tpu.memory_space<vmem>>)
      tpu.yield
    }) : () -> ()
    "tpu.region"() ({
      %run_scoped3A = tpu.sem_alloc : memref<!tpu.dma_semaphore, #tpu.memory_space<semaphore_mem>>
      %dma_start3A_127 = arith.constant 0 : i32
      %dma_start3A_128 = tpu.memref_slice %arg2[%mul3A_2, %dma_start3A_127] : memref<32768x256xf32, #tpu.memory_space<hbm>> -> memref<128x256xf32, #tpu.memory_space<hbm>>
      %dma_start3A_129 = arith.constant 0 : i32
      %dma_start3A_130 = tpu.memref_slice %arg2[%mul3A_2, %dma_start3A_129] : memref<32768x256xf32, #tpu.memory_space<hbm>> -> memref<128x256xf32, #tpu.memory_space<hbm>>
      tpu.enqueue_dma source(%dma_start3A_130 : memref<128x256xf32, #tpu.memory_space<hbm>>) target(%arg6 : memref<128x256xf32, #tpu.memory_space<vmem>>) target_semaphore(%run_scoped3A : memref<!tpu.dma_semaphore, #tpu.memory_space<semaphore_mem>>)
      %dma_wait3A_131 = arith.constant 0 : i32
      %dma_wait3A_132 = tpu.memref_slice %arg2[%mul3A_2, %dma_wait3A_131] : memref<32768x256xf32, #tpu.memory_space<hbm>> -> memref<128x256xf32, #tpu.memory_space<hbm>>
      %dma_wait3A_133 = arith.constant 0 : i32
      %dma_wait3A_134 = tpu.memref_slice %arg2[%mul3A_2, %dma_wait3A_133] : memref<32768x256xf32, #tpu.memory_space<hbm>> -> memref<128x256xf32, #tpu.memory_space<hbm>>
      tpu.wait_dma2 semaphore(%run_scoped3A : memref<!tpu.dma_semaphore, #tpu.memory_space<semaphore_mem>>) src(%dma_wait3A_134 : memref<128x256xf32, #tpu.memory_space<hbm>>) dst(%arg6 : memref<128x256xf32, #tpu.memory_space<vmem>>)
      tpu.yield
    }) : () -> ()
    %add3A_3 = arith.constant 128 : i32
    %add3A_4 = arith.addi %mul3A_2, %add3A_3 : i32
    "tpu.region"() ({
      %run_scoped3A = tpu.sem_alloc : memref<!tpu.dma_semaphore, #tpu.memory_space<semaphore_mem>>
      %dma_start3A_127 = arith.constant 0 : i32
      %dma_start3A_128 = tpu.memref_slice %arg2[%add3A_4, %dma_start3A_127] : memref<32768x256xf32, #tpu.memory_space<hbm>> -> memref<128x256xf32, #tpu.memory_space<hbm>>
      %dma_start3A_129 = arith.constant 0 : i32
      %dma_start3A_130 = tpu.memref_slice %arg2[%add3A_4, %dma_start3A_129] : memref<32768x256xf32, #tpu.memory_space<hbm>> -> memref<128x256xf32, #tpu.memory_space<hbm>>
      tpu.enqueue_dma source(%dma_start3A_130 : memref<128x256xf32, #tpu.memory_space<hbm>>) target(%arg7 : memref<128x256xf32, #tpu.memory_space<vmem>>) target_semaphore(%run_scoped3A : memref<!tpu.dma_semaphore, #tpu.memory_space<semaphore_mem>>)
      %dma_wait3A_131 = arith.constant 0 : i32
      %dma_wait3A_132 = tpu.memref_slice %arg2[%add3A_4, %dma_wait3A_131] : memref<32768x256xf32, #tpu.memory_space<hbm>> -> memref<128x256xf32, #tpu.memory_space<hbm>>
      %dma_wait3A_133 = arith.constant 0 : i32
      %dma_wait3A_134 = tpu.memref_slice %arg2[%add3A_4, %dma_wait3A_133] : memref<32768x256xf32, #tpu.memory_space<hbm>> -> memref<128x256xf32, #tpu.memory_space<hbm>>
      tpu.wait_dma2 semaphore(%run_scoped3A : memref<!tpu.dma_semaphore, #tpu.memory_space<semaphore_mem>>) src(%dma_wait3A_134 : memref<128x256xf32, #tpu.memory_space<hbm>>) dst(%arg7 : memref<128x256xf32, #tpu.memory_space<vmem>>)
      tpu.yield
    }) : () -> ()
    %dma_start3A = arith.constant 0 : i32
    %dma_start3A_5 = arith.constant 0 : i32
    %dma_start3A_6 = tpu.memref_slice %arg5[%dma_start3A, %dma_start3A_5] : memref<8x128xi32, #tpu.memory_space<vmem>> -> memref<1x128xi32, #tpu.memory_space<vmem>>
    %dma_start3A_7 = tpu.memref_squeeze %dma_start3A_6 : memref<1x128xi32, #tpu.memory_space<vmem>> -> memref<128xi32, #tpu.memory_space<vmem>>
    %dma_start3A_8 = arith.constant 0 : i32
    %dma_start3A_9 = arith.constant 0 : i32
    %dma_start3A_10 = tpu.memref_slice %arg4[%dma_start3A_8, %dma_start3A_9] : memref<32768x256xf32, #tpu.memory_space<hbm>> -> memref<32768x256xf32, #tpu.memory_space<hbm>>
    tpu.enqueue_indirect_dma source(%arg6 : memref<128x256xf32, #tpu.memory_space<vmem>>) target(%dma_start3A_10 : memref<32768x256xf32, #tpu.memory_space<hbm>>) offsets(%dma_start3A_7 : memref<128xi32, #tpu.memory_space<vmem>>) semaphore(%arg8 : memref<!tpu.dma_semaphore, #tpu.memory_space<semaphore_mem>>)
    %add3A_11 = arith.constant 256 : i32
    %add3A_12 = arith.addi %mul3A_2, %add3A_11 : i32
    "tpu.region"() ({
      %run_scoped3A = tpu.sem_alloc : memref<!tpu.dma_semaphore, #tpu.memory_space<semaphore_mem>>
      %dma_start3A_127 = arith.constant 0 : i32
      %dma_start3A_128 = tpu.memref_slice %arg2[%add3A_12, %dma_start3A_127] : memref<32768x256xf32, #tpu.memory_space<hbm>> -> memref<128x256xf32, #tpu.memory_space<hbm>>
      %dma_start3A_129 = arith.constant 0 : i32
      %dma_start3A_130 = tpu.memref_slice %arg2[%add3A_12, %dma_start3A_129] : memref<32768x256xf32, #tpu.memory_space<hbm>> -> memref<128x256xf32, #tpu.memory_space<hbm>>
      tpu.enqueue_dma source(%dma_start3A_130 : memref<128x256xf32, #tpu.memory_space<hbm>>) target(%arg6 : memref<128x256xf32, #tpu.memory_space<vmem>>) target_semaphore(%run_scoped3A : memref<!tpu.dma_semaphore, #tpu.memory_space<semaphore_mem>>)
      %dma_wait3A_131 = arith.constant 0 : i32
      %dma_wait3A_132 = tpu.memref_slice %arg2[%add3A_12, %dma_wait3A_131] : memref<32768x256xf32, #tpu.memory_space<hbm>> -> memref<128x256xf32, #tpu.memory_space<hbm>>
      %dma_wait3A_133 = arith.constant 0 : i32
      %dma_wait3A_134 = tpu.memref_slice %arg2[%add3A_12, %dma_wait3A_133] : memref<32768x256xf32, #tpu.memory_space<hbm>> -> memref<128x256xf32, #tpu.memory_space<hbm>>
      tpu.wait_dma2 semaphore(%run_scoped3A : memref<!tpu.dma_semaphore, #tpu.memory_space<semaphore_mem>>) src(%dma_wait3A_134 : memref<128x256xf32, #tpu.memory_space<hbm>>) dst(%arg6 : memref<128x256xf32, #tpu.memory_space<vmem>>)
      tpu.yield
    }) : () -> ()
    %dma_wait3A = arith.constant 0 : i32
    %dma_wait3A_13 = arith.constant 0 : i32
    %dma_wait3A_14 = tpu.memref_slice %arg5[%dma_wait3A, %dma_wait3A_13] : memref<8x128xi32, #tpu.memory_space<vmem>> -> memref<1x128xi32, #tpu.memory_space<vmem>>
    %dma_wait3A_15 = tpu.memref_squeeze %dma_wait3A_14 : memref<1x128xi32, #tpu.memory_space<vmem>> -> memref<128xi32, #tpu.memory_space<vmem>>
    %dma_wait3A_16 = arith.constant 0 : i32
    %dma_wait3A_17 = arith.constant 0 : i32
    %dma_wait3A_18 = tpu.memref_slice %arg4[%dma_wait3A_16, %dma_wait3A_17] : memref<32768x256xf32, #tpu.memory_space<hbm>> -> memref<32768x256xf32, #tpu.memory_space<hbm>>
    tpu.wait_indirect_dma semaphore(%arg8 : memref<!tpu.dma_semaphore, #tpu.memory_space<semaphore_mem>>) src(%arg6 : memref<128x256xf32, #tpu.memory_space<vmem>>) dst(%dma_wait3A_18 : memref<32768x256xf32, #tpu.memory_space<hbm>>)
    %dma_start3A_19 = arith.constant 1 : i32
    %dma_start3A_20 = arith.constant 0 : i32
    %dma_start3A_21 = tpu.memref_slice %arg5[%dma_start3A_19, %dma_start3A_20] : memref<8x128xi32, #tpu.memory_space<vmem>> -> memref<1x128xi32, #tpu.memory_space<vmem>>
    %dma_start3A_22 = tpu.memref_squeeze %dma_start3A_21 : memref<1x128xi32, #tpu.memory_space<vmem>> -> memref<128xi32, #tpu.memory_space<vmem>>
    %dma_start3A_23 = arith.constant 0 : i32
    %dma_start3A_24 = arith.constant 0 : i32
    %dma_start3A_25 = tpu.memref_slice %arg4[%dma_start3A_23, %dma_start3A_24] : memref<32768x256xf32, #tpu.memory_space<hbm>> -> memref<32768x256xf32, #tpu.memory_space<hbm>>
    tpu.enqueue_indirect_dma source(%arg7 : memref<128x256xf32, #tpu.memory_space<vmem>>) target(%dma_start3A_25 : memref<32768x256xf32, #tpu.memory_space<hbm>>) offsets(%dma_start3A_22 : memref<128xi32, #tpu.memory_space<vmem>>) semaphore(%arg9 : memref<!tpu.dma_semaphore, #tpu.memory_space<semaphore_mem>>)
    %add3A_26 = arith.constant 384 : i32
    %add3A_27 = arith.addi %mul3A_2, %add3A_26 : i32
    "tpu.region"() ({
      %run_scoped3A = tpu.sem_alloc : memref<!tpu.dma_semaphore, #tpu.memory_space<semaphore_mem>>
      %dma_start3A_127 = arith.constant 0 : i32
      %dma_start3A_128 = tpu.memref_slice %arg2[%add3A_27, %dma_start3A_127] : memref<32768x256xf32, #tpu.memory_space<hbm>> -> memref<128x256xf32, #tpu.memory_space<hbm>>
      %dma_start3A_129 = arith.constant 0 : i32
      %dma_start3A_130 = tpu.memref_slice %arg2[%add3A_27, %dma_start3A_129] : memref<32768x256xf32, #tpu.memory_space<hbm>> -> memref<128x256xf32, #tpu.memory_space<hbm>>
      tpu.enqueue_dma source(%dma_start3A_130 : memref<128x256xf32, #tpu.memory_space<hbm>>) target(%arg7 : memref<128x256xf32, #tpu.memory_space<vmem>>) target_semaphore(%run_scoped3A : memref<!tpu.dma_semaphore, #tpu.memory_space<semaphore_mem>>)
      %dma_wait3A_131 = arith.constant 0 : i32
      %dma_wait3A_132 = tpu.memref_slice %arg2[%add3A_27, %dma_wait3A_131] : memref<32768x256xf32, #tpu.memory_space<hbm>> -> memref<128x256xf32, #tpu.memory_space<hbm>>
      %dma_wait3A_133 = arith.constant 0 : i32
      %dma_wait3A_134 = tpu.memref_slice %arg2[%add3A_27, %dma_wait3A_133] : memref<32768x256xf32, #tpu.memory_space<hbm>> -> memref<128x256xf32, #tpu.memory_space<hbm>>
      tpu.wait_dma2 semaphore(%run_scoped3A : memref<!tpu.dma_semaphore, #tpu.memory_space<semaphore_mem>>) src(%dma_wait3A_134 : memref<128x256xf32, #tpu.memory_space<hbm>>) dst(%arg7 : memref<128x256xf32, #tpu.memory_space<vmem>>)
      tpu.yield
    }) : () -> ()
    %dma_wait3A_28 = arith.constant 1 : i32
    %dma_wait3A_29 = arith.constant 0 : i32
    %dma_wait3A_30 = tpu.memref_slice %arg5[%dma_wait3A_28, %dma_wait3A_29] : memref<8x128xi32, #tpu.memory_space<vmem>> -> memref<1x128xi32, #tpu.memory_space<vmem>>
    %dma_wait3A_31 = tpu.memref_squeeze %dma_wait3A_30 : memref<1x128xi32, #tpu.memory_space<vmem>> -> memref<128xi32, #tpu.memory_space<vmem>>
    %dma_wait3A_32 = arith.constant 0 : i32
    %dma_wait3A_33 = arith.constant 0 : i32
    %dma_wait3A_34 = tpu.memref_slice %arg4[%dma_wait3A_32, %dma_wait3A_33] : memref<32768x256xf32, #tpu.memory_space<hbm>> -> memref<32768x256xf32, #tpu.memory_space<hbm>>
    tpu.wait_indirect_dma semaphore(%arg9 : memref<!tpu.dma_semaphore, #tpu.memory_space<semaphore_mem>>) src(%arg7 : memref<128x256xf32, #tpu.memory_space<vmem>>) dst(%dma_wait3A_34 : memref<32768x256xf32, #tpu.memory_space<hbm>>)
    %dma_start3A_35 = arith.constant 2 : i32
    %dma_start3A_36 = arith.constant 0 : i32
    %dma_start3A_37 = tpu.memref_slice %arg5[%dma_start3A_35, %dma_start3A_36] : memref<8x128xi32, #tpu.memory_space<vmem>> -> memref<1x128xi32, #tpu.memory_space<vmem>>
    %dma_start3A_38 = tpu.memref_squeeze %dma_start3A_37 : memref<1x128xi32, #tpu.memory_space<vmem>> -> memref<128xi32, #tpu.memory_space<vmem>>
    %dma_start3A_39 = arith.constant 0 : i32
    %dma_start3A_40 = arith.constant 0 : i32
    %dma_start3A_41 = tpu.memref_slice %arg4[%dma_start3A_39, %dma_start3A_40] : memref<32768x256xf32, #tpu.memory_space<hbm>> -> memref<32768x256xf32, #tpu.memory_space<hbm>>
    tpu.enqueue_indirect_dma source(%arg6 : memref<128x256xf32, #tpu.memory_space<vmem>>) target(%dma_start3A_41 : memref<32768x256xf32, #tpu.memory_space<hbm>>) offsets(%dma_start3A_38 : memref<128xi32, #tpu.memory_space<vmem>>) semaphore(%arg8 : memref<!tpu.dma_semaphore, #tpu.memory_space<semaphore_mem>>)
    %add3A_42 = arith.constant 512 : i32
    %add3A_43 = arith.addi %mul3A_2, %add3A_42 : i32
    "tpu.region"() ({
      %run_scoped3A = tpu.sem_alloc : memref<!tpu.dma_semaphore, #tpu.memory_space<semaphore_mem>>
      %dma_start3A_127 = arith.constant 0 : i32
      %dma_start3A_128 = tpu.memref_slice %arg2[%add3A_43, %dma_start3A_127] : memref<32768x256xf32, #tpu.memory_space<hbm>> -> memref<128x256xf32, #tpu.memory_space<hbm>>
      %dma_start3A_129 = arith.constant 0 : i32
      %dma_start3A_130 = tpu.memref_slice %arg2[%add3A_43, %dma_start3A_129] : memref<32768x256xf32, #tpu.memory_space<hbm>> -> memref<128x256xf32, #tpu.memory_space<hbm>>
      tpu.enqueue_dma source(%dma_start3A_130 : memref<128x256xf32, #tpu.memory_space<hbm>>) target(%arg6 : memref<128x256xf32, #tpu.memory_space<vmem>>) target_semaphore(%run_scoped3A : memref<!tpu.dma_semaphore, #tpu.memory_space<semaphore_mem>>)
      %dma_wait3A_131 = arith.constant 0 : i32
      %dma_wait3A_132 = tpu.memref_slice %arg2[%add3A_43, %dma_wait3A_131] : memref<32768x256xf32, #tpu.memory_space<hbm>> -> memref<128x256xf32, #tpu.memory_space<hbm>>
      %dma_wait3A_133 = arith.constant 0 : i32
      %dma_wait3A_134 = tpu.memref_slice %arg2[%add3A_43, %dma_wait3A_133] : memref<32768x256xf32, #tpu.memory_space<hbm>> -> memref<128x256xf32, #tpu.memory_space<hbm>>
      tpu.wait_dma2 semaphore(%run_scoped3A : memref<!tpu.dma_semaphore, #tpu.memory_space<semaphore_mem>>) src(%dma_wait3A_134 : memref<128x256xf32, #tpu.memory_space<hbm>>) dst(%arg6 : memref<128x256xf32, #tpu.memory_space<vmem>>)
      tpu.yield
    }) : () -> ()
    %dma_wait3A_44 = arith.constant 2 : i32
    %dma_wait3A_45 = arith.constant 0 : i32
    %dma_wait3A_46 = tpu.memref_slice %arg5[%dma_wait3A_44, %dma_wait3A_45] : memref<8x128xi32, #tpu.memory_space<vmem>> -> memref<1x128xi32, #tpu.memory_space<vmem>>
    %dma_wait3A_47 = tpu.memref_squeeze %dma_wait3A_46 : memref<1x128xi32, #tpu.memory_space<vmem>> -> memref<128xi32, #tpu.memory_space<vmem>>
    %dma_wait3A_48 = arith.constant 0 : i32
    %dma_wait3A_49 = arith.constant 0 : i32
    %dma_wait3A_50 = tpu.memref_slice %arg4[%dma_wait3A_48, %dma_wait3A_49] : memref<32768x256xf32, #tpu.memory_space<hbm>> -> memref<32768x256xf32, #tpu.memory_space<hbm>>
    tpu.wait_indirect_dma semaphore(%arg8 : memref<!tpu.dma_semaphore, #tpu.memory_space<semaphore_mem>>) src(%arg6 : memref<128x256xf32, #tpu.memory_space<vmem>>) dst(%dma_wait3A_50 : memref<32768x256xf32, #tpu.memory_space<hbm>>)
    %dma_start3A_51 = arith.constant 3 : i32
    %dma_start3A_52 = arith.constant 0 : i32
    %dma_start3A_53 = tpu.memref_slice %arg5[%dma_start3A_51, %dma_start3A_52] : memref<8x128xi32, #tpu.memory_space<vmem>> -> memref<1x128xi32, #tpu.memory_space<vmem>>
    %dma_start3A_54 = tpu.memref_squeeze %dma_start3A_53 : memref<1x128xi32, #tpu.memory_space<vmem>> -> memref<128xi32, #tpu.memory_space<vmem>>
    %dma_start3A_55 = arith.constant 0 : i32
    %dma_start3A_56 = arith.constant 0 : i32
    %dma_start3A_57 = tpu.memref_slice %arg4[%dma_start3A_55, %dma_start3A_56] : memref<32768x256xf32, #tpu.memory_space<hbm>> -> memref<32768x256xf32, #tpu.memory_space<hbm>>
    tpu.enqueue_indirect_dma source(%arg7 : memref<128x256xf32, #tpu.memory_space<vmem>>) target(%dma_start3A_57 : memref<32768x256xf32, #tpu.memory_space<hbm>>) offsets(%dma_start3A_54 : memref<128xi32, #tpu.memory_space<vmem>>) semaphore(%arg9 : memref<!tpu.dma_semaphore, #tpu.memory_space<semaphore_mem>>)
    %add3A_58 = arith.constant 640 : i32
    %add3A_59 = arith.addi %mul3A_2, %add3A_58 : i32
    "tpu.region"() ({
      %run_scoped3A = tpu.sem_alloc : memref<!tpu.dma_semaphore, #tpu.memory_space<semaphore_mem>>
      %dma_start3A_127 = arith.constant 0 : i32
      %dma_start3A_128 = tpu.memref_slice %arg2[%add3A_59, %dma_start3A_127] : memref<32768x256xf32, #tpu.memory_space<hbm>> -> memref<128x256xf32, #tpu.memory_space<hbm>>
      %dma_start3A_129 = arith.constant 0 : i32
      %dma_start3A_130 = tpu.memref_slice %arg2[%add3A_59, %dma_start3A_129] : memref<32768x256xf32, #tpu.memory_space<hbm>> -> memref<128x256xf32, #tpu.memory_space<hbm>>
      tpu.enqueue_dma source(%dma_start3A_130 : memref<128x256xf32, #tpu.memory_space<hbm>>) target(%arg7 : memref<128x256xf32, #tpu.memory_space<vmem>>) target_semaphore(%run_scoped3A : memref<!tpu.dma_semaphore, #tpu.memory_space<semaphore_mem>>)
      %dma_wait3A_131 = arith.constant 0 : i32
      %dma_wait3A_132 = tpu.memref_slice %arg2[%add3A_59, %dma_wait3A_131] : memref<32768x256xf32, #tpu.memory_space<hbm>> -> memref<128x256xf32, #tpu.memory_space<hbm>>
      %dma_wait3A_133 = arith.constant 0 : i32
      %dma_wait3A_134 = tpu.memref_slice %arg2[%add3A_59, %dma_wait3A_133] : memref<32768x256xf32, #tpu.memory_space<hbm>> -> memref<128x256xf32, #tpu.memory_space<hbm>>
      tpu.wait_dma2 semaphore(%run_scoped3A : memref<!tpu.dma_semaphore, #tpu.memory_space<semaphore_mem>>) src(%dma_wait3A_134 : memref<128x256xf32, #tpu.memory_space<hbm>>) dst(%arg7 : memref<128x256xf32, #tpu.memory_space<vmem>>)
      tpu.yield
    }) : () -> ()
    %dma_wait3A_60 = arith.constant 3 : i32
    %dma_wait3A_61 = arith.constant 0 : i32
    %dma_wait3A_62 = tpu.memref_slice %arg5[%dma_wait3A_60, %dma_wait3A_61] : memref<8x128xi32, #tpu.memory_space<vmem>> -> memref<1x128xi32, #tpu.memory_space<vmem>>
    %dma_wait3A_63 = tpu.memref_squeeze %dma_wait3A_62 : memref<1x128xi32, #tpu.memory_space<vmem>> -> memref<128xi32, #tpu.memory_space<vmem>>
    %dma_wait3A_64 = arith.constant 0 : i32
    %dma_wait3A_65 = arith.constant 0 : i32
    %dma_wait3A_66 = tpu.memref_slice %arg4[%dma_wait3A_64, %dma_wait3A_65] : memref<32768x256xf32, #tpu.memory_space<hbm>> -> memref<32768x256xf32, #tpu.memory_space<hbm>>
    tpu.wait_indirect_dma semaphore(%arg9 : memref<!tpu.dma_semaphore, #tpu.memory_space<semaphore_mem>>) src(%arg7 : memref<128x256xf32, #tpu.memory_space<vmem>>) dst(%dma_wait3A_66 : memref<32768x256xf32, #tpu.memory_space<hbm>>)
    %dma_start3A_67 = arith.constant 4 : i32
    %dma_start3A_68 = arith.constant 0 : i32
    %dma_start3A_69 = tpu.memref_slice %arg5[%dma_start3A_67, %dma_start3A_68] : memref<8x128xi32, #tpu.memory_space<vmem>> -> memref<1x128xi32, #tpu.memory_space<vmem>>
    %dma_start3A_70 = tpu.memref_squeeze %dma_start3A_69 : memref<1x128xi32, #tpu.memory_space<vmem>> -> memref<128xi32, #tpu.memory_space<vmem>>
    %dma_start3A_71 = arith.constant 0 : i32
    %dma_start3A_72 = arith.constant 0 : i32
    %dma_start3A_73 = tpu.memref_slice %arg4[%dma_start3A_71, %dma_start3A_72] : memref<32768x256xf32, #tpu.memory_space<hbm>> -> memref<32768x256xf32, #tpu.memory_space<hbm>>
    tpu.enqueue_indirect_dma source(%arg6 : memref<128x256xf32, #tpu.memory_space<vmem>>) target(%dma_start3A_73 : memref<32768x256xf32, #tpu.memory_space<hbm>>) offsets(%dma_start3A_70 : memref<128xi32, #tpu.memory_space<vmem>>) semaphore(%arg8 : memref<!tpu.dma_semaphore, #tpu.memory_space<semaphore_mem>>)
    %add3A_74 = arith.constant 768 : i32
    %add3A_75 = arith.addi %mul3A_2, %add3A_74 : i32
    "tpu.region"() ({
      %run_scoped3A = tpu.sem_alloc : memref<!tpu.dma_semaphore, #tpu.memory_space<semaphore_mem>>
      %dma_start3A_127 = arith.constant 0 : i32
      %dma_start3A_128 = tpu.memref_slice %arg2[%add3A_75, %dma_start3A_127] : memref<32768x256xf32, #tpu.memory_space<hbm>> -> memref<128x256xf32, #tpu.memory_space<hbm>>
      %dma_start3A_129 = arith.constant 0 : i32
      %dma_start3A_130 = tpu.memref_slice %arg2[%add3A_75, %dma_start3A_129] : memref<32768x256xf32, #tpu.memory_space<hbm>> -> memref<128x256xf32, #tpu.memory_space<hbm>>
      tpu.enqueue_dma source(%dma_start3A_130 : memref<128x256xf32, #tpu.memory_space<hbm>>) target(%arg6 : memref<128x256xf32, #tpu.memory_space<vmem>>) target_semaphore(%run_scoped3A : memref<!tpu.dma_semaphore, #tpu.memory_space<semaphore_mem>>)
      %dma_wait3A_131 = arith.constant 0 : i32
      %dma_wait3A_132 = tpu.memref_slice %arg2[%add3A_75, %dma_wait3A_131] : memref<32768x256xf32, #tpu.memory_space<hbm>> -> memref<128x256xf32, #tpu.memory_space<hbm>>
      %dma_wait3A_133 = arith.constant 0 : i32
      %dma_wait3A_134 = tpu.memref_slice %arg2[%add3A_75, %dma_wait3A_133] : memref<32768x256xf32, #tpu.memory_space<hbm>> -> memref<128x256xf32, #tpu.memory_space<hbm>>
      tpu.wait_dma2 semaphore(%run_scoped3A : memref<!tpu.dma_semaphore, #tpu.memory_space<semaphore_mem>>) src(%dma_wait3A_134 : memref<128x256xf32, #tpu.memory_space<hbm>>) dst(%arg6 : memref<128x256xf32, #tpu.memory_space<vmem>>)
      tpu.yield
    }) : () -> ()
    %dma_wait3A_76 = arith.constant 4 : i32
    %dma_wait3A_77 = arith.constant 0 : i32
    %dma_wait3A_78 = tpu.memref_slice %arg5[%dma_wait3A_76, %dma_wait3A_77] : memref<8x128xi32, #tpu.memory_space<vmem>> -> memref<1x128xi32, #tpu.memory_space<vmem>>
    %dma_wait3A_79 = tpu.memref_squeeze %dma_wait3A_78 : memref<1x128xi32, #tpu.memory_space<vmem>> -> memref<128xi32, #tpu.memory_space<vmem>>
    %dma_wait3A_80 = arith.constant 0 : i32
    %dma_wait3A_81 = arith.constant 0 : i32
    %dma_wait3A_82 = tpu.memref_slice %arg4[%dma_wait3A_80, %dma_wait3A_81] : memref<32768x256xf32, #tpu.memory_space<hbm>> -> memref<32768x256xf32, #tpu.memory_space<hbm>>
    tpu.wait_indirect_dma semaphore(%arg8 : memref<!tpu.dma_semaphore, #tpu.memory_space<semaphore_mem>>) src(%arg6 : memref<128x256xf32, #tpu.memory_space<vmem>>) dst(%dma_wait3A_82 : memref<32768x256xf32, #tpu.memory_space<hbm>>)
    %dma_start3A_83 = arith.constant 5 : i32
    %dma_start3A_84 = arith.constant 0 : i32
    %dma_start3A_85 = tpu.memref_slice %arg5[%dma_start3A_83, %dma_start3A_84] : memref<8x128xi32, #tpu.memory_space<vmem>> -> memref<1x128xi32, #tpu.memory_space<vmem>>
    %dma_start3A_86 = tpu.memref_squeeze %dma_start3A_85 : memref<1x128xi32, #tpu.memory_space<vmem>> -> memref<128xi32, #tpu.memory_space<vmem>>
    %dma_start3A_87 = arith.constant 0 : i32
    %dma_start3A_88 = arith.constant 0 : i32
    %dma_start3A_89 = tpu.memref_slice %arg4[%dma_start3A_87, %dma_start3A_88] : memref<32768x256xf32, #tpu.memory_space<hbm>> -> memref<32768x256xf32, #tpu.memory_space<hbm>>
    tpu.enqueue_indirect_dma source(%arg7 : memref<128x256xf32, #tpu.memory_space<vmem>>) target(%dma_start3A_89 : memref<32768x256xf32, #tpu.memory_space<hbm>>) offsets(%dma_start3A_86 : memref<128xi32, #tpu.memory_space<vmem>>) semaphore(%arg9 : memref<!tpu.dma_semaphore, #tpu.memory_space<semaphore_mem>>)
    %add3A_90 = arith.constant 896 : i32
    %add3A_91 = arith.addi %mul3A_2, %add3A_90 : i32
    "tpu.region"() ({
      %run_scoped3A = tpu.sem_alloc : memref<!tpu.dma_semaphore, #tpu.memory_space<semaphore_mem>>
      %dma_start3A_127 = arith.constant 0 : i32
      %dma_start3A_128 = tpu.memref_slice %arg2[%add3A_91, %dma_start3A_127] : memref<32768x256xf32, #tpu.memory_space<hbm>> -> memref<128x256xf32, #tpu.memory_space<hbm>>
      %dma_start3A_129 = arith.constant 0 : i32
      %dma_start3A_130 = tpu.memref_slice %arg2[%add3A_91, %dma_start3A_129] : memref<32768x256xf32, #tpu.memory_space<hbm>> -> memref<128x256xf32, #tpu.memory_space<hbm>>
      tpu.enqueue_dma source(%dma_start3A_130 : memref<128x256xf32, #tpu.memory_space<hbm>>) target(%arg7 : memref<128x256xf32, #tpu.memory_space<vmem>>) target_semaphore(%run_scoped3A : memref<!tpu.dma_semaphore, #tpu.memory_space<semaphore_mem>>)
      %dma_wait3A_131 = arith.constant 0 : i32
      %dma_wait3A_132 = tpu.memref_slice %arg2[%add3A_91, %dma_wait3A_131] : memref<32768x256xf32, #tpu.memory_space<hbm>> -> memref<128x256xf32, #tpu.memory_space<hbm>>
      %dma_wait3A_133 = arith.constant 0 : i32
      %dma_wait3A_134 = tpu.memref_slice %arg2[%add3A_91, %dma_wait3A_133] : memref<32768x256xf32, #tpu.memory_space<hbm>> -> memref<128x256xf32, #tpu.memory_space<hbm>>
      tpu.wait_dma2 semaphore(%run_scoped3A : memref<!tpu.dma_semaphore, #tpu.memory_space<semaphore_mem>>) src(%dma_wait3A_134 : memref<128x256xf32, #tpu.memory_space<hbm>>) dst(%arg7 : memref<128x256xf32, #tpu.memory_space<vmem>>)
      tpu.yield
    }) : () -> ()
    %dma_wait3A_92 = arith.constant 5 : i32
    %dma_wait3A_93 = arith.constant 0 : i32
    %dma_wait3A_94 = tpu.memref_slice %arg5[%dma_wait3A_92, %dma_wait3A_93] : memref<8x128xi32, #tpu.memory_space<vmem>> -> memref<1x128xi32, #tpu.memory_space<vmem>>
    %dma_wait3A_95 = tpu.memref_squeeze %dma_wait3A_94 : memref<1x128xi32, #tpu.memory_space<vmem>> -> memref<128xi32, #tpu.memory_space<vmem>>
    %dma_wait3A_96 = arith.constant 0 : i32
    %dma_wait3A_97 = arith.constant 0 : i32
    %dma_wait3A_98 = tpu.memref_slice %arg4[%dma_wait3A_96, %dma_wait3A_97] : memref<32768x256xf32, #tpu.memory_space<hbm>> -> memref<32768x256xf32, #tpu.memory_space<hbm>>
    tpu.wait_indirect_dma semaphore(%arg9 : memref<!tpu.dma_semaphore, #tpu.memory_space<semaphore_mem>>) src(%arg7 : memref<128x256xf32, #tpu.memory_space<vmem>>) dst(%dma_wait3A_98 : memref<32768x256xf32, #tpu.memory_space<hbm>>)
    %dma_start3A_99 = arith.constant 6 : i32
    %dma_start3A_100 = arith.constant 0 : i32
    %dma_start3A_101 = tpu.memref_slice %arg5[%dma_start3A_99, %dma_start3A_100] : memref<8x128xi32, #tpu.memory_space<vmem>> -> memref<1x128xi32, #tpu.memory_space<vmem>>
    %dma_start3A_102 = tpu.memref_squeeze %dma_start3A_101 : memref<1x128xi32, #tpu.memory_space<vmem>> -> memref<128xi32, #tpu.memory_space<vmem>>
    %dma_start3A_103 = arith.constant 0 : i32
    %dma_start3A_104 = arith.constant 0 : i32
    %dma_start3A_105 = tpu.memref_slice %arg4[%dma_start3A_103, %dma_start3A_104] : memref<32768x256xf32, #tpu.memory_space<hbm>> -> memref<32768x256xf32, #tpu.memory_space<hbm>>
    tpu.enqueue_indirect_dma source(%arg6 : memref<128x256xf32, #tpu.memory_space<vmem>>) target(%dma_start3A_105 : memref<32768x256xf32, #tpu.memory_space<hbm>>) offsets(%dma_start3A_102 : memref<128xi32, #tpu.memory_space<vmem>>) semaphore(%arg8 : memref<!tpu.dma_semaphore, #tpu.memory_space<semaphore_mem>>)
    %dma_wait3A_106 = arith.constant 6 : i32
    %dma_wait3A_107 = arith.constant 0 : i32
    %dma_wait3A_108 = tpu.memref_slice %arg5[%dma_wait3A_106, %dma_wait3A_107] : memref<8x128xi32, #tpu.memory_space<vmem>> -> memref<1x128xi32, #tpu.memory_space<vmem>>
    %dma_wait3A_109 = tpu.memref_squeeze %dma_wait3A_108 : memref<1x128xi32, #tpu.memory_space<vmem>> -> memref<128xi32, #tpu.memory_space<vmem>>
    %dma_wait3A_110 = arith.constant 0 : i32
    %dma_wait3A_111 = arith.constant 0 : i32
    %dma_wait3A_112 = tpu.memref_slice %arg4[%dma_wait3A_110, %dma_wait3A_111] : memref<32768x256xf32, #tpu.memory_space<hbm>> -> memref<32768x256xf32, #tpu.memory_space<hbm>>
    tpu.wait_indirect_dma semaphore(%arg8 : memref<!tpu.dma_semaphore, #tpu.memory_space<semaphore_mem>>) src(%arg6 : memref<128x256xf32, #tpu.memory_space<vmem>>) dst(%dma_wait3A_112 : memref<32768x256xf32, #tpu.memory_space<hbm>>)
    %dma_start3A_113 = arith.constant 7 : i32
    %dma_start3A_114 = arith.constant 0 : i32
    %dma_start3A_115 = tpu.memref_slice %arg5[%dma_start3A_113, %dma_start3A_114] : memref<8x128xi32, #tpu.memory_space<vmem>> -> memref<1x128xi32, #tpu.memory_space<vmem>>
    %dma_start3A_116 = tpu.memref_squeeze %dma_start3A_115 : memref<1x128xi32, #tpu.memory_space<vmem>> -> memref<128xi32, #tpu.memory_space<vmem>>
    %dma_start3A_117 = arith.constant 0 : i32
    %dma_start3A_118 = arith.constant 0 : i32
    %dma_start3A_119 = tpu.memref_slice %arg4[%dma_start3A_117, %dma_start3A_118] : memref<32768x256xf32, #tpu.memory_space<hbm>> -> memref<32768x256xf32, #tpu.memory_space<hbm>>
    tpu.enqueue_indirect_dma source(%arg7 : memref<128x256xf32, #tpu.memory_space<vmem>>) target(%dma_start3A_119 : memref<32768x256xf32, #tpu.memory_space<hbm>>) offsets(%dma_start3A_116 : memref<128xi32, #tpu.memory_space<vmem>>) semaphore(%arg9 : memref<!tpu.dma_semaphore, #tpu.memory_space<semaphore_mem>>)
    %dma_wait3A_120 = arith.constant 7 : i32
    %dma_wait3A_121 = arith.constant 0 : i32
    %dma_wait3A_122 = tpu.memref_slice %arg5[%dma_wait3A_120, %dma_wait3A_121] : memref<8x128xi32, #tpu.memory_space<vmem>> -> memref<1x128xi32, #tpu.memory_space<vmem>>
    %dma_wait3A_123 = tpu.memref_squeeze %dma_wait3A_122 : memref<1x128xi32, #tpu.memory_space<vmem>> -> memref<128xi32, #tpu.memory_space<vmem>>
    %dma_wait3A_124 = arith.constant 0 : i32
    %dma_wait3A_125 = arith.constant 0 : i32
    %dma_wait3A_126 = tpu.memref_slice %arg4[%dma_wait3A_124, %dma_wait3A_125] : memref<32768x256xf32, #tpu.memory_space<hbm>> -> memref<32768x256xf32, #tpu.memory_space<hbm>>
    tpu.wait_indirect_dma semaphore(%arg9 : memref<!tpu.dma_semaphore, #tpu.memory_space<semaphore_mem>>) src(%arg7 : memref<128x256xf32, #tpu.memory_space<vmem>>) dst(%dma_wait3A_126 : memref<32768x256xf32, #tpu.memory_space<hbm>>)
    return
  }
}

module attributes {stable_mosaic.version = 14 : i64} {
  func.func @_mlp_body(%arg0: i32, %arg1: i32, %arg2: memref<512x256xf32, #tpu.memory_space<vmem>>, %arg3: memref<1x256x512xf32, #tpu.memory_space<vmem>>, %arg4: memref<1x1x512xf32, #tpu.memory_space<vmem>>, %arg5: memref<1x512x512xf32, #tpu.memory_space<vmem>>, %arg6: memref<1x1x512xf32, #tpu.memory_space<vmem>>, %arg7: memref<1x512x256xf32, #tpu.memory_space<vmem>>, %arg8: memref<1x1x256xf32, #tpu.memory_space<vmem>>, %arg9: memref<512x256xf32, #tpu.memory_space<vmem>>) attributes {dimension_semantics = [#tpu.dimension_semantics<arbitrary>, #tpu.dimension_semantics<arbitrary>], iteration_bounds = array<i64: 4, 16>, scalar_prefetch = 0 : i64, scratch_operands = 0 : i64, tpu.core_type = #tpu.core_type<tc>, window_params = [{transform_indices = @transform_0, window_bounds = array<i64: 512, 256>}, {transform_indices = @transform_1, window_bounds = array<i64: 1, 256, 512>}, {transform_indices = @transform_2, window_bounds = array<i64: 1, 1, 512>}, {transform_indices = @transform_3, window_bounds = array<i64: 1, 512, 512>}, {transform_indices = @transform_4, window_bounds = array<i64: 1, 1, 512>}, {transform_indices = @transform_5, window_bounds = array<i64: 1, 512, 256>}, {transform_indices = @transform_6, window_bounds = array<i64: 1, 1, 256>}, {transform_indices = @transform_7, window_bounds = array<i64: 512, 256>}]} {
    %get3A = arith.constant 0 : index
    %get3A_0 = arith.constant 0 : index
    %get3A_1 = vector.load %arg2[%get3A, %get3A_0] : memref<512x256xf32, #tpu.memory_space<vmem>>, vector<512x256xf32>
    %get3A_2 = arith.constant 0 : index
    %get3A_3 = arith.constant 0 : index
    %get3A_4 = arith.constant 0 : index
    %get3A_5 = vector.load %arg3[%get3A_2, %get3A_3, %get3A_4] : memref<1x256x512xf32, #tpu.memory_space<vmem>>, vector<1x256x512xf32>
    %get3A_6 = vector.shape_cast %get3A_5 : vector<1x256x512xf32> to vector<256x512xf32>
    %dot_general3A = arith.constant dense<0.000000e+00> : vector<512x512xf32>
    %dot_general3A_7 = tpu.matmul %get3A_1, %get3A_6, %dot_general3A {dimension_numbers = #tpu.dot_dimension_numbers<[1], [0], [0], [1], [0, 0, 1, 1], [], []>, transpose_lhs_hint = false} : vector<512x256xf32>, vector<256x512xf32>, vector<512x512xf32> -> vector<512x512xf32>
    %get3A_8 = arith.constant 0 : index
    %get3A_9 = arith.constant 0 : index
    %get3A_10 = arith.constant 0 : index
    %get3A_11 = vector.load %arg4[%get3A_8, %get3A_9, %get3A_10] : memref<1x1x512xf32, #tpu.memory_space<vmem>>, vector<1x1x512xf32>
    %get3A_12 = vector.shape_cast %get3A_11 : vector<1x1x512xf32> to vector<1x512xf32>
    %add3A = vector.broadcast %get3A_12 : vector<1x512xf32> to vector<512x512xf32>
    %add3A_13 = arith.addf %dot_general3A_7, %add3A : vector<512x512xf32>
    %logistic3A = arith.negf %add3A_13 : vector<512x512xf32>
    %logistic3A_14 = math.exp %logistic3A : vector<512x512xf32>
    %logistic3A_15 = arith.constant 1.000000e+00 : f32
    %logistic3A_16 = vector.broadcast %logistic3A_15 : f32 to vector<512x512xf32>
    %logistic3A_17 = arith.addf %logistic3A_16, %logistic3A_14 : vector<512x512xf32>
    %logistic3A_18 = arith.divf %logistic3A_16, %logistic3A_17 : vector<512x512xf32>
    %mul3A = arith.mulf %add3A_13, %logistic3A_18 : vector<512x512xf32>
    %get3A_19 = arith.constant 0 : index
    %get3A_20 = arith.constant 0 : index
    %get3A_21 = arith.constant 0 : index
    %get3A_22 = vector.load %arg5[%get3A_19, %get3A_20, %get3A_21] : memref<1x512x512xf32, #tpu.memory_space<vmem>>, vector<1x512x512xf32>
    %get3A_23 = vector.shape_cast %get3A_22 : vector<1x512x512xf32> to vector<512x512xf32>
    %dot_general3A_24 = arith.constant dense<0.000000e+00> : vector<512x512xf32>
    %dot_general3A_25 = tpu.matmul %mul3A, %get3A_23, %dot_general3A_24 {dimension_numbers = #tpu.dot_dimension_numbers<[1], [0], [0], [1], [0, 0, 1, 1], [], []>, transpose_lhs_hint = false} : vector<512x512xf32>, vector<512x512xf32>, vector<512x512xf32> -> vector<512x512xf32>
    %get3A_26 = arith.constant 0 : index
    %get3A_27 = arith.constant 0 : index
    %get3A_28 = arith.constant 0 : index
    %get3A_29 = vector.load %arg6[%get3A_26, %get3A_27, %get3A_28] : memref<1x1x512xf32, #tpu.memory_space<vmem>>, vector<1x1x512xf32>
    %get3A_30 = vector.shape_cast %get3A_29 : vector<1x1x512xf32> to vector<1x512xf32>
    %add3A_31 = vector.broadcast %get3A_30 : vector<1x512xf32> to vector<512x512xf32>
    %add3A_32 = arith.addf %dot_general3A_25, %add3A_31 : vector<512x512xf32>
    %logistic3A_33 = arith.negf %add3A_32 : vector<512x512xf32>
    %logistic3A_34 = math.exp %logistic3A_33 : vector<512x512xf32>
    %logistic3A_35 = arith.constant 1.000000e+00 : f32
    %logistic3A_36 = vector.broadcast %logistic3A_35 : f32 to vector<512x512xf32>
    %logistic3A_37 = arith.addf %logistic3A_36, %logistic3A_34 : vector<512x512xf32>
    %logistic3A_38 = arith.divf %logistic3A_36, %logistic3A_37 : vector<512x512xf32>
    %mul3A_39 = arith.mulf %add3A_32, %logistic3A_38 : vector<512x512xf32>
    %get3A_40 = arith.constant 0 : index
    %get3A_41 = arith.constant 0 : index
    %get3A_42 = arith.constant 0 : index
    %get3A_43 = vector.load %arg7[%get3A_40, %get3A_41, %get3A_42] : memref<1x512x256xf32, #tpu.memory_space<vmem>>, vector<1x512x256xf32>
    %get3A_44 = vector.shape_cast %get3A_43 : vector<1x512x256xf32> to vector<512x256xf32>
    %dot_general3A_45 = arith.constant dense<0.000000e+00> : vector<512x256xf32>
    %dot_general3A_46 = tpu.matmul %mul3A_39, %get3A_44, %dot_general3A_45 {dimension_numbers = #tpu.dot_dimension_numbers<[1], [0], [0], [1], [0, 0, 1, 1], [], []>, transpose_lhs_hint = false} : vector<512x512xf32>, vector<512x256xf32>, vector<512x256xf32> -> vector<512x256xf32>
    %get3A_47 = arith.constant 0 : index
    %get3A_48 = arith.constant 0 : index
    %get3A_49 = arith.constant 0 : index
    %get3A_50 = vector.load %arg8[%get3A_47, %get3A_48, %get3A_49] : memref<1x1x256xf32, #tpu.memory_space<vmem>>, vector<1x1x256xf32>
    %get3A_51 = vector.shape_cast %get3A_50 : vector<1x1x256xf32> to vector<1x256xf32>
    %add3A_52 = vector.broadcast %get3A_51 : vector<1x256xf32> to vector<512x256xf32>
    %add3A_53 = arith.addf %dot_general3A_46, %add3A_52 : vector<512x256xf32>
    %swap3A = arith.constant 0 : index
    %swap3A_54 = arith.constant 0 : index
    %swap3A_55 = vector.load %arg9[%swap3A, %swap3A_54] : memref<512x256xf32, #tpu.memory_space<vmem>>, vector<512x256xf32>
    tpu.vector_store %arg9[%swap3A, %swap3A_54], %add3A_53 {strides = array<i32>} : memref<512x256xf32, #tpu.memory_space<vmem>>, vector<512x256xf32>,
    return
  }
  func.func @transform_0(%arg0: i32, %arg1: i32) -> (i32, i32) {
    %mul3A = arith.constant 16 : i32
    %mul3A_0 = arith.muli %arg0, %mul3A : i32
    %add3A = arith.addi %mul3A_0, %arg1 : i32
    %c0_i32 = arith.constant 0 : i32
    %c0_i32_1 = arith.constant 0 : i32
    return %add3A, %c0_i32 : i32, i32
  }
  func.func @transform_1(%arg0: i32, %arg1: i32) -> (i32, i32, i32) {
    %c0_i32 = arith.constant 0 : i32
    %c0_i32_0 = arith.constant 0 : i32
    %c0_i32_1 = arith.constant 0 : i32
    return %arg0, %c0_i32, %c0_i32_0 : i32, i32, i32
  }
  func.func @transform_2(%arg0: i32, %arg1: i32) -> (i32, i32, i32) {
    %c0_i32 = arith.constant 0 : i32
    %c0_i32_0 = arith.constant 0 : i32
    %c0_i32_1 = arith.constant 0 : i32
    return %arg0, %c0_i32, %c0_i32_0 : i32, i32, i32
  }
  func.func @transform_3(%arg0: i32, %arg1: i32) -> (i32, i32, i32) {
    %c0_i32 = arith.constant 0 : i32
    %c0_i32_0 = arith.constant 0 : i32
    %c0_i32_1 = arith.constant 0 : i32
    return %arg0, %c0_i32, %c0_i32_0 : i32, i32, i32
  }
  func.func @transform_4(%arg0: i32, %arg1: i32) -> (i32, i32, i32) {
    %c0_i32 = arith.constant 0 : i32
    %c0_i32_0 = arith.constant 0 : i32
    %c0_i32_1 = arith.constant 0 : i32
    return %arg0, %c0_i32, %c0_i32_0 : i32, i32, i32
  }
  func.func @transform_5(%arg0: i32, %arg1: i32) -> (i32, i32, i32) {
    %c0_i32 = arith.constant 0 : i32
    %c0_i32_0 = arith.constant 0 : i32
    %c0_i32_1 = arith.constant 0 : i32
    return %arg0, %c0_i32, %c0_i32_0 : i32, i32, i32
  }
  func.func @transform_6(%arg0: i32, %arg1: i32) -> (i32, i32, i32) {
    %c0_i32 = arith.constant 0 : i32
    %c0_i32_0 = arith.constant 0 : i32
    %c0_i32_1 = arith.constant 0 : i32
    return %arg0, %c0_i32, %c0_i32_0 : i32, i32, i32
  }
  func.func @transform_7(%arg0: i32, %arg1: i32) -> (i32, i32) {
    %mul3A = arith.constant 16 : i32
    %mul3A_0 = arith.muli %arg0, %mul3A : i32
    %add3A = arith.addi %mul3A_0, %arg1 : i32
    %c0_i32 = arith.constant 0 : i32
    %c0_i32_1 = arith.constant 0 : i32
    return %add3A, %c0_i32 : i32, i32
  }
}

</mosaic_0001>

<sc_bundles>
// kernel: kernel.5.cloned.1.call-start
scs
__scs_entry_jumppad:
0x0: {  	(pc) =	sbr.rel $0x88, $3  }
0x1: {  	(tag) =	ssettag $0x0;
	lr =	simm.s32 $0x1  }
0x2: {  	[smem:$0x3F96] =	sst lr;
	_ =	strace $0xD0000000  }
0x3: {  	_ = 	snop  }
0x4: {  	_ = 	snop  }
0x5: {  	_ = 	snop  }
0x6: {  	_ = 	snop  }
0x7: {  	_ = 	snop  }
__scs_overlays_trampoline_lowered:
0x8: {  	[smem:$0x3FA5] =	sst s0  }
0x9: {  	[smem:$0x3FA6] =	sst s1  }
0xa: {  	[smem:$0x3FA7] =	sst s2  }
0xb: {  	[smem:$0x3FA8] =	sst s3  }
0xc: {  	[smem:$0x3FA9] =	sst s4  }
0xd: {  	[smem:$0x3FAA] =	sst s5  }
0xe: {  	[smem:$0x3FAB] =	sst s6  }
0xf: {  	[smem:$0x3FAC] =	sst s7  }
0x10: {  	[smem:$0x3FAD] =	sst s8  }
0x11: {  	[smem:$0x3FAE] =	sst s9;
	s0 =	simm.s32 @!p0 $0x0  }
0x12: {  	s1 =	sld [smem:$0x3F94];
	s0 =	simm.s32 @p0 $0x1  }
0x13: {  	[smem:$0x3FAF] =	sst s0;
	s0 =	simm.s32 @!p1 $0x0  }
0x14: {  	s2 =	sld [smem:$0x3F93];
	s0 =	simm.s32 @p1 $0x1  }
0x15: {  	[smem:$0x3FB0] =	sst s0;
	s0 =	simm.s32 @!p2 $0x0  }
0x16: {  	s3 =	sld [smem:$0x3FDB];
	s0 =	simm.s32 @p2 $0x1  }
0x17: {  	s4 =	simm.s32 $0x1BF5;
	[smem:$0x3FB2] =	sst s0  }
0x18: {  	s0 =	sld [smem:$0x3F95];
	_ =	swait.ge [sflag:s4], $0x0  }
0x19: {  	s7 =	sld [smem:$0x3F96]  }
0x1a: {  	s8 =	sadd.s32 $0xFFFFE003, lr  }
0x1b: {  	s9 =	sadd.s32 $0xFFFFFEF7, lr;
	s5 =	simm.s32 $0xFFFFFFFF;
	p2 =	slt.u32 s8, $0xFFFFF086  }
0x1c: {  	p1 =	slt.u32 s9, $0xF7A;
	s5 =	simm.s32 @!p2 $0x0  }
0x1d: {  	s5 =	simm.s32 @p1 $0x1;
	p0 =	seq.s32 s7, s2  }
0x1e: {  	s7 =	smul.u32 @!p0 $0xF7A, s2;
	p2 =	seq.s32 @!p0 s5, $0x0  }
0x1f: {  	s9 =	smul.u32 $0xF7A, s1;
	s8 =	simm.s32 @!p0 $0x1BF5;
	p2 =	por !p2, p0  }
0x20: {  	[sflag:s8] =	ssyncset.s32 @!p0 $0xFFFFF086;
	s6 =	sadd.s32 @!p0 s3, s7;
	s7 =	simm.s32 @!p0 $0x108  }
0x21: {  	s3 =	sadd.s32 s3, s9;
	s6 =	sadd.s32 @!p0 $0x88, s6;
	s7 =	simm.s32 @p2 $0x1082  }
0x22: {  	[simem:s7], [sflag:s8] =	dma.local @!p0 [hbm:s6], $0xF7A  }
0x23: {  	s9 =	sor.u32 $0xD0000000, s2;
	s6 =	simm.s32 $0x108;
	_ =	swait.ge @!p0 [sflag:s8], $0x0  }
0x24: {  	s3 =	sadd.s32 $0x88, s3;
	s6 =	simm.s32 @!p1 $0x1082;
	[sflag:s4] =	ssyncset.s32 $0xFFFFF086  }
0x25: {  	[simem:s6], [sflag:s4] =	dma.local [hbm:s3], $0xF7A  }
0x26: {  	[smem:$0x3F96] =	sst s1;
	(tag) =	ssettag s2;
	_ =	strace s9  }
0x27: {  	s1 =	sld [smem:$0x3FA6]  }
0x28: {  	s2 =	sld [smem:$0x3FA7]  }
0x29: {  	s4 =	sld [smem:$0x3FA9]  }
0x2a: {  	p0 =	seq.s32 s5, $0x0;
	s5 =	sld [smem:$0x3FAA]  }
0x2b: {  	s6 =	sld [smem:$0x3FAB]  }
0x2c: {  	s7 =	sld [smem:$0x3FAC]  }
0x2d: {  	s3 =	simm.s32 $0x108;
	s8 =	sld [smem:$0x3FAD]  }
0x2e: {  	s3 =	simm.s32 @!p0 $0x1082;
	s9 =	sld [smem:$0x3FAE]  }
0x2f: {  	lr =	sadd.s32 s0, s3;
	s0 =	sld [smem:$0x3FA5]  }
0x30: {  	s3 =	sld [smem:$0x3FA8]  }
0x31: {  	[smem:$0x3FB1] =	sst s10  }
0x32: {  	s10 =	sld [smem:$0x3FAF];
	_ =	sdelay $0x3  }
0x33: {  	p0 =	seq.s32 s10, $0x1;
	s10 =	sld [smem:$0x3FB1];
	_ =	sdelay $0x3  }
0x34: {  	[smem:$0x3FB1] =	sst s10  }
0x35: {  	s10 =	sld [smem:$0x3FB0];
	_ =	sdelay $0x3  }
0x36: {  	p1 =	seq.s32 s10, $0x1;
	s10 =	sld [smem:$0x3FB1];
	_ =	sdelay $0x3  }
0x37: {  	[smem:$0x3FB1] =	sst s10  }
0x38: {  	s10 =	sld [smem:$0x3FB2]  }
0x39: {  	_ = 	snop;
	(pc) =	sbr.ind lr, $3  }
0x3a: {  	_ = 	snop  }
0x3b: {  	_ = 	snop  }
0x3c: {  	p2 =	seq.s32 s10, $0x1;
	s10 =	sld [smem:$0x3FB1]  }
0x3d: {  	_ =	shalt  }
0x3e: {  	_ =	shalt  }
0x3f: {  	_ =	shalt  }
0x40: {  	_ =	shalt  }
0x41: {  	_ =	shalt  }
0x42: {  	_ =	shalt  }
0x43: {  	_ =	shalt  }
0x44: {  	_ =	shalt  }
0x45: {  	_ =	shalt  }
0x46: {  	_ =	shalt  }
0x47: {  	_ =	shalt  }
0x48: {  	_ =	shalt  }
0x49: {  	_ =	shalt  }
0x4a: {  	_ =	shalt  }
0x4b: {  	_ =	shalt  }
0x4c: {  	_ =	shalt  }
0x4d: {  	_ =	shalt  }
0x4e: {  	_ =	shalt  }
0x4f: {  	_ =	shalt  }
0x50: {  	_ =	shalt  }
0x51: {  	_ =	shalt  }
0x52: {  	_ =	shalt  }
0x53: {  	_ =	shalt  }
0x54: {  	_ =	shalt  }
0x55: {  	_ =	shalt  }
0x56: {  	_ =	shalt  }
0x57: {  	_ =	shalt  }
0x58: {  	_ =	shalt  }
0x59: {  	_ =	shalt  }
0x5a: {  	_ =	shalt  }
0x5b: {  	_ =	shalt  }
0x5c: {  	_ =	shalt  }
0x5d: {  	_ =	shalt  }
0x5e: {  	_ =	shalt  }
0x5f: {  	_ =	shalt  }
0x60: {  	_ =	shalt  }
0x61: {  	_ =	shalt  }
0x62: {  	_ =	shalt  }
0x63: {  	_ =	shalt  }
0x64: {  	_ =	shalt  }
0x65: {  	_ =	shalt  }
0x66: {  	_ =	shalt  }
0x67: {  	_ =	shalt  }
0x68: {  	_ =	shalt  }
0x69: {  	_ =	shalt  }
0x6a: {  	_ =	shalt  }
0x6b: {  	_ =	shalt  }
0x6c: {  	_ =	shalt  }
0x6d: {  	_ =	shalt  }
0x6e: {  	_ =	shalt  }
0x6f: {  	_ =	shalt  }
0x70: {  	_ =	shalt  }
0x71: {  	_ =	shalt  }
0x72: {  	_ =	shalt  }
0x73: {  	_ =	shalt  }
0x74: {  	_ =	shalt  }
0x75: {  	_ =	shalt  }
0x76: {  	_ =	shalt  }
0x77: {  	_ =	shalt  }
0x78: {  	_ =	shalt  }
0x79: {  	_ =	shalt  }
0x7a: {  	_ =	shalt  }
0x7b: {  	_ =	shalt  }
0x7c: {  	_ =	shalt  }
0x7d: {  	_ =	shalt  }
0x7e: {  	_ =	shalt  }
0x7f: {  	_ =	shalt  }
0x80: {  	_ =	shalt  }
0x81: {  	_ =	shalt  }
0x82: {  	_ =	shalt  }
0x83: {  	_ =	shalt  }
0x84: {  	_ =	shalt  }
0x85: {  	_ =	shalt  }
0x86: {  	_ =	shalt  }
0x87: {  	_ =	shalt  }
.Lfunc_end0:
.L_simem_size_0:
called_computation_lowered:
.L_overlay_start_0:
0x88: {  	s2 =	sld [smem:$0x3FD9]  }
0x89: {  	s3 =	sld [smem:$0x3FFE];
	_ =	sdelay $0x1  }
0x8a: {  	s1 =	srdreg.scid  }
0x8b: {  	s0 =	sand.u32 $0x1, s1  }
0x8c: {  	s17 =	sshll.u32 s0, $0xA;
	s2 =	sadd.s32 s3, s2  }
0x8d: {  	s2 =	sadd.s32 s2, s17  }
0x8e: {  	[smem:$0x3FBD] =	sst s2  }
0x8f: {  	_ = 	snop  }
0x90: {  	s2 =	sld [smem:$0x3FC9]  }
0x91: {  	s18 =	sld [smem:$0x3FD0];
	(tm) =	ssettm $0x1  }
0x92: {  	s4 =	sld [smem:$0x3FFB];
	_ =	sdelay $0x3  }
0x93: {  	_ =	strace s4  }
0x94: {  	s4 =	sld [smem:$0x3FFC];
	_ =	sdelay $0x3  }
0x95: {  	_ =	strace s4  }
0x96: {  	s4 =	sld [smem:$0x3FFD];
	_ =	sdelay $0x3  }
0x97: {  	_ =	strace s4  }
0x98: {  	_ =	strace $0x8FFFFFFF  }
0x99: {  	s19 =	sld [smem:$0x3FDB];
	_ =	sdelay $0x1  }
0x9a: {  	s5 =	simm.s32 $_scs_section_size  }
0x9b: {  	s6 =	simm.s32 $_size__tile_overlayer_lowered;
	s7 =	simm.s32 $_tile_overlayer_lowered  }
0x9c: {  	s22 =	simm.s32 $0x1BFF;
	s21 =	sshll.u32 s7, $0x1;
	s4 =	sadd.s32 s5, s19  }
0x9d: {  	s8 =	simm.s32 $0x0;
	s20 =	sshll.u32 s6, $0x1;
	s6 =	sadd.s32 s21, s4  }
0x9e: {  	[timem:s8], [sflag:s22] =	dma.local [hbm:s6], s20  }
0x9f: {  	_ =	swait.ge [sflag:s22], s20  }
0xa0: {  	s5 =	ssub.s32 $0x0, s20;
	[sflag:s22] =	ssyncset.done $0x0  }
0xa1: {  	[sflag:s22] =	ssyncadd.s32 s5;
	_ =	sdelay $0x1  }
0xa2: {  	s23 =	simm.s32 $0x1B8B  }
0xa3: {  	_ =	swait.ge [sflag:s23], $0x1  }
0xa4: {  	[sflag:s23] =	ssyncset.done $0x0  }
0xa5: {  	s25 =	simm.s32 $0x1B8E;
	s24 =	sld [smem:$0x3FFE];
	[sflag:s23] =	ssyncadd.s32 $0xFFFFFFFF  }
0xa6: {  	s26 =	simm.s32 $execute0_lowered;
	[smem:$0x3FD2] =	sst s25  }
0xa7: {  	s6 =	sshll.u32 s26, $0x1;
	_ =	strace $0x80000046;
	[dreg:$0x1] =	wrdreg $0xFFFFFFFF  }
0xa8: {  	s28 =	simm.s32 $_size_execute0_lowered;
	s4 =	sadd.s32 s4, s6;
	[dreg:$0x0] =	wrdreg $0x0  }
0xa9: {  	s6 =	sshll.u32 s28, $0x1;
	[dreg:$0x2] =	wrdreg s4  }
0xaa: {  	[dreg:$0x3] =	wrdreg s6  }
0xab: {  	[dreg:$0x4] =	wrdreg $0xC0  }
0xac: {  	_ =	task [dreg:s8], $0x5FFFF  }
0xad: {  	[dreg:$0x1] =	wrdreg $0xFFFFFFFF  }
0xae: {  	[dreg:$0x0] =	wrdreg $0x60  }
0xaf: {  	[dreg:$0x2] =	wrdreg s2  }
0xb0: {  	[dreg:$0x3] =	wrdreg s24  }
0xb1: {  	[dreg:$0x4] =	wrdreg s18  }
0xb2: {  	[dreg:$0x5] =	wrdreg $0x9  }
0xb3: {  	_ =	task.clear_ibuf [dreg:s8], $0x6FFFF;
	_ =	strace $0x90000046  }
0xb4: {  	s29 =	simm.s32 $0x9;
	_ =	strace $0x80000048  }
0xb5: {  	_ =	swait.ge [sflag:s29], $0x1  }
0xb6: {  	[sflag:s29] =	ssyncadd.s32 $0xFFFFFFFF  }
0xb7: {  	_ =	strace $0x90000048  }
0xb8: {  	_ =	sfence  }
0xb9: {  	s30 =	sld [smem:$0x0];
	_ =	sdelay $0x2  }
0xba: {  	s31 =	sshll.u32 s1, $0xD;
	s1 =	sshrl.u32 s1, $0x2  }
0xbb: {  	s3 =	sand.u32 $0x4000, s31;
	s1 =	sadd.s32 s1, s30  }
0xbc: {  	s0 =	sor.u32 s3, s0;
	s1 =	sshll.u32 s1, $0x11  }
0xbd: {  	s0 =	sor.u32 s1, s0  }
0xbe: {  	s0 =	sadd.s32 $0x8F2B, s0  }
0xbf: {  	[sflag:s0] =	ssyncadd.remote.s32 $0x1  }
0xc0: {  	_ =	sfence.sel $0xFFFF  }
0xc1: {  	[dreg:$0x0] =	wrdreg $0xFFFFFFFF;
	(pc) =	sbr.abs _section_cstart, $3  }
0xc2: {  	[dreg:$0x1] =	wrdreg $0xFFFFFFFF  }
0xc3: {  	_ =	task.clear_ibuf [dreg:s8], $0x2FFFF;
	_ =	strace $0x9FFFFFFF  }
0xc4: {  	(tm) =	ssettm $0x7FFFFFFF  }
0xc5: {  	_ =	shalt  }
tec
execute0_lowered:
.L_overlay_start_1:
0x0: {  	(tag) =	ssettag $0x1  }
0x1: {  	s0 =	srdreg.scid  }
0x2: {  	s1 =	rddreg [dreg:$0x0];
	s3 =	stileid.u32;
	s0 =	sand.u32 $0x1, s0  }
0x3: {  	s2 =	rddreg [dreg:$0x1];
	s3 =	sshll.u32 s3, $0xB;
	s4 =	sshll.u32 s0, $0xA  }
0x4: {  	s5 =	rddreg [dreg:$0x2];
	s4 =	sor.u32 s4, s3  }
0x5: {  	s3 =	simm.s32 $0x0;
	s6 =	sshrl.u32 s4, $0x3;
	s4 =	sshll.u32 s4, $0x5  }
0x6: {  	[smem:$0x7FF] =	sst s3;
	s2 =	sadd.s32 s6, s2;
	s5 =	sadd.s32 s5, s4  }
0x7: {  	_ =	strace $0x80000047;
	s2 =	sadd.s32 $0x1400, s2;
	[dreg:$0xc] =	wrdreg s5  }
0x8: {  	s13 =	simm.s32 $0x1;
	s23 =	sadd.s32 $0x1000, s5;
	[dreg:$0x4] =	wrdreg s2  }
0x9: {  	s14 =	simm.s32 $0x2;
	s24 =	sadd.s32 $0x2000, s5;
	[dreg:$0x5] =	wrdreg s23  }
0xa: {  	s0 =	ssub.s32 $0x2, s0;
	s25 =	sadd.s32 $0x3000, s5;
	[dreg:$0x6] =	wrdreg s24  }
0xb: {  	s30 =	sshrl.u32 s0, $0x1;
	s26 =	sadd.s32 $0x4000, s5;
	[dreg:$0x7] =	wrdreg s25  }
0xc: {  	s0 =	ssub.s32 s0, s30;
	s28 =	sadd.s32 $0x5000, s5;
	[dreg:$0x8] =	wrdreg s26  }
0xd: {  	v2 =	vlaneseq.u32;
	s6 =	simm.s32 $0x3;
	s29 =	sadd.s32 $0x6000, s5;
	[dreg:$0x9] =	wrdreg s28  }
0xe: {  	vm0 =	vmmov $0xffff;
	v1 =	vshrl.u32 v2, $0x3;
	s31 =	sadd.s32 $0x7000, s5;
	s5 =	smax.u32 s0, $0x1;
	[dreg:$0xa] =	wrdreg s29  }
0xf: {  	v0 =	vand.u32 $0x7, v2;
	v2 =	vor.u32 $0x8, v2;
	v1 =	vmul.u32 $0x8, v1;
	[dreg:$0xb] =	wrdreg s31;
	s24 =	simm.s32 $0x400;
	s23 =	simm.s32 $0x8400  }
.LBB2_1:
0x10: {  	s15 =	rddreg [dreg:$0x4]  }
0x11: {  	[tilespmem:s3], [sflag:$0x3] =	stream.linear.gather [hbm4b:s15+s3], $0x400, $0x38;
	[tilespmem:$0x10400] =	vst v63  }
0x12: {  	_ =	swait.ge [sflag:s6], $0x400  }
0x13: {  	[sflag:s6] =	ssyncset.done $0x0  }
0x14: {  	[sflag:s6] =	ssyncadd.s32 $0xFFFFFC00  }
0x15: {  	v3 =	vld [tilespmem:$0x0];
	_ =	sdelay $0x4  }
0x16: {  	v4 =	vshll.u32 v3, $0x1  }
0x17: {  	v3 =	vand.u32 $0x7, v3;
	v4 =	vand.u32 $0xFFFFFFF0, v4  }
0x18: {  	v3 =	vor.u32 v3, v4  }
0x19: {  	v4 =	vperm.xlane v3, v0;
	_ =	sdelay $0x1  }
0x1a: {  	v3 =	vperm.xlane v3, v2;
	v4 =	vadd.s32 v1, v4;
	_ =	sdelay $0x1  }
0x1b: {  	v3 =	vadd.s32 v1, v3;
	_ =	sdelay $0x2  }
0x1c: {  	[tilespmem:s24], [sflag:$0x1] =	stream.indirect_vreg.gather [hbm4b:s1+s3], $0x80, v4, vm0, $0xb8;
	[tilespmem:$0x10400] =	vst v63  }
0x1d: {  	s0 =	simm.s32 $0xC00  }
0x1e: {  	[tilespmem:s0], [sflag:$0x1] =	stream.indirect_vreg.gather [hbm4b:s1+s3], $0x80, v3, vm0, $0xb8;
	[tilespmem:$0x10400] =	vst v63  }
0x1f: {  	v3 =	vld [tilespmem:$0x10];
	_ =	sdelay $0x4  }
0x20: {  	v57 =	vshll.u32 v3, $0x1  }
0x21: {  	v3 =	vand.u32 $0x7, v3;
	v4 =	vand.u32 $0xFFFFFFF0, v57  }
0x22: {  	v3 =	vor.u32 v3, v4  }
0x23: {  	v4 =	vperm.xlane v3, v0;
	_ =	sdelay $0x1  }
0x24: {  	v3 =	vperm.xlane v3, v2;
	v4 =	vadd.s32 v1, v4;
	_ =	sdelay $0x1  }
0x25: {  	v3 =	vadd.s32 v1, v3;
	_ =	sdelay $0x1  }
0x26: {  	s28 =	simm.s32 $0x1400  }
0x27: {  	[tilespmem:s28], [sflag:$0x1] =	stream.indirect_vreg.gather [hbm4b:s1+s3], $0x80, v4, vm0, $0xb8;
	[tilespmem:$0x10400] =	vst v63  }
0x28: {  	s29 =	simm.s32 $0x1C00  }
0x29: {  	[tilespmem:s29], [sflag:$0x1] =	stream.indirect_vreg.gather [hbm4b:s1+s3], $0x80, v3, vm0, $0xb8;
	[tilespmem:$0x10400] =	vst v63  }
0x2a: {  	v3 =	vld [tilespmem:$0x20];
	_ =	sdelay $0x4  }
0x2b: {  	v58 =	vshll.u32 v3, $0x1  }
0x2c: {  	v3 =	vand.u32 $0x7, v3;
	v4 =	vand.u32 $0xFFFFFFF0, v58  }
0x2d: {  	v3 =	vor.u32 v3, v4  }
0x2e: {  	v4 =	vperm.xlane v3, v0;
	_ =	sdelay $0x1  }
0x2f: {  	v3 =	vperm.xlane v3, v2;
	v4 =	vadd.s32 v1, v4;
	_ =	sdelay $0x1  }
0x30: {  	v3 =	vadd.s32 v1, v3;
	_ =	sdelay $0x1  }
0x31: {  	s30 =	simm.s32 $0x2400  }
0x32: {  	[tilespmem:s30], [sflag:$0x1] =	stream.indirect_vreg.gather [hbm4b:s1+s3], $0x80, v4, vm0, $0xb8;
	[tilespmem:$0x10400] =	vst v63  }
0x33: {  	s31 =	simm.s32 $0x2C00  }
0x34: {  	[tilespmem:s31], [sflag:$0x1] =	stream.indirect_vreg.gather [hbm4b:s1+s3], $0x80, v3, vm0, $0xb8;
	[tilespmem:$0x10400] =	vst v63  }
0x35: {  	v3 =	vld [tilespmem:$0x30];
	_ =	sdelay $0x4  }
0x36: {  	v59 =	vshll.u32 v3, $0x1  }
0x37: {  	v3 =	vand.u32 $0x7, v3;
	v4 =	vand.u32 $0xFFFFFFF0, v59  }
0x38: {  	v3 =	vor.u32 v3, v4  }
0x39: {  	v4 =	vperm.xlane v3, v0;
	_ =	sdelay $0x1  }
0x3a: {  	v3 =	vperm.xlane v3, v2;
	v4 =	vadd.s32 v1, v4;
	_ =	sdelay $0x1  }
0x3b: {  	v3 =	vadd.s32 v1, v3;
	_ =	sdelay $0x1  }
0x3c: {  	s2 =	simm.s32 $0x3400  }
0x3d: {  	[tilespmem:s2], [sflag:$0x1] =	stream.indirect_vreg.gather [hbm4b:s1+s3], $0x80, v4, vm0, $0xb8;
	[tilespmem:$0x10400] =	vst v63  }
0x3e: {  	s10 =	simm.s32 $0x3C00  }
0x3f: {  	[tilespmem:s10], [sflag:$0x1] =	stream.indirect_vreg.gather [hbm4b:s1+s3], $0x80, v3, vm0, $0xb8;
	[tilespmem:$0x10400] =	vst v63  }
0x40: {  	v3 =	vld [tilespmem:$0x40];
	_ =	sdelay $0x4  }
0x41: {  	v60 =	vshll.u32 v3, $0x1  }
0x42: {  	v3 =	vand.u32 $0x7, v3;
	v4 =	vand.u32 $0xFFFFFFF0, v60  }
0x43: {  	v3 =	vor.u32 v3, v4  }
0x44: {  	v4 =	vperm.xlane v3, v0;
	_ =	sdelay $0x1  }
0x45: {  	v3 =	vperm.xlane v3, v2;
	v4 =	vadd.s32 v1, v4;
	_ =	sdelay $0x1  }
0x46: {  	v3 =	vadd.s32 v1, v3;
	_ =	sdelay $0x1  }
0x47: {  	s11 =	simm.s32 $0x4400  }
0x48: {  	[tilespmem:s11], [sflag:$0x1] =	stream.indirect_vreg.gather [hbm4b:s1+s3], $0x80, v4, vm0, $0xb8;
	[tilespmem:$0x10400] =	vst v63  }
0x49: {  	s12 =	simm.s32 $0x4C00  }
0x4a: {  	[tilespmem:s12], [sflag:$0x1] =	stream.indirect_vreg.gather [hbm4b:s1+s3], $0x80, v3, vm0, $0xb8;
	[tilespmem:$0x10400] =	vst v63  }
0x4b: {  	v3 =	vld [tilespmem:$0x50];
	_ =	sdelay $0x4  }
0x4c: {  	v61 =	vshll.u32 v3, $0x1  }
0x4d: {  	v3 =	vand.u32 $0x7, v3;
	v4 =	vand.u32 $0xFFFFFFF0, v61  }
0x4e: {  	v3 =	vor.u32 v3, v4  }
0x4f: {  	v4 =	vperm.xlane v3, v0;
	_ =	sdelay $0x1  }
0x50: {  	v3 =	vperm.xlane v3, v2;
	v4 =	vadd.s32 v1, v4;
	_ =	sdelay $0x1  }
0x51: {  	v3 =	vadd.s32 v1, v3;
	_ =	sdelay $0x1  }
0x52: {  	s15 =	simm.s32 $0x5400  }
0x53: {  	[tilespmem:s15], [sflag:$0x1] =	stream.indirect_vreg.gather [hbm4b:s1+s3], $0x80, v4, vm0, $0xb8;
	[tilespmem:$0x10400] =	vst v63  }
0x54: {  	s16 =	simm.s32 $0x5C00  }
0x55: {  	[tilespmem:s16], [sflag:$0x1] =	stream.indirect_vreg.gather [hbm4b:s1+s3], $0x80, v3, vm0, $0xb8;
	[tilespmem:$0x10400] =	vst v63  }
0x56: {  	v3 =	vld [tilespmem:$0x60];
	_ =	sdelay $0x4  }
0x57: {  	v62 =	vshll.u32 v3, $0x1  }
0x58: {  	v3 =	vand.u32 $0x7, v3;
	v4 =	vand.u32 $0xFFFFFFF0, v62  }
0x59: {  	v3 =	vor.u32 v3, v4  }
0x5a: {  	v4 =	vperm.xlane v3, v0;
	_ =	sdelay $0x1  }
0x5b: {  	v3 =	vperm.xlane v3, v2;
	v4 =	vadd.s32 v1, v4;
	_ =	sdelay $0x1  }
0x5c: {  	v3 =	vadd.s32 v1, v3;
	_ =	sdelay $0x1  }
0x5d: {  	s17 =	simm.s32 $0x6400  }
0x5e: {  	[tilespmem:s17], [sflag:$0x1] =	stream.indirect_vreg.gather [hbm4b:s1+s3], $0x80, v4, vm0, $0xb8;
	[tilespmem:$0x10400] =	vst v63  }
0x5f: {  	s18 =	simm.s32 $0x6C00  }
0x60: {  	[tilespmem:s18], [sflag:$0x1] =	stream.indirect_vreg.gather [hbm4b:s1+s3], $0x80, v3, vm0, $0xb8;
	[tilespmem:$0x10400] =	vst v63  }
0x61: {  	v3 =	vld [tilespmem:$0x70];
	_ =	sdelay $0x4  }
0x62: {  	v63 =	vshll.u32 v3, $0x1  }
0x63: {  	v3 =	vand.u32 $0x7, v3;
	v4 =	vand.u32 $0xFFFFFFF0, v63  }
0x64: {  	v3 =	vor.u32 v3, v4  }
0x65: {  	v4 =	vperm.xlane v3, v0;
	_ =	sdelay $0x1  }
0x66: {  	v3 =	vperm.xlane v3, v2;
	v4 =	vadd.s32 v1, v4;
	_ =	sdelay $0x1  }
0x67: {  	v3 =	vadd.s32 v1, v3;
	_ =	sdelay $0x1  }
0x68: {  	s19 =	simm.s32 $0x7400  }
0x69: {  	[tilespmem:s19], [sflag:$0x1] =	stream.indirect_vreg.gather [hbm4b:s1+s3], $0x80, v4, vm0, $0xb8;
	[tilespmem:$0x10400] =	vst v63  }
0x6a: {  	s20 =	simm.s32 $0x7C00  }
0x6b: {  	[tilespmem:s20], [sflag:$0x1] =	stream.indirect_vreg.gather [hbm4b:s1+s3], $0x80, v3, vm0, $0xb8;
	[tilespmem:$0x10400] =	vst v63  }
0x6c: {  	v3 =	vld [tilespmem:$0x80];
	_ =	sdelay $0x4  }
0x6d: {  	v8 =	vshll.u32 v3, $0x1  }
0x6e: {  	v3 =	vand.u32 $0x7, v3;
	v4 =	vand.u32 $0xFFFFFFF0, v8  }
0x6f: {  	v3 =	vor.u32 v3, v4  }
0x70: {  	v4 =	vperm.xlane v3, v0;
	_ =	sdelay $0x1  }
0x71: {  	v3 =	vperm.xlane v3, v2;
	v4 =	vadd.s32 v1, v4;
	_ =	sdelay $0x1  }
0x72: {  	v3 =	vadd.s32 v1, v3;
	_ =	sdelay $0x2  }
0x73: {  	[tilespmem:s23], [sflag:$0x2] =	stream.indirect_vreg.gather [hbm4b:s1+s3], $0x80, v4, vm0, $0xb8;
	[tilespmem:$0x10400] =	vst v63  }
0x74: {  	s21 =	simm.s32 $0x8C00  }
0x75: {  	[tilespmem:s21], [sflag:$0x2] =	stream.indirect_vreg.gather [hbm4b:s1+s3], $0x80, v3, vm0, $0xb8;
	[tilespmem:$0x10400] =	vst v63  }
0x76: {  	v3 =	vld [tilespmem:$0x90];
	_ =	sdelay $0x4  }
0x77: {  	v9 =	vshll.u32 v3, $0x1  }
0x78: {  	v3 =	vand.u32 $0x7, v3;
	v4 =	vand.u32 $0xFFFFFFF0, v9  }
0x79: {  	v3 =	vor.u32 v3, v4  }
0x7a: {  	v4 =	vperm.xlane v3, v0;
	_ =	sdelay $0x1  }
0x7b: {  	v3 =	vperm.xlane v3, v2;
	v4 =	vadd.s32 v1, v4;
	_ =	sdelay $0x1  }
0x7c: {  	v3 =	vadd.s32 v1, v3;
	_ =	sdelay $0x1  }
0x7d: {  	s22 =	simm.s32 $0x9400  }
0x7e: {  	[tilespmem:s22], [sflag:$0x2] =	stream.indirect_vreg.gather [hbm4b:s1+s3], $0x80, v4, vm0, $0xb8;
	[tilespmem:$0x10400] =	vst v63  }
0x7f: {  	s25 =	simm.s32 $0x9C00  }
0x80: {  	[tilespmem:s25], [sflag:$0x2] =	stream.indirect_vreg.gather [hbm4b:s1+s3], $0x80, v3, vm0, $0xb8;
	[tilespmem:$0x10400] =	vst v63  }
0x81: {  	v3 =	vld [tilespmem:$0xA0];
	_ =	sdelay $0x4  }
0x82: {  	v10 =	vshll.u32 v3, $0x1  }
0x83: {  	v3 =	vand.u32 $0x7, v3;
	v4 =	vand.u32 $0xFFFFFFF0, v10  }
0x84: {  	v3 =	vor.u32 v3, v4  }
0x85: {  	v4 =	vperm.xlane v3, v0;
	_ =	sdelay $0x1  }
0x86: {  	v3 =	vperm.xlane v3, v2;
	v4 =	vadd.s32 v1, v4;
	_ =	sdelay $0x1  }
0x87: {  	v3 =	vadd.s32 v1, v3;
	_ =	sdelay $0x1  }
0x88: {  	s26 =	simm.s32 $0xA400  }
0x89: {  	[tilespmem:s26], [sflag:$0x2] =	stream.indirect_vreg.gather [hbm4b:s1+s3], $0x80, v4, vm0, $0xb8;
	[tilespmem:$0x10400] =	vst v63  }
0x8a: {  	s28 =	simm.s32 $0xAC00  }
0x8b: {  	[tilespmem:s28], [sflag:$0x2] =	stream.indirect_vreg.gather [hbm4b:s1+s3], $0x80, v3, vm0, $0xb8;
	[tilespmem:$0x10400] =	vst v63  }
0x8c: {  	v3 =	vld [tilespmem:$0xB0];
	_ =	sdelay $0x4  }
0x8d: {  	v11 =	vshll.u32 v3, $0x1  }
0x8e: {  	v3 =	vand.u32 $0x7, v3;
	v4 =	vand.u32 $0xFFFFFFF0, v11  }
0x8f: {  	v3 =	vor.u32 v3, v4  }
0x90: {  	v4 =	vperm.xlane v3, v0;
	_ =	sdelay $0x1  }
0x91: {  	v3 =	vperm.xlane v3, v2;
	v4 =	vadd.s32 v1, v4;
	_ =	sdelay $0x1  }
0x92: {  	v3 =	vadd.s32 v1, v3;
	_ =	sdelay $0x1  }
0x93: {  	s29 =	simm.s32 $0xB400  }
0x94: {  	[tilespmem:s29], [sflag:$0x2] =	stream.indirect_vreg.gather [hbm4b:s1+s3], $0x80, v4, vm0, $0xb8;
	[tilespmem:$0x10400] =	vst v63  }
0x95: {  	s30 =	simm.s32 $0xBC00  }
0x96: {  	[tilespmem:s30], [sflag:$0x2] =	stream.indirect_vreg.gather [hbm4b:s1+s3], $0x80, v3, vm0, $0xb8;
	[tilespmem:$0x10400] =	vst v63  }
0x97: {  	v3 =	vld [tilespmem:$0xC0];
	_ =	sdelay $0x4  }
0x98: {  	v12 =	vshll.u32 v3, $0x1  }
0x99: {  	v3 =	vand.u32 $0x7, v3;
	v4 =	vand.u32 $0xFFFFFFF0, v12  }
0x9a: {  	v3 =	vor.u32 v3, v4  }
0x9b: {  	v4 =	vperm.xlane v3, v0;
	_ =	sdelay $0x1  }
0x9c: {  	v3 =	vperm.xlane v3, v2;
	v4 =	vadd.s32 v1, v4;
	_ =	sdelay $0x1  }
0x9d: {  	v3 =	vadd.s32 v1, v3;
	_ =	sdelay $0x1  }
0x9e: {  	s31 =	simm.s32 $0xC400  }
0x9f: {  	[tilespmem:s31], [sflag:$0x2] =	stream.indirect_vreg.gather [hbm4b:s1+s3], $0x80, v4, vm0, $0xb8;
	[tilespmem:$0x10400] =	vst v63  }
0xa0: {  	s0 =	simm.s32 $0xCC00  }
0xa1: {  	[tilespmem:s0], [sflag:$0x2] =	stream.indirect_vreg.gather [hbm4b:s1+s3], $0x80, v3, vm0, $0xb8;
	[tilespmem:$0x10400] =	vst v63  }
0xa2: {  	v3 =	vld [tilespmem:$0xD0];
	_ =	sdelay $0x4  }
0xa3: {  	v13 =	vshll.u32 v3, $0x1  }
0xa4: {  	v3 =	vand.u32 $0x7, v3;
	v4 =	vand.u32 $0xFFFFFFF0, v13  }
0xa5: {  	v3 =	vor.u32 v3, v4  }
0xa6: {  	v4 =	vperm.xlane v3, v0;
	_ =	sdelay $0x1  }
0xa7: {  	v3 =	vperm.xlane v3, v2;
	v4 =	vadd.s32 v1, v4;
	_ =	sdelay $0x1  }
0xa8: {  	v3 =	vadd.s32 v1, v3;
	_ =	sdelay $0x1  }
0xa9: {  	s11 =	simm.s32 $0xD400  }
0xaa: {  	[tilespmem:s11], [sflag:$0x2] =	stream.indirect_vreg.gather [hbm4b:s1+s3], $0x80, v4, vm0, $0xb8;
	[tilespmem:$0x10400] =	vst v63  }
0xab: {  	s12 =	simm.s32 $0xDC00  }
0xac: {  	[tilespmem:s12], [sflag:$0x2] =	stream.indirect_vreg.gather [hbm4b:s1+s3], $0x80, v3, vm0, $0xb8;
	[tilespmem:$0x10400] =	vst v63  }
0xad: {  	v3 =	vld [tilespmem:$0xE0];
	_ =	sdelay $0x4  }
0xae: {  	v14 =	vshll.u32 v3, $0x1  }
0xaf: {  	v3 =	vand.u32 $0x7, v3;
	v4 =	vand.u32 $0xFFFFFFF0, v14  }
0xb0: {  	v3 =	vor.u32 v3, v4  }
0xb1: {  	v4 =	vperm.xlane v3, v0;
	_ =	sdelay $0x1  }
0xb2: {  	v3 =	vperm.xlane v3, v2;
	v4 =	vadd.s32 v1, v4;
	_ =	sdelay $0x1  }
0xb3: {  	v3 =	vadd.s32 v1, v3;
	_ =	sdelay $0x1  }
0xb4: {  	s17 =	simm.s32 $0xE400  }
0xb5: {  	[tilespmem:s17], [sflag:$0x2] =	stream.indirect_vreg.gather [hbm4b:s1+s3], $0x80, v4, vm0, $0xb8;
	[tilespmem:$0x10400] =	vst v63  }
0xb6: {  	s18 =	simm.s32 $0xEC00  }
0xb7: {  	[tilespmem:s18], [sflag:$0x2] =	stream.indirect_vreg.gather [hbm4b:s1+s3], $0x80, v3, vm0, $0xb8;
	[tilespmem:$0x10400] =	vst v63  }
0xb8: {  	v3 =	vld [tilespmem:$0xF0];
	_ =	sdelay $0x4  }
0xb9: {  	v15 =	vshll.u32 v3, $0x1  }
0xba: {  	v3 =	vand.u32 $0x7, v3;
	v4 =	vand.u32 $0xFFFFFFF0, v15  }
0xbb: {  	v3 =	vor.u32 v3, v4  }
0xbc: {  	v4 =	vperm.xlane v3, v0;
	_ =	sdelay $0x1  }
0xbd: {  	v3 =	vperm.xlane v3, v2;
	v4 =	vadd.s32 v1, v4;
	_ =	sdelay $0x1  }
0xbe: {  	v3 =	vadd.s32 v1, v3;
	_ =	sdelay $0x1  }
0xbf: {  	s20 =	simm.s32 $0xF400  }
0xc0: {  	[tilespmem:s20], [sflag:$0x2] =	stream.indirect_vreg.gather [hbm4b:s1+s3], $0x80, v4, vm0, $0xb8;
	[tilespmem:$0x10400] =	vst v63  }
0xc1: {  	s26 =	simm.s32 $0xFC00  }
0xc2: {  	[tilespmem:s26], [sflag:$0x2] =	stream.indirect_vreg.gather [hbm4b:s1+s3], $0x80, v3, vm0, $0xb8;
	[tilespmem:$0x10400] =	vst v63  }
0xc3: {  	_ =	swait.ge [sflag:s13], $0x8000  }
0xc4: {  	[sflag:s13] =	ssyncset.done $0x0  }
0xc5: {  	s0 =	rddreg [dreg:$0xc];
	[sflag:s13] =	ssyncadd.s32 $0xFFFF8000  }
0xc6: {  	[hbm4b:s0+s3] =	stream.linear.scatter [tilespmem:s24], [sflag:$0x3], $0x8000, $0x38;
	[tilespmem:$0x10400] =	vst v63  }
0xc7: {  	_ =	swait.ge [sflag:s6], $0x8000  }
0xc8: {  	[sflag:s6] =	ssyncset.done $0x0  }
0xc9: {  	[sflag:s6] =	ssyncadd.s32 $0xFFFF8000  }
0xca: {  	v3 =	vld [tilespmem:$0x100];
	_ =	sdelay $0x4  }
0xcb: {  	v16 =	vshll.u32 v3, $0x1  }
0xcc: {  	v3 =	vand.u32 $0x7, v3;
	v4 =	vand.u32 $0xFFFFFFF0, v16  }
0xcd: {  	v3 =	vor.u32 v3, v4  }
0xce: {  	v4 =	vperm.xlane v3, v0;
	_ =	sdelay $0x1  }
0xcf: {  	v3 =	vperm.xlane v3, v2;
	v4 =	vadd.s32 v1, v4;
	_ =	sdelay $0x1  }
0xd0: {  	v3 =	vadd.s32 v1, v3;
	_ =	sdelay $0x2  }
0xd1: {  	[tilespmem:s24], [sflag:$0x1] =	stream.indirect_vreg.gather [hbm4b:s1+s3], $0x80, v4, vm0, $0xb8;
	[tilespmem:$0x10400] =	vst v63  }
0xd2: {  	s8 =	simm.s32 $0xC00  }
0xd3: {  	[tilespmem:s8], [sflag:$0x1] =	stream.indirect_vreg.gather [hbm4b:s1+s3], $0x80, v3, vm0, $0xb8;
	[tilespmem:$0x10400] =	vst v63  }
0xd4: {  	v3 =	vld [tilespmem:$0x110];
	_ =	sdelay $0x4  }
0xd5: {  	v17 =	vshll.u32 v3, $0x1  }
0xd6: {  	v3 =	vand.u32 $0x7, v3;
	v4 =	vand.u32 $0xFFFFFFF0, v17  }
0xd7: {  	v3 =	vor.u32 v3, v4  }
0xd8: {  	v4 =	vperm.xlane v3, v0;
	_ =	sdelay $0x1  }
0xd9: {  	v3 =	vperm.xlane v3, v2;
	v4 =	vadd.s32 v1, v4;
	_ =	sdelay $0x1  }
0xda: {  	v3 =	vadd.s32 v1, v3;
	_ =	sdelay $0x1  }
0xdb: {  	s4 =	simm.s32 $0x1400  }
0xdc: {  	[tilespmem:s4], [sflag:$0x1] =	stream.indirect_vreg.gather [hbm4b:s1+s3], $0x80, v4, vm0, $0xb8;
	[tilespmem:$0x10400] =	vst v63  }
0xdd: {  	s20 =	simm.s32 $0x1C00  }
0xde: {  	[tilespmem:s20], [sflag:$0x1] =	stream.indirect_vreg.gather [hbm4b:s1+s3], $0x80, v3, vm0, $0xb8;
	[tilespmem:$0x10400] =	vst v63  }
0xdf: {  	v3 =	vld [tilespmem:$0x120];
	_ =	sdelay $0x4  }
0xe0: {  	v18 =	vshll.u32 v3, $0x1  }
0xe1: {  	v3 =	vand.u32 $0x7, v3;
	v4 =	vand.u32 $0xFFFFFFF0, v18  }
0xe2: {  	v3 =	vor.u32 v3, v4  }
0xe3: {  	v4 =	vperm.xlane v3, v0;
	_ =	sdelay $0x1  }
0xe4: {  	v3 =	vperm.xlane v3, v2;
	v4 =	vadd.s32 v1, v4;
	_ =	sdelay $0x1  }
0xe5: {  	v3 =	vadd.s32 v1, v3;
	_ =	sdelay $0x1  }
0xe6: {  	s7 =	simm.s32 $0x2400  }
0xe7: {  	[tilespmem:s7], [sflag:$0x1] =	stream.indirect_vreg.gather [hbm4b:s1+s3], $0x80, v4, vm0, $0xb8;
	[tilespmem:$0x10400] =	vst v63  }
0xe8: {  	s9 =	simm.s32 $0x2C00  }
0xe9: {  	[tilespmem:s9], [sflag:$0x1] =	stream.indirect_vreg.gather [hbm4b:s1+s3], $0x80, v3, vm0, $0xb8;
	[tilespmem:$0x10400] =	vst v63  }
0xea: {  	v3 =	vld [tilespmem:$0x130];
	_ =	sdelay $0x4  }
0xeb: {  	v19 =	vshll.u32 v3, $0x1  }
0xec: {  	v3 =	vand.u32 $0x7, v3;
	v4 =	vand.u32 $0xFFFFFFF0, v19  }
0xed: {  	v3 =	vor.u32 v3, v4  }
0xee: {  	v4 =	vperm.xlane v3, v0;
	_ =	sdelay $0x1  }
0xef: {  	v3 =	vperm.xlane v3, v2;
	v4 =	vadd.s32 v1, v4;
	_ =	sdelay $0x1  }
0xf0: {  	v3 =	vadd.s32 v1, v3;
	_ =	sdelay $0x1  }
0xf1: {  	s8 =	simm.s32 $0x3400  }
0xf2: {  	[tilespmem:s8], [sflag:$0x1] =	stream.indirect_vreg.gather [hbm4b:s1+s3], $0x80, v4, vm0, $0xb8;
	[tilespmem:$0x10400] =	vst v63  }
0xf3: {  	s11 =	simm.s32 $0x3C00  }
0xf4: {  	[tilespmem:s11], [sflag:$0x1] =	stream.indirect_vreg.gather [hbm4b:s1+s3], $0x80, v3, vm0, $0xb8;
	[tilespmem:$0x10400] =	vst v63  }
0xf5: {  	v3 =	vld [tilespmem:$0x140];
	_ =	sdelay $0x4  }
0xf6: {  	v20 =	vshll.u32 v3, $0x1  }
0xf7: {  	v3 =	vand.u32 $0x7, v3;
	v4 =	vand.u32 $0xFFFFFFF0, v20  }
0xf8: {  	v3 =	vor.u32 v3, v4  }
0xf9: {  	v4 =	vperm.xlane v3, v0;
	_ =	sdelay $0x1  }
0xfa: {  	v3 =	vperm.xlane v3, v2;
	v4 =	vadd.s32 v1, v4;
	_ =	sdelay $0x1  }
0xfb: {  	v3 =	vadd.s32 v1, v3;
	_ =	sdelay $0x1  }
0xfc: {  	s9 =	simm.s32 $0x4400  }
0xfd: {  	[tilespmem:s9], [sflag:$0x1] =	stream.indirect_vreg.gather [hbm4b:s1+s3], $0x80, v4, vm0, $0xb8;
	[tilespmem:$0x10400] =	vst v63  }
0xfe: {  	s12 =	simm.s32 $0x4C00  }
0xff: {  	[tilespmem:s12], [sflag:$0x1] =	stream.indirect_vreg.gather [hbm4b:s1+s3], $0x80, v3, vm0, $0xb8;
	[tilespmem:$0x10400] =	vst v63  }
0x100: {  	v3 =	vld [tilespmem:$0x150];
	_ =	sdelay $0x4  }
0x101: {  	v21 =	vshll.u32 v3, $0x1  }
0x102: {  	v3 =	vand.u32 $0x7, v3;
	v4 =	vand.u32 $0xFFFFFFF0, v21  }
0x103: {  	v3 =	vor.u32 v3, v4  }
0x104: {  	v4 =	vperm.xlane v3, v0;
	_ =	sdelay $0x1  }
0x105: {  	v3 =	vperm.xlane v3, v2;
	v4 =	vadd.s32 v1, v4;
	_ =	sdelay $0x1  }
0x106: {  	v3 =	vadd.s32 v1, v3;
	_ =	sdelay $0x1  }
0x107: {  	s10 =	simm.s32 $0x5400  }
0x108: {  	[tilespmem:s10], [sflag:$0x1] =	stream.indirect_vreg.gather [hbm4b:s1+s3], $0x80, v4, vm0, $0xb8;
	[tilespmem:$0x10400] =	vst v63  }
0x109: {  	s16 =	simm.s32 $0x5C00  }
0x10a: {  	[tilespmem:s16], [sflag:$0x1] =	stream.indirect_vreg.gather [hbm4b:s1+s3], $0x80, v3, vm0, $0xb8;
	[tilespmem:$0x10400] =	vst v63  }
0x10b: {  	v3 =	vld [tilespmem:$0x160];
	_ =	sdelay $0x4  }
0x10c: {  	v22 =	vshll.u32 v3, $0x1  }
0x10d: {  	v3 =	vand.u32 $0x7, v3;
	v4 =	vand.u32 $0xFFFFFFF0, v22  }
0x10e: {  	v3 =	vor.u32 v3, v4  }
0x10f: {  	v4 =	vperm.xlane v3, v0;
	_ =	sdelay $0x1  }
0x110: {  	v3 =	vperm.xlane v3, v2;
	v4 =	vadd.s32 v1, v4;
	_ =	sdelay $0x1  }
0x111: {  	v3 =	vadd.s32 v1, v3;
	_ =	sdelay $0x1  }
0x112: {  	s16 =	simm.s32 $0x6400  }
0x113: {  	[tilespmem:s16], [sflag:$0x1] =	stream.indirect_vreg.gather [hbm4b:s1+s3], $0x80, v4, vm0, $0xb8;
	[tilespmem:$0x10400] =	vst v63  }
0x114: {  	s17 =	simm.s32 $0x6C00  }
0x115: {  	[tilespmem:s17], [sflag:$0x1] =	stream.indirect_vreg.gather [hbm4b:s1+s3], $0x80, v3, vm0, $0xb8;
	[tilespmem:$0x10400] =	vst v63  }
0x116: {  	v3 =	vld [tilespmem:$0x170];
	_ =	sdelay $0x4  }
0x117: {  	v23 =	vshll.u32 v3, $0x1  }
0x118: {  	v3 =	vand.u32 $0x7, v3;
	v4 =	vand.u32 $0xFFFFFFF0, v23  }
0x119: {  	v3 =	vor.u32 v3, v4  }
0x11a: {  	v4 =	vperm.xlane v3, v0;
	_ =	sdelay $0x1  }
0x11b: {  	v3 =	vperm.xlane v3, v2;
	v4 =	vadd.s32 v1, v4;
	_ =	sdelay $0x1  }
0x11c: {  	v3 =	vadd.s32 v1, v3;
	_ =	sdelay $0x1  }
0x11d: {  	s18 =	simm.s32 $0x7400  }
0x11e: {  	[tilespmem:s18], [sflag:$0x1] =	stream.indirect_vreg.gather [hbm4b:s1+s3], $0x80, v4, vm0, $0xb8;
	[tilespmem:$0x10400] =	vst v63  }
0x11f: {  	s10 =	simm.s32 $0x7C00  }
0x120: {  	[tilespmem:s10], [sflag:$0x1] =	stream.indirect_vreg.gather [hbm4b:s1+s3], $0x80, v3, vm0, $0xb8;
	[tilespmem:$0x10400] =	vst v63  }
0x121: {  	_ =	swait.ge [sflag:s14], $0x8000  }
0x122: {  	[sflag:s14] =	ssyncset.done $0x0  }
0x123: {  	s7 =	rddreg [dreg:$0x5];
	[sflag:s14] =	ssyncadd.s32 $0xFFFF8000  }
0x124: {  	[hbm4b:s7+s3] =	stream.linear.scatter [tilespmem:s23], [sflag:$0x3], $0x8000, $0x38;
	[tilespmem:$0x10400] =	vst v63  }
0x125: {  	_ =	swait.ge [sflag:s6], $0x8000  }
0x126: {  	[sflag:s6] =	ssyncset.done $0x0  }
0x127: {  	[sflag:s6] =	ssyncadd.s32 $0xFFFF8000  }
0x128: {  	v3 =	vld [tilespmem:$0x180];
	_ =	sdelay $0x4  }
0x129: {  	v24 =	vshll.u32 v3, $0x1  }
0x12a: {  	v3 =	vand.u32 $0x7, v3;
	v4 =	vand.u32 $0xFFFFFFF0, v24  }
0x12b: {  	v3 =	vor.u32 v3, v4  }
0x12c: {  	v4 =	vperm.xlane v3, v0;
	_ =	sdelay $0x1  }
0x12d: {  	v3 =	vperm.xlane v3, v2;
	v4 =	vadd.s32 v1, v4;
	_ =	sdelay $0x1  }
0x12e: {  	v3 =	vadd.s32 v1, v3;
	_ =	sdelay $0x2  }
0x12f: {  	[tilespmem:s23], [sflag:$0x2] =	stream.indirect_vreg.gather [hbm4b:s1+s3], $0x80, v4, vm0, $0xb8;
	[tilespmem:$0x10400] =	vst v63  }
0x130: {  	s2 =	simm.s32 $0x8C00  }
0x131: {  	[tilespmem:s2], [sflag:$0x2] =	stream.indirect_vreg.gather [hbm4b:s1+s3], $0x80, v3, vm0, $0xb8;
	[tilespmem:$0x10400] =	vst v63  }
0x132: {  	v3 =	vld [tilespmem:$0x190];
	_ =	sdelay $0x4  }
0x133: {  	v25 =	vshll.u32 v3, $0x1  }
0x134: {  	v3 =	vand.u32 $0x7, v3;
	v4 =	vand.u32 $0xFFFFFFF0, v25  }
0x135: {  	v3 =	vor.u32 v3, v4  }
0x136: {  	v4 =	vperm.xlane v3, v0;
	_ =	sdelay $0x1  }
0x137: {  	v3 =	vperm.xlane v3, v2;
	v4 =	vadd.s32 v1, v4;
	_ =	sdelay $0x1  }
0x138: {  	v3 =	vadd.s32 v1, v3;
	_ =	sdelay $0x1  }
0x139: {  	s0 =	simm.s32 $0x9400  }
0x13a: {  	[tilespmem:s0], [sflag:$0x2] =	stream.indirect_vreg.gather [hbm4b:s1+s3], $0x80, v4, vm0, $0xb8;
	[tilespmem:$0x10400] =	vst v63  }
0x13b: {  	s4 =	simm.s32 $0x9C00  }
0x13c: {  	[tilespmem:s4], [sflag:$0x2] =	stream.indirect_vreg.gather [hbm4b:s1+s3], $0x80, v3, vm0, $0xb8;
	[tilespmem:$0x10400] =	vst v63  }
0x13d: {  	v3 =	vld [tilespmem:$0x1A0];
	_ =	sdelay $0x4  }
0x13e: {  	v26 =	vshll.u32 v3, $0x1  }
0x13f: {  	v3 =	vand.u32 $0x7, v3;
	v4 =	vand.u32 $0xFFFFFFF0, v26  }
0x140: {  	v3 =	vor.u32 v3, v4  }
0x141: {  	v4 =	vperm.xlane v3, v0;
	_ =	sdelay $0x1  }
0x142: {  	v3 =	vperm.xlane v3, v2;
	v4 =	vadd.s32 v1, v4;
	_ =	sdelay $0x1  }
0x143: {  	v3 =	vadd.s32 v1, v3;
	_ =	sdelay $0x1  }
0x144: {  	s2 =	simm.s32 $0xA400  }
0x145: {  	[tilespmem:s2], [sflag:$0x2] =	stream.indirect_vreg.gather [hbm4b:s1+s3], $0x80, v4, vm0, $0xb8;
	[tilespmem:$0x10400] =	vst v63  }
0x146: {  	s7 =	simm.s32 $0xAC00  }
0x147: {  	[tilespmem:s7], [sflag:$0x2] =	stream.indirect_vreg.gather [hbm4b:s1+s3], $0x80, v3, vm0, $0xb8;
	[tilespmem:$0x10400] =	vst v63  }
0x148: {  	v3 =	vld [tilespmem:$0x1B0];
	_ =	sdelay $0x4  }
0x149: {  	v27 =	vshll.u32 v3, $0x1  }
0x14a: {  	v3 =	vand.u32 $0x7, v3;
	v4 =	vand.u32 $0xFFFFFFF0, v27  }
0x14b: {  	v3 =	vor.u32 v3, v4  }
0x14c: {  	v4 =	vperm.xlane v3, v0;
	_ =	sdelay $0x1  }
0x14d: {  	v3 =	vperm.xlane v3, v2;
	v4 =	vadd.s32 v1, v4;
	_ =	sdelay $0x1  }
0x14e: {  	v3 =	vadd.s32 v1, v3;
	_ =	sdelay $0x1  }
0x14f: {  	s28 =	simm.s32 $0xB400  }
0x150: {  	[tilespmem:s28], [sflag:$0x2] =	stream.indirect_vreg.gather [hbm4b:s1+s3], $0x80, v4, vm0, $0xb8;
	[tilespmem:$0x10400] =	vst v63  }
0x151: {  	s21 =	simm.s32 $0xBC00  }
0x152: {  	[tilespmem:s21], [sflag:$0x2] =	stream.indirect_vreg.gather [hbm4b:s1+s3], $0x80, v3, vm0, $0xb8;
	[tilespmem:$0x10400] =	vst v63  }
0x153: {  	v3 =	vld [tilespmem:$0x1C0];
	_ =	sdelay $0x4  }
0x154: {  	v28 =	vshll.u32 v3, $0x1  }
0x155: {  	v3 =	vand.u32 $0x7, v3;
	v4 =	vand.u32 $0xFFFFFFF0, v28  }
0x156: {  	v3 =	vor.u32 v3, v4  }
0x157: {  	v4 =	vperm.xlane v3, v0;
	_ =	sdelay $0x1  }
0x158: {  	v3 =	vperm.xlane v3, v2;
	v4 =	vadd.s32 v1, v4;
	_ =	sdelay $0x1  }
0x159: {  	v3 =	vadd.s32 v1, v3;
	_ =	sdelay $0x1  }
0x15a: {  	s31 =	simm.s32 $0xC400  }
0x15b: {  	[tilespmem:s31], [sflag:$0x2] =	stream.indirect_vreg.gather [hbm4b:s1+s3], $0x80, v4, vm0, $0xb8;
	[tilespmem:$0x10400] =	vst v63  }
0x15c: {  	s19 =	simm.s32 $0xCC00  }
0x15d: {  	[tilespmem:s19], [sflag:$0x2] =	stream.indirect_vreg.gather [hbm4b:s1+s3], $0x80, v3, vm0, $0xb8;
	[tilespmem:$0x10400] =	vst v63  }
0x15e: {  	v3 =	vld [tilespmem:$0x1D0];
	_ =	sdelay $0x4  }
0x15f: {  	v29 =	vshll.u32 v3, $0x1  }
0x160: {  	v3 =	vand.u32 $0x7, v3;
	v4 =	vand.u32 $0xFFFFFFF0, v29  }
0x161: {  	v3 =	vor.u32 v3, v4  }
0x162: {  	v4 =	vperm.xlane v3, v0;
	_ =	sdelay $0x1  }
0x163: {  	v3 =	vperm.xlane v3, v2;
	v4 =	vadd.s32 v1, v4;
	_ =	sdelay $0x1  }
0x164: {  	v3 =	vadd.s32 v1, v3;
	_ =	sdelay $0x1  }
0x165: {  	s31 =	simm.s32 $0xD400  }
0x166: {  	[tilespmem:s31], [sflag:$0x2] =	stream.indirect_vreg.gather [hbm4b:s1+s3], $0x80, v4, vm0, $0xb8;
	[tilespmem:$0x10400] =	vst v63  }
0x167: {  	s22 =	simm.s32 $0xDC00  }
0x168: {  	[tilespmem:s22], [sflag:$0x2] =	stream.indirect_vreg.gather [hbm4b:s1+s3], $0x80, v3, vm0, $0xb8;
	[tilespmem:$0x10400] =	vst v63  }
0x169: {  	v3 =	vld [tilespmem:$0x1E0];
	_ =	sdelay $0x4  }
0x16a: {  	v30 =	vshll.u32 v3, $0x1  }
0x16b: {  	v3 =	vand.u32 $0x7, v3;
	v4 =	vand.u32 $0xFFFFFFF0, v30  }
0x16c: {  	v3 =	vor.u32 v3, v4  }
0x16d: {  	v4 =	vperm.xlane v3, v0;
	_ =	sdelay $0x1  }
0x16e: {  	v3 =	vperm.xlane v3, v2;
	v4 =	vadd.s32 v1, v4;
	_ =	sdelay $0x1  }
0x16f: {  	v3 =	vadd.s32 v1, v3;
	_ =	sdelay $0x1  }
0x170: {  	s29 =	simm.s32 $0xE400  }
0x171: {  	[tilespmem:s29], [sflag:$0x2] =	stream.indirect_vreg.gather [hbm4b:s1+s3], $0x80, v4, vm0, $0xb8;
	[tilespmem:$0x10400] =	vst v63  }
0x172: {  	s25 =	simm.s32 $0xEC00  }
0x173: {  	[tilespmem:s25], [sflag:$0x2] =	stream.indirect_vreg.gather [hbm4b:s1+s3], $0x80, v3, vm0, $0xb8;
	[tilespmem:$0x10400] =	vst v63  }
0x174: {  	v3 =	vld [tilespmem:$0x1F0];
	_ =	sdelay $0x4  }
0x175: {  	v31 =	vshll.u32 v3, $0x1  }
0x176: {  	v3 =	vand.u32 $0x7, v3;
	v4 =	vand.u32 $0xFFFFFFF0, v31  }
0x177: {  	v3 =	vor.u32 v3, v4  }
0x178: {  	v4 =	vperm.xlane v3, v0;
	_ =	sdelay $0x1  }
0x179: {  	v3 =	vperm.xlane v3, v2;
	v4 =	vadd.s32 v1, v4;
	_ =	sdelay $0x1  }
0x17a: {  	v3 =	vadd.s32 v1, v3;
	_ =	sdelay $0x1  }
0x17b: {  	s30 =	simm.s32 $0xF400  }
0x17c: {  	[tilespmem:s30], [sflag:$0x2] =	stream.indirect_vreg.gather [hbm4b:s1+s3], $0x80, v4, vm0, $0xb8;
	[tilespmem:$0x10400] =	vst v63  }
0x17d: {  	s26 =	simm.s32 $0xFC00  }
0x17e: {  	[tilespmem:s26], [sflag:$0x2] =	stream.indirect_vreg.gather [hbm4b:s1+s3], $0x80, v3, vm0, $0xb8;
	[tilespmem:$0x10400] =	vst v63  }
0x17f: {  	_ =	swait.ge [sflag:s13], $0x8000  }
0x180: {  	[sflag:s13] =	ssyncset.done $0x0  }
0x181: {  	s29 =	rddreg [dreg:$0x6];
	[sflag:s13] =	ssyncadd.s32 $0xFFFF8000  }
0x182: {  	[hbm4b:s29+s3] =	stream.linear.scatter [tilespmem:s24], [sflag:$0x3], $0x8000, $0x38;
	[tilespmem:$0x10400] =	vst v63  }
0x183: {  	_ =	swait.ge [sflag:s6], $0x8000  }
0x184: {  	[sflag:s6] =	ssyncset.done $0x0  }
0x185: {  	[sflag:s6] =	ssyncadd.s32 $0xFFFF8000  }
0x186: {  	v3 =	vld [tilespmem:$0x200];
	_ =	sdelay $0x4  }
0x187: {  	v32 =	vshll.u32 v3, $0x1  }
0x188: {  	v3 =	vand.u32 $0x7, v3;
	v4 =	vand.u32 $0xFFFFFFF0, v32  }
0x189: {  	v3 =	vor.u32 v3, v4  }
0x18a: {  	v4 =	vperm.xlane v3, v0;
	_ =	sdelay $0x1  }
0x18b: {  	v3 =	vperm.xlane v3, v2;
	v4 =	vadd.s32 v1, v4;
	_ =	sdelay $0x1  }
0x18c: {  	v3 =	vadd.s32 v1, v3;
	_ =	sdelay $0x2  }
0x18d: {  	[tilespmem:s24], [sflag:$0x1] =	stream.indirect_vreg.gather [hbm4b:s1+s3], $0x80, v4, vm0, $0xb8;
	[tilespmem:$0x10400] =	vst v63  }
0x18e: {  	s25 =	simm.s32 $0xC00  }
0x18f: {  	[tilespmem:s25], [sflag:$0x1] =	stream.indirect_vreg.gather [hbm4b:s1+s3], $0x80, v3, vm0, $0xb8;
	[tilespmem:$0x10400] =	vst v63  }
0x190: {  	v3 =	vld [tilespmem:$0x210];
	_ =	sdelay $0x4  }
0x191: {  	v33 =	vshll.u32 v3, $0x1  }
0x192: {  	v3 =	vand.u32 $0x7, v3;
	v4 =	vand.u32 $0xFFFFFFF0, v33  }
0x193: {  	v3 =	vor.u32 v3, v4  }
0x194: {  	v4 =	vperm.xlane v3, v0;
	_ =	sdelay $0x1  }
0x195: {  	v3 =	vperm.xlane v3, v2;
	v4 =	vadd.s32 v1, v4;
	_ =	sdelay $0x1  }
0x196: {  	v3 =	vadd.s32 v1, v3;
	_ =	sdelay $0x1  }
0x197: {  	s26 =	simm.s32 $0x1400  }
0x198: {  	[tilespmem:s26], [sflag:$0x1] =	stream.indirect_vreg.gather [hbm4b:s1+s3], $0x80, v4, vm0, $0xb8;
	[tilespmem:$0x10400] =	vst v63  }
0x199: {  	_ = 	snop  }
0x19a: {  	[tilespmem:s20], [sflag:$0x1] =	stream.indirect_vreg.gather [hbm4b:s1+s3], $0x80, v3, vm0, $0xb8;
	[tilespmem:$0x10400] =	vst v63  }
0x19b: {  	v3 =	vld [tilespmem:$0x220];
	_ =	sdelay $0x4  }
0x19c: {  	v34 =	vshll.u32 v3, $0x1  }
0x19d: {  	v3 =	vand.u32 $0x7, v3;
	v4 =	vand.u32 $0xFFFFFFF0, v34  }
0x19e: {  	v3 =	vor.u32 v3, v4  }
0x19f: {  	v4 =	vperm.xlane v3, v0;
	_ =	sdelay $0x1  }
0x1a0: {  	v3 =	vperm.xlane v3, v2;
	v4 =	vadd.s32 v1, v4;
	_ =	sdelay $0x1  }
0x1a1: {  	v3 =	vadd.s32 v1, v3;
	_ =	sdelay $0x1  }
0x1a2: {  	s29 =	simm.s32 $0x2400  }
0x1a3: {  	[tilespmem:s29], [sflag:$0x1] =	stream.indirect_vreg.gather [hbm4b:s1+s3], $0x80, v4, vm0, $0xb8;
	[tilespmem:$0x10400] =	vst v63  }
0x1a4: {  	s25 =	simm.s32 $0x2C00  }
0x1a5: {  	[tilespmem:s25], [sflag:$0x1] =	stream.indirect_vreg.gather [hbm4b:s1+s3], $0x80, v3, vm0, $0xb8;
	[tilespmem:$0x10400] =	vst v63  }
0x1a6: {  	v3 =	vld [tilespmem:$0x230];
	_ =	sdelay $0x4  }
0x1a7: {  	v35 =	vshll.u32 v3, $0x1  }
0x1a8: {  	v3 =	vand.u32 $0x7, v3;
	v4 =	vand.u32 $0xFFFFFFF0, v35  }
0x1a9: {  	v3 =	vor.u32 v3, v4  }
0x1aa: {  	v4 =	vperm.xlane v3, v0;
	_ =	sdelay $0x1  }
0x1ab: {  	v3 =	vperm.xlane v3, v2;
	v4 =	vadd.s32 v1, v4;
	_ =	sdelay $0x1  }
0x1ac: {  	v3 =	vadd.s32 v1, v3;
	_ =	sdelay $0x2  }
0x1ad: {  	[tilespmem:s8], [sflag:$0x1] =	stream.indirect_vreg.gather [hbm4b:s1+s3], $0x80, v4, vm0, $0xb8;
	[tilespmem:$0x10400] =	vst v63  }
0x1ae: {  	_ = 	snop  }
0x1af: {  	[tilespmem:s11], [sflag:$0x1] =	stream.indirect_vreg.gather [hbm4b:s1+s3], $0x80, v3, vm0, $0xb8;
	[tilespmem:$0x10400] =	vst v63  }
0x1b0: {  	v3 =	vld [tilespmem:$0x240];
	_ =	sdelay $0x4  }
0x1b1: {  	v36 =	vshll.u32 v3, $0x1  }
0x1b2: {  	v3 =	vand.u32 $0x7, v3;
	v4 =	vand.u32 $0xFFFFFFF0, v36  }
0x1b3: {  	v3 =	vor.u32 v3, v4  }
0x1b4: {  	v4 =	vperm.xlane v3, v0;
	_ =	sdelay $0x1  }
0x1b5: {  	v3 =	vperm.xlane v3, v2;
	v4 =	vadd.s32 v1, v4;
	_ =	sdelay $0x1  }
0x1b6: {  	v3 =	vadd.s32 v1, v3;
	_ =	sdelay $0x2  }
0x1b7: {  	[tilespmem:s9], [sflag:$0x1] =	stream.indirect_vreg.gather [hbm4b:s1+s3], $0x80, v4, vm0, $0xb8;
	[tilespmem:$0x10400] =	vst v63  }
0x1b8: {  	_ = 	snop  }
0x1b9: {  	[tilespmem:s12], [sflag:$0x1] =	stream.indirect_vreg.gather [hbm4b:s1+s3], $0x80, v3, vm0, $0xb8;
	[tilespmem:$0x10400] =	vst v63  }
0x1ba: {  	v3 =	vld [tilespmem:$0x250];
	_ =	sdelay $0x4  }
0x1bb: {  	v37 =	vshll.u32 v3, $0x1  }
0x1bc: {  	v3 =	vand.u32 $0x7, v3;
	v4 =	vand.u32 $0xFFFFFFF0, v37  }
0x1bd: {  	v3 =	vor.u32 v3, v4  }
0x1be: {  	v4 =	vperm.xlane v3, v0;
	_ =	sdelay $0x1  }
0x1bf: {  	v3 =	vperm.xlane v3, v2;
	v4 =	vadd.s32 v1, v4;
	_ =	sdelay $0x1  }
0x1c0: {  	v3 =	vadd.s32 v1, v3;
	_ =	sdelay $0x1  }
0x1c1: {  	s26 =	simm.s32 $0x5400  }
0x1c2: {  	[tilespmem:s26], [sflag:$0x1] =	stream.indirect_vreg.gather [hbm4b:s1+s3], $0x80, v4, vm0, $0xb8;
	[tilespmem:$0x10400] =	vst v63  }
0x1c3: {  	s29 =	simm.s32 $0x5C00  }
0x1c4: {  	[tilespmem:s29], [sflag:$0x1] =	stream.indirect_vreg.gather [hbm4b:s1+s3], $0x80, v3, vm0, $0xb8;
	[tilespmem:$0x10400] =	vst v63  }
0x1c5: {  	v3 =	vld [tilespmem:$0x260];
	_ =	sdelay $0x4  }
0x1c6: {  	v38 =	vshll.u32 v3, $0x1  }
0x1c7: {  	v3 =	vand.u32 $0x7, v3;
	v4 =	vand.u32 $0xFFFFFFF0, v38  }
0x1c8: {  	v3 =	vor.u32 v3, v4  }
0x1c9: {  	v4 =	vperm.xlane v3, v0;
	_ =	sdelay $0x1  }
0x1ca: {  	v3 =	vperm.xlane v3, v2;
	v4 =	vadd.s32 v1, v4;
	_ =	sdelay $0x1  }
0x1cb: {  	v3 =	vadd.s32 v1, v3;
	_ =	sdelay $0x2  }
0x1cc: {  	[tilespmem:s16], [sflag:$0x1] =	stream.indirect_vreg.gather [hbm4b:s1+s3], $0x80, v4, vm0, $0xb8;
	[tilespmem:$0x10400] =	vst v63  }
0x1cd: {  	_ = 	snop  }
0x1ce: {  	[tilespmem:s17], [sflag:$0x1] =	stream.indirect_vreg.gather [hbm4b:s1+s3], $0x80, v3, vm0, $0xb8;
	[tilespmem:$0x10400] =	vst v63  }
0x1cf: {  	v3 =	vld [tilespmem:$0x270];
	_ =	sdelay $0x4  }
0x1d0: {  	v39 =	vshll.u32 v3, $0x1  }
0x1d1: {  	v3 =	vand.u32 $0x7, v3;
	v4 =	vand.u32 $0xFFFFFFF0, v39  }
0x1d2: {  	v3 =	vor.u32 v3, v4  }
0x1d3: {  	v4 =	vperm.xlane v3, v0;
	_ =	sdelay $0x1  }
0x1d4: {  	v3 =	vperm.xlane v3, v2;
	v4 =	vadd.s32 v1, v4;
	_ =	sdelay $0x1  }
0x1d5: {  	v3 =	vadd.s32 v1, v3;
	_ =	sdelay $0x2  }
0x1d6: {  	[tilespmem:s18], [sflag:$0x1] =	stream.indirect_vreg.gather [hbm4b:s1+s3], $0x80, v4, vm0, $0xb8;
	[tilespmem:$0x10400] =	vst v63  }
0x1d7: {  	_ = 	snop  }
0x1d8: {  	[tilespmem:s10], [sflag:$0x1] =	stream.indirect_vreg.gather [hbm4b:s1+s3], $0x80, v3, vm0, $0xb8;
	[tilespmem:$0x10400] =	vst v63  }
0x1d9: {  	_ =	swait.ge [sflag:s14], $0x8000  }
0x1da: {  	[sflag:s14] =	ssyncset.done $0x0  }
0x1db: {  	s25 =	rddreg [dreg:$0x7];
	[sflag:s14] =	ssyncadd.s32 $0xFFFF8000  }
0x1dc: {  	[hbm4b:s25+s3] =	stream.linear.scatter [tilespmem:s23], [sflag:$0x3], $0x8000, $0x38;
	[tilespmem:$0x10400] =	vst v63  }
0x1dd: {  	_ =	swait.ge [sflag:s6], $0x8000  }
0x1de: {  	[sflag:s6] =	ssyncset.done $0x0  }
0x1df: {  	[sflag:s6] =	ssyncadd.s32 $0xFFFF8000  }
0x1e0: {  	v3 =	vld [tilespmem:$0x280];
	_ =	sdelay $0x4  }
0x1e1: {  	v40 =	vshll.u32 v3, $0x1  }
0x1e2: {  	v3 =	vand.u32 $0x7, v3;
	v4 =	vand.u32 $0xFFFFFFF0, v40  }
0x1e3: {  	v3 =	vor.u32 v3, v4  }
0x1e4: {  	v4 =	vperm.xlane v3, v0;
	_ =	sdelay $0x1  }
0x1e5: {  	v3 =	vperm.xlane v3, v2;
	v4 =	vadd.s32 v1, v4;
	_ =	sdelay $0x1  }
0x1e6: {  	v3 =	vadd.s32 v1, v3;
	_ =	sdelay $0x2  }
0x1e7: {  	[tilespmem:s23], [sflag:$0x2] =	stream.indirect_vreg.gather [hbm4b:s1+s3], $0x80, v4, vm0, $0xb8;
	[tilespmem:$0x10400] =	vst v63  }
0x1e8: {  	s26 =	simm.s32 $0x8C00  }
0x1e9: {  	[tilespmem:s26], [sflag:$0x2] =	stream.indirect_vreg.gather [hbm4b:s1+s3], $0x80, v3, vm0, $0xb8;
	[tilespmem:$0x10400] =	vst v63  }
0x1ea: {  	v3 =	vld [tilespmem:$0x290];
	_ =	sdelay $0x4  }
0x1eb: {  	v41 =	vshll.u32 v3, $0x1  }
0x1ec: {  	v3 =	vand.u32 $0x7, v3;
	v4 =	vand.u32 $0xFFFFFFF0, v41  }
0x1ed: {  	v3 =	vor.u32 v3, v4  }
0x1ee: {  	v4 =	vperm.xlane v3, v0;
	_ =	sdelay $0x1  }
0x1ef: {  	v3 =	vperm.xlane v3, v2;
	v4 =	vadd.s32 v1, v4;
	_ =	sdelay $0x1  }
0x1f0: {  	v3 =	vadd.s32 v1, v3;
	_ =	sdelay $0x2  }
0x1f1: {  	[tilespmem:s0], [sflag:$0x2] =	stream.indirect_vreg.gather [hbm4b:s1+s3], $0x80, v4, vm0, $0xb8;
	[tilespmem:$0x10400] =	vst v63  }
0x1f2: {  	_ = 	snop  }
0x1f3: {  	[tilespmem:s4], [sflag:$0x2] =	stream.indirect_vreg.gather [hbm4b:s1+s3], $0x80, v3, vm0, $0xb8;
	[tilespmem:$0x10400] =	vst v63  }
0x1f4: {  	v3 =	vld [tilespmem:$0x2A0];
	_ =	sdelay $0x4  }
0x1f5: {  	v42 =	vshll.u32 v3, $0x1  }
0x1f6: {  	v3 =	vand.u32 $0x7, v3;
	v4 =	vand.u32 $0xFFFFFFF0, v42  }
0x1f7: {  	v3 =	vor.u32 v3, v4  }
0x1f8: {  	v4 =	vperm.xlane v3, v0;
	_ =	sdelay $0x1  }
0x1f9: {  	v3 =	vperm.xlane v3, v2;
	v4 =	vadd.s32 v1, v4;
	_ =	sdelay $0x1  }
0x1fa: {  	v3 =	vadd.s32 v1, v3;
	_ =	sdelay $0x2  }
0x1fb: {  	[tilespmem:s2], [sflag:$0x2] =	stream.indirect_vreg.gather [hbm4b:s1+s3], $0x80, v4, vm0, $0xb8;
	[tilespmem:$0x10400] =	vst v63  }
0x1fc: {  	_ = 	snop  }
0x1fd: {  	[tilespmem:s7], [sflag:$0x2] =	stream.indirect_vreg.gather [hbm4b:s1+s3], $0x80, v3, vm0, $0xb8;
	[tilespmem:$0x10400] =	vst v63  }
0x1fe: {  	v3 =	vld [tilespmem:$0x2B0];
	_ =	sdelay $0x4  }
0x1ff: {  	v43 =	vshll.u32 v3, $0x1  }
0x200: {  	v3 =	vand.u32 $0x7, v3;
	v4 =	vand.u32 $0xFFFFFFF0, v43  }
0x201: {  	v3 =	vor.u32 v3, v4  }
0x202: {  	v4 =	vperm.xlane v3, v0;
	_ =	sdelay $0x1  }
0x203: {  	v3 =	vperm.xlane v3, v2;
	v4 =	vadd.s32 v1, v4;
	_ =	sdelay $0x1  }
0x204: {  	v3 =	vadd.s32 v1, v3;
	_ =	sdelay $0x1  }
0x205: {  	s28 =	simm.s32 $0xB400  }
0x206: {  	[tilespmem:s28], [sflag:$0x2] =	stream.indirect_vreg.gather [hbm4b:s1+s3], $0x80, v4, vm0, $0xb8;
	[tilespmem:$0x10400] =	vst v63  }
0x207: {  	s29 =	simm.s32 $0xBC00  }
0x208: {  	[tilespmem:s29], [sflag:$0x2] =	stream.indirect_vreg.gather [hbm4b:s1+s3], $0x80, v3, vm0, $0xb8;
	[tilespmem:$0x10400] =	vst v63  }
0x209: {  	v3 =	vld [tilespmem:$0x2C0];
	_ =	sdelay $0x4  }
0x20a: {  	v44 =	vshll.u32 v3, $0x1  }
0x20b: {  	v3 =	vand.u32 $0x7, v3;
	v4 =	vand.u32 $0xFFFFFFF0, v44  }
0x20c: {  	v3 =	vor.u32 v3, v4  }
0x20d: {  	v4 =	vperm.xlane v3, v0;
	_ =	sdelay $0x1  }
0x20e: {  	v3 =	vperm.xlane v3, v2;
	v4 =	vadd.s32 v1, v4;
	_ =	sdelay $0x1  }
0x20f: {  	v3 =	vadd.s32 v1, v3;
	_ =	sdelay $0x1  }
0x210: {  	s21 =	simm.s32 $0xC400  }
0x211: {  	[tilespmem:s21], [sflag:$0x2] =	stream.indirect_vreg.gather [hbm4b:s1+s3], $0x80, v4, vm0, $0xb8;
	[tilespmem:$0x10400] =	vst v63  }
0x212: {  	s19 =	simm.s32 $0xCC00  }
0x213: {  	[tilespmem:s19], [sflag:$0x2] =	stream.indirect_vreg.gather [hbm4b:s1+s3], $0x80, v3, vm0, $0xb8;
	[tilespmem:$0x10400] =	vst v63  }
0x214: {  	v3 =	vld [tilespmem:$0x2D0];
	_ =	sdelay $0x4  }
0x215: {  	v45 =	vshll.u32 v3, $0x1  }
0x216: {  	v3 =	vand.u32 $0x7, v3;
	v4 =	vand.u32 $0xFFFFFFF0, v45  }
0x217: {  	v3 =	vor.u32 v3, v4  }
0x218: {  	v4 =	vperm.xlane v3, v0;
	_ =	sdelay $0x1  }
0x219: {  	v3 =	vperm.xlane v3, v2;
	v4 =	vadd.s32 v1, v4;
	_ =	sdelay $0x1  }
0x21a: {  	v3 =	vadd.s32 v1, v3;
	_ =	sdelay $0x1  }
0x21b: {  	s19 =	simm.s32 $0xD400  }
0x21c: {  	[tilespmem:s19], [sflag:$0x2] =	stream.indirect_vreg.gather [hbm4b:s1+s3], $0x80, v4, vm0, $0xb8;
	[tilespmem:$0x10400] =	vst v63  }
0x21d: {  	s31 =	simm.s32 $0xDC00  }
0x21e: {  	[tilespmem:s31], [sflag:$0x2] =	stream.indirect_vreg.gather [hbm4b:s1+s3], $0x80, v3, vm0, $0xb8;
	[tilespmem:$0x10400] =	vst v63  }
0x21f: {  	v3 =	vld [tilespmem:$0x2E0];
	_ =	sdelay $0x4  }
0x220: {  	v46 =	vshll.u32 v3, $0x1  }
0x221: {  	v3 =	vand.u32 $0x7, v3;
	v4 =	vand.u32 $0xFFFFFFF0, v46  }
0x222: {  	v3 =	vor.u32 v3, v4  }
0x223: {  	v4 =	vperm.xlane v3, v0;
	_ =	sdelay $0x1  }
0x224: {  	v3 =	vperm.xlane v3, v2;
	v4 =	vadd.s32 v1, v4;
	_ =	sdelay $0x1  }
0x225: {  	v3 =	vadd.s32 v1, v3;
	_ =	sdelay $0x1  }
0x226: {  	s22 =	simm.s32 $0xE400  }
0x227: {  	[tilespmem:s22], [sflag:$0x2] =	stream.indirect_vreg.gather [hbm4b:s1+s3], $0x80, v4, vm0, $0xb8;
	[tilespmem:$0x10400] =	vst v63  }
0x228: {  	s22 =	simm.s32 $0xEC00  }
0x229: {  	[tilespmem:s22], [sflag:$0x2] =	stream.indirect_vreg.gather [hbm4b:s1+s3], $0x80, v3, vm0, $0xb8;
	[tilespmem:$0x10400] =	vst v63  }
0x22a: {  	v3 =	vld [tilespmem:$0x2F0];
	_ =	sdelay $0x4  }
0x22b: {  	v47 =	vshll.u32 v3, $0x1  }
0x22c: {  	v3 =	vand.u32 $0x7, v3;
	v4 =	vand.u32 $0xFFFFFFF0, v47  }
0x22d: {  	v3 =	vor.u32 v3, v4  }
0x22e: {  	v4 =	vperm.xlane v3, v0;
	_ =	sdelay $0x1  }
0x22f: {  	v3 =	vperm.xlane v3, v2;
	v4 =	vadd.s32 v1, v4;
	_ =	sdelay $0x1  }
0x230: {  	v3 =	vadd.s32 v1, v3;
	_ =	sdelay $0x1  }
0x231: {  	s31 =	simm.s32 $0xF400  }
0x232: {  	[tilespmem:s31], [sflag:$0x2] =	stream.indirect_vreg.gather [hbm4b:s1+s3], $0x80, v4, vm0, $0xb8;
	[tilespmem:$0x10400] =	vst v63  }
0x233: {  	s30 =	simm.s32 $0xFC00  }
0x234: {  	[tilespmem:s30], [sflag:$0x2] =	stream.indirect_vreg.gather [hbm4b:s1+s3], $0x80, v3, vm0, $0xb8;
	[tilespmem:$0x10400] =	vst v63  }
0x235: {  	_ =	swait.ge [sflag:s13], $0x8000  }
0x236: {  	[sflag:s13] =	ssyncset.done $0x0  }
0x237: {  	s30 =	rddreg [dreg:$0x8];
	[sflag:s13] =	ssyncadd.s32 $0xFFFF8000  }
0x238: {  	[hbm4b:s30+s3] =	stream.linear.scatter [tilespmem:s24], [sflag:$0x3], $0x8000, $0x38;
	[tilespmem:$0x10400] =	vst v63  }
0x239: {  	_ =	swait.ge [sflag:s6], $0x8000  }
0x23a: {  	[sflag:s6] =	ssyncset.done $0x0  }
0x23b: {  	[sflag:s6] =	ssyncadd.s32 $0xFFFF8000  }
0x23c: {  	v3 =	vld [tilespmem:$0x300];
	_ =	sdelay $0x4  }
0x23d: {  	v48 =	vshll.u32 v3, $0x1  }
0x23e: {  	v3 =	vand.u32 $0x7, v3;
	v4 =	vand.u32 $0xFFFFFFF0, v48  }
0x23f: {  	v3 =	vor.u32 v3, v4  }
0x240: {  	v4 =	vperm.xlane v3, v0;
	_ =	sdelay $0x1  }
0x241: {  	v3 =	vperm.xlane v3, v2;
	v4 =	vadd.s32 v1, v4;
	_ =	sdelay $0x1  }
0x242: {  	v3 =	vadd.s32 v1, v3;
	_ =	sdelay $0x2  }
0x243: {  	[tilespmem:s24], [sflag:$0x1] =	stream.indirect_vreg.gather [hbm4b:s1+s3], $0x80, v4, vm0, $0xb8;
	[tilespmem:$0x10400] =	vst v63  }
0x244: {  	s30 =	simm.s32 $0xC00  }
0x245: {  	[tilespmem:s30], [sflag:$0x1] =	stream.indirect_vreg.gather [hbm4b:s1+s3], $0x80, v3, vm0, $0xb8;
	[tilespmem:$0x10400] =	vst v63  }
0x246: {  	v3 =	vld [tilespmem:$0x310];
	_ =	sdelay $0x4  }
0x247: {  	v49 =	vshll.u32 v3, $0x1  }
0x248: {  	v3 =	vand.u32 $0x7, v3;
	v4 =	vand.u32 $0xFFFFFFF0, v49  }
0x249: {  	v3 =	vor.u32 v3, v4  }
0x24a: {  	v4 =	vperm.xlane v3, v0;
	_ =	sdelay $0x1  }
0x24b: {  	v3 =	vperm.xlane v3, v2;
	v4 =	vadd.s32 v1, v4;
	_ =	sdelay $0x1  }
0x24c: {  	v3 =	vadd.s32 v1, v3;
	_ =	sdelay $0x1  }
0x24d: {  	s30 =	simm.s32 $0x1400  }
0x24e: {  	[tilespmem:s30], [sflag:$0x1] =	stream.indirect_vreg.gather [hbm4b:s1+s3], $0x80, v4, vm0, $0xb8;
	[tilespmem:$0x10400] =	vst v63  }
0x24f: {  	s20 =	simm.s32 $0x1C00  }
0x250: {  	[tilespmem:s20], [sflag:$0x1] =	stream.indirect_vreg.gather [hbm4b:s1+s3], $0x80, v3, vm0, $0xb8;
	[tilespmem:$0x10400] =	vst v63  }
0x251: {  	v3 =	vld [tilespmem:$0x320];
	_ =	sdelay $0x4  }
0x252: {  	v50 =	vshll.u32 v3, $0x1  }
0x253: {  	v3 =	vand.u32 $0x7, v3;
	v4 =	vand.u32 $0xFFFFFFF0, v50  }
0x254: {  	v3 =	vor.u32 v3, v4  }
0x255: {  	v4 =	vperm.xlane v3, v0;
	_ =	sdelay $0x1  }
0x256: {  	v3 =	vperm.xlane v3, v2;
	v4 =	vadd.s32 v1, v4;
	_ =	sdelay $0x1  }
0x257: {  	v3 =	vadd.s32 v1, v3;
	_ =	sdelay $0x1  }
0x258: {  	s20 =	simm.s32 $0x2400  }
0x259: {  	[tilespmem:s20], [sflag:$0x1] =	stream.indirect_vreg.gather [hbm4b:s1+s3], $0x80, v4, vm0, $0xb8;
	[tilespmem:$0x10400] =	vst v63  }
0x25a: {  	s30 =	simm.s32 $0x2C00  }
0x25b: {  	[tilespmem:s30], [sflag:$0x1] =	stream.indirect_vreg.gather [hbm4b:s1+s3], $0x80, v3, vm0, $0xb8;
	[tilespmem:$0x10400] =	vst v63  }
0x25c: {  	v3 =	vld [tilespmem:$0x330];
	_ =	sdelay $0x4  }
0x25d: {  	v51 =	vshll.u32 v3, $0x1  }
0x25e: {  	v3 =	vand.u32 $0x7, v3;
	v4 =	vand.u32 $0xFFFFFFF0, v51  }
0x25f: {  	v3 =	vor.u32 v3, v4  }
0x260: {  	v4 =	vperm.xlane v3, v0;
	_ =	sdelay $0x1  }
0x261: {  	v3 =	vperm.xlane v3, v2;
	v4 =	vadd.s32 v1, v4;
	_ =	sdelay $0x1  }
0x262: {  	v3 =	vadd.s32 v1, v3;
	_ =	sdelay $0x1  }
0x263: {  	s8 =	simm.s32 $0x3400  }
0x264: {  	[tilespmem:s8], [sflag:$0x1] =	stream.indirect_vreg.gather [hbm4b:s1+s3], $0x80, v4, vm0, $0xb8;
	[tilespmem:$0x10400] =	vst v63  }
0x265: {  	s11 =	simm.s32 $0x3C00  }
0x266: {  	[tilespmem:s11], [sflag:$0x1] =	stream.indirect_vreg.gather [hbm4b:s1+s3], $0x80, v3, vm0, $0xb8;
	[tilespmem:$0x10400] =	vst v63  }
0x267: {  	v3 =	vld [tilespmem:$0x340];
	_ =	sdelay $0x4  }
0x268: {  	v52 =	vshll.u32 v3, $0x1  }
0x269: {  	v3 =	vand.u32 $0x7, v3;
	v4 =	vand.u32 $0xFFFFFFF0, v52  }
0x26a: {  	v3 =	vor.u32 v3, v4  }
0x26b: {  	v4 =	vperm.xlane v3, v0;
	_ =	sdelay $0x1  }
0x26c: {  	v3 =	vperm.xlane v3, v2;
	v4 =	vadd.s32 v1, v4;
	_ =	sdelay $0x1  }
0x26d: {  	v3 =	vadd.s32 v1, v3;
	_ =	sdelay $0x1  }
0x26e: {  	s9 =	simm.s32 $0x4400  }
0x26f: {  	[tilespmem:s9], [sflag:$0x1] =	stream.indirect_vreg.gather [hbm4b:s1+s3], $0x80, v4, vm0, $0xb8;
	[tilespmem:$0x10400] =	vst v63  }
0x270: {  	s12 =	simm.s32 $0x4C00  }
0x271: {  	[tilespmem:s12], [sflag:$0x1] =	stream.indirect_vreg.gather [hbm4b:s1+s3], $0x80, v3, vm0, $0xb8;
	[tilespmem:$0x10400] =	vst v63  }
0x272: {  	v3 =	vld [tilespmem:$0x350];
	_ =	sdelay $0x4  }
0x273: {  	v53 =	vshll.u32 v3, $0x1  }
0x274: {  	v3 =	vand.u32 $0x7, v3;
	v4 =	vand.u32 $0xFFFFFFF0, v53  }
0x275: {  	v3 =	vor.u32 v3, v4  }
0x276: {  	v4 =	vperm.xlane v3, v0;
	_ =	sdelay $0x1  }
0x277: {  	v3 =	vperm.xlane v3, v2;
	v4 =	vadd.s32 v1, v4;
	_ =	sdelay $0x1  }
0x278: {  	v3 =	vadd.s32 v1, v3;
	_ =	sdelay $0x1  }
0x279: {  	s12 =	simm.s32 $0x5400  }
0x27a: {  	[tilespmem:s12], [sflag:$0x1] =	stream.indirect_vreg.gather [hbm4b:s1+s3], $0x80, v4, vm0, $0xb8;
	[tilespmem:$0x10400] =	vst v63  }
0x27b: {  	s15 =	simm.s32 $0x5C00  }
0x27c: {  	[tilespmem:s15], [sflag:$0x1] =	stream.indirect_vreg.gather [hbm4b:s1+s3], $0x80, v3, vm0, $0xb8;
	[tilespmem:$0x10400] =	vst v63  }
0x27d: {  	v3 =	vld [tilespmem:$0x360];
	_ =	sdelay $0x4  }
0x27e: {  	v54 =	vshll.u32 v3, $0x1  }
0x27f: {  	v3 =	vand.u32 $0x7, v3;
	v4 =	vand.u32 $0xFFFFFFF0, v54  }
0x280: {  	v3 =	vor.u32 v3, v4  }
0x281: {  	v4 =	vperm.xlane v3, v0;
	_ =	sdelay $0x1  }
0x282: {  	v3 =	vperm.xlane v3, v2;
	v4 =	vadd.s32 v1, v4;
	_ =	sdelay $0x1  }
0x283: {  	v3 =	vadd.s32 v1, v3;
	_ =	sdelay $0x1  }
0x284: {  	s16 =	simm.s32 $0x6400  }
0x285: {  	[tilespmem:s16], [sflag:$0x1] =	stream.indirect_vreg.gather [hbm4b:s1+s3], $0x80, v4, vm0, $0xb8;
	[tilespmem:$0x10400] =	vst v63  }
0x286: {  	s17 =	simm.s32 $0x6C00  }
0x287: {  	[tilespmem:s17], [sflag:$0x1] =	stream.indirect_vreg.gather [hbm4b:s1+s3], $0x80, v3, vm0, $0xb8;
	[tilespmem:$0x10400] =	vst v63  }
0x288: {  	v3 =	vld [tilespmem:$0x370];
	_ =	sdelay $0x4  }
0x289: {  	v55 =	vshll.u32 v3, $0x1  }
0x28a: {  	v3 =	vand.u32 $0x7, v3;
	v4 =	vand.u32 $0xFFFFFFF0, v55  }
0x28b: {  	v3 =	vor.u32 v3, v4  }
0x28c: {  	v4 =	vperm.xlane v3, v0;
	_ =	sdelay $0x1  }
0x28d: {  	v3 =	vperm.xlane v3, v2;
	v4 =	vadd.s32 v1, v4;
	_ =	sdelay $0x1  }
0x28e: {  	v3 =	vadd.s32 v1, v3;
	_ =	sdelay $0x1  }
0x28f: {  	s18 =	simm.s32 $0x7400  }
0x290: {  	[tilespmem:s18], [sflag:$0x1] =	stream.indirect_vreg.gather [hbm4b:s1+s3], $0x80, v4, vm0, $0xb8;
	[tilespmem:$0x10400] =	vst v63  }
0x291: {  	s10 =	simm.s32 $0x7C00  }
0x292: {  	[tilespmem:s10], [sflag:$0x1] =	stream.indirect_vreg.gather [hbm4b:s1+s3], $0x80, v3, vm0, $0xb8;
	[tilespmem:$0x10400] =	vst v63  }
0x293: {  	_ =	swait.ge [sflag:s14], $0x8000  }
0x294: {  	[sflag:s14] =	ssyncset.done $0x0  }
0x295: {  	s18 =	rddreg [dreg:$0x9];
	[sflag:s14] =	ssyncadd.s32 $0xFFFF8000  }
0x296: {  	[hbm4b:s18+s3] =	stream.linear.scatter [tilespmem:s23], [sflag:$0x3], $0x8000, $0x38;
	[tilespmem:$0x10400] =	vst v63  }
0x297: {  	_ =	swait.ge [sflag:s6], $0x8000  }
0x298: {  	[sflag:s6] =	ssyncset.done $0x0  }
0x299: {  	[sflag:s6] =	ssyncadd.s32 $0xFFFF8000  }
0x29a: {  	v3 =	vld [tilespmem:$0x380];
	_ =	sdelay $0x4  }
0x29b: {  	v56 =	vshll.u32 v3, $0x1  }
0x29c: {  	v3 =	vand.u32 $0x7, v3;
	v4 =	vand.u32 $0xFFFFFFF0, v56  }
0x29d: {  	v3 =	vor.u32 v3, v4  }
0x29e: {  	v4 =	vperm.xlane v3, v0;
	_ =	sdelay $0x1  }
0x29f: {  	v3 =	vperm.xlane v3, v2;
	v4 =	vadd.s32 v1, v4;
	_ =	sdelay $0x1  }
0x2a0: {  	v3 =	vadd.s32 v1, v3;
	_ =	sdelay $0x2  }
0x2a1: {  	[tilespmem:s23], [sflag:$0x2] =	stream.indirect_vreg.gather [hbm4b:s1+s3], $0x80, v4, vm0, $0xb8;
	[tilespmem:$0x10400] =	vst v63  }
0x2a2: {  	s20 =	simm.s32 $0x8C00  }
0x2a3: {  	[tilespmem:s20], [sflag:$0x2] =	stream.indirect_vreg.gather [hbm4b:s1+s3], $0x80, v3, vm0, $0xb8;
	[tilespmem:$0x10400] =	vst v63  }
0x2a4: {  	v3 =	vld [tilespmem:$0x390];
	_ =	sdelay $0x4  }
0x2a5: {  	v57 =	vshll.u32 v3, $0x1  }
0x2a6: {  	v3 =	vand.u32 $0x7, v3;
	v4 =	vand.u32 $0xFFFFFFF0, v57  }
0x2a7: {  	v3 =	vor.u32 v3, v4  }
0x2a8: {  	v4 =	vperm.xlane v3, v0;
	_ =	sdelay $0x1  }
0x2a9: {  	v3 =	vperm.xlane v3, v2;
	v4 =	vadd.s32 v1, v4;
	_ =	sdelay $0x1  }
0x2aa: {  	v3 =	vadd.s32 v1, v3;
	_ =	sdelay $0x1  }
0x2ab: {  	s0 =	simm.s32 $0x9400  }
0x2ac: {  	[tilespmem:s0], [sflag:$0x2] =	stream.indirect_vreg.gather [hbm4b:s1+s3], $0x80, v4, vm0, $0xb8;
	[tilespmem:$0x10400] =	vst v63  }
0x2ad: {  	s4 =	simm.s32 $0x9C00  }
0x2ae: {  	[tilespmem:s4], [sflag:$0x2] =	stream.indirect_vreg.gather [hbm4b:s1+s3], $0x80, v3, vm0, $0xb8;
	[tilespmem:$0x10400] =	vst v63  }
0x2af: {  	v3 =	vld [tilespmem:$0x3A0];
	_ =	sdelay $0x4  }
0x2b0: {  	v58 =	vshll.u32 v3, $0x1  }
0x2b1: {  	v3 =	vand.u32 $0x7, v3;
	v4 =	vand.u32 $0xFFFFFFF0, v58  }
0x2b2: {  	v3 =	vor.u32 v3, v4  }
0x2b3: {  	v4 =	vperm.xlane v3, v0;
	_ =	sdelay $0x1  }
0x2b4: {  	v3 =	vperm.xlane v3, v2;
	v4 =	vadd.s32 v1, v4;
	_ =	sdelay $0x1  }
0x2b5: {  	v3 =	vadd.s32 v1, v3;
	_ =	sdelay $0x1  }
0x2b6: {  	s2 =	simm.s32 $0xA400  }
0x2b7: {  	[tilespmem:s2], [sflag:$0x2] =	stream.indirect_vreg.gather [hbm4b:s1+s3], $0x80, v4, vm0, $0xb8;
	[tilespmem:$0x10400] =	vst v63  }
0x2b8: {  	s7 =	simm.s32 $0xAC00  }
0x2b9: {  	[tilespmem:s7], [sflag:$0x2] =	stream.indirect_vreg.gather [hbm4b:s1+s3], $0x80, v3, vm0, $0xb8;
	[tilespmem:$0x10400] =	vst v63  }
0x2ba: {  	v3 =	vld [tilespmem:$0x3B0];
	_ =	sdelay $0x4  }
0x2bb: {  	v59 =	vshll.u32 v3, $0x1  }
0x2bc: {  	v3 =	vand.u32 $0x7, v3;
	v4 =	vand.u32 $0xFFFFFFF0, v59  }
0x2bd: {  	v3 =	vor.u32 v3, v4  }
0x2be: {  	v4 =	vperm.xlane v3, v0;
	_ =	sdelay $0x1  }
0x2bf: {  	v3 =	vperm.xlane v3, v2;
	v4 =	vadd.s32 v1, v4;
	_ =	sdelay $0x1  }
0x2c0: {  	v3 =	vadd.s32 v1, v3;
	_ =	sdelay $0x1  }
0x2c1: {  	s26 =	simm.s32 $0xB400  }
0x2c2: {  	[tilespmem:s26], [sflag:$0x2] =	stream.indirect_vreg.gather [hbm4b:s1+s3], $0x80, v4, vm0, $0xb8;
	[tilespmem:$0x10400] =	vst v63  }
0x2c3: {  	s26 =	simm.s32 $0xBC00  }
0x2c4: {  	[tilespmem:s26], [sflag:$0x2] =	stream.indirect_vreg.gather [hbm4b:s1+s3], $0x80, v3, vm0, $0xb8;
	[tilespmem:$0x10400] =	vst v63  }
0x2c5: {  	v3 =	vld [tilespmem:$0x3C0];
	_ =	sdelay $0x4  }
0x2c6: {  	v60 =	vshll.u32 v3, $0x1  }
0x2c7: {  	v3 =	vand.u32 $0x7, v3;
	v4 =	vand.u32 $0xFFFFFFF0, v60  }
0x2c8: {  	v3 =	vor.u32 v3, v4  }
0x2c9: {  	v4 =	vperm.xlane v3, v0;
	_ =	sdelay $0x1  }
0x2ca: {  	v3 =	vperm.xlane v3, v2;
	v4 =	vadd.s32 v1, v4;
	_ =	sdelay $0x1  }
0x2cb: {  	v3 =	vadd.s32 v1, v3;
	_ =	sdelay $0x1  }
0x2cc: {  	s28 =	simm.s32 $0xC400  }
0x2cd: {  	[tilespmem:s28], [sflag:$0x2] =	stream.indirect_vreg.gather [hbm4b:s1+s3], $0x80, v4, vm0, $0xb8;
	[tilespmem:$0x10400] =	vst v63  }
0x2ce: {  	s21 =	simm.s32 $0xCC00  }
0x2cf: {  	[tilespmem:s21], [sflag:$0x2] =	stream.indirect_vreg.gather [hbm4b:s1+s3], $0x80, v3, vm0, $0xb8;
	[tilespmem:$0x10400] =	vst v63  }
0x2d0: {  	v3 =	vld [tilespmem:$0x3D0];
	_ =	sdelay $0x4  }
0x2d1: {  	v61 =	vshll.u32 v3, $0x1  }
0x2d2: {  	v3 =	vand.u32 $0x7, v3;
	v4 =	vand.u32 $0xFFFFFFF0, v61  }
0x2d3: {  	v3 =	vor.u32 v3, v4  }
0x2d4: {  	v4 =	vperm.xlane v3, v0;
	_ =	sdelay $0x1  }
0x2d5: {  	v3 =	vperm.xlane v3, v2;
	v4 =	vadd.s32 v1, v4;
	_ =	sdelay $0x1  }
0x2d6: {  	v3 =	vadd.s32 v1, v3;
	_ =	sdelay $0x1  }
0x2d7: {  	s29 =	simm.s32 $0xD400  }
0x2d8: {  	[tilespmem:s29], [sflag:$0x2] =	stream.indirect_vreg.gather [hbm4b:s1+s3], $0x80, v4, vm0, $0xb8;
	[tilespmem:$0x10400] =	vst v63  }
0x2d9: {  	s25 =	simm.s32 $0xDC00  }
0x2da: {  	[tilespmem:s25], [sflag:$0x2] =	stream.indirect_vreg.gather [hbm4b:s1+s3], $0x80, v3, vm0, $0xb8;
	[tilespmem:$0x10400] =	vst v63  }
0x2db: {  	v3 =	vld [tilespmem:$0x3E0];
	_ =	sdelay $0x4  }
0x2dc: {  	v62 =	vshll.u32 v3, $0x1  }
0x2dd: {  	v3 =	vand.u32 $0x7, v3;
	v4 =	vand.u32 $0xFFFFFFF0, v62  }
0x2de: {  	v3 =	vor.u32 v3, v4  }
0x2df: {  	v4 =	vperm.xlane v3, v0;
	_ =	sdelay $0x1  }
0x2e0: {  	v3 =	vperm.xlane v3, v2;
	v4 =	vadd.s32 v1, v4;
	_ =	sdelay $0x1  }
0x2e1: {  	v3 =	vadd.s32 v1, v3;
	_ =	sdelay $0x1  }
0x2e2: {  	s19 =	simm.s32 $0xE400  }
0x2e3: {  	[tilespmem:s19], [sflag:$0x2] =	stream.indirect_vreg.gather [hbm4b:s1+s3], $0x80, v4, vm0, $0xb8;
	[tilespmem:$0x10400] =	vst v63  }
0x2e4: {  	s22 =	simm.s32 $0xEC00  }
0x2e5: {  	[tilespmem:s22], [sflag:$0x2] =	stream.indirect_vreg.gather [hbm4b:s1+s3], $0x80, v3, vm0, $0xb8;
	[tilespmem:$0x10400] =	vst v63  }
0x2e6: {  	v3 =	vld [tilespmem:$0x3F0];
	_ =	sdelay $0x4  }
0x2e7: {  	v63 =	vshll.u32 v3, $0x1  }
0x2e8: {  	v3 =	vand.u32 $0x7, v3;
	v4 =	vand.u32 $0xFFFFFFF0, v63  }
0x2e9: {  	v3 =	vor.u32 v3, v4  }
0x2ea: {  	v4 =	vperm.xlane v3, v0;
	_ =	sdelay $0x1  }
0x2eb: {  	v3 =	vperm.xlane v3, v2;
	v4 =	vadd.s32 v1, v4;
	_ =	sdelay $0x1  }
0x2ec: {  	v3 =	vadd.s32 v1, v3;
	_ =	sdelay $0x1  }
0x2ed: {  	s29 =	simm.s32 $0xF400  }
0x2ee: {  	[tilespmem:s29], [sflag:$0x2] =	stream.indirect_vreg.gather [hbm4b:s1+s3], $0x80, v4, vm0, $0xb8;
	[tilespmem:$0x10400] =	vst v63  }
0x2ef: {  	s31 =	simm.s32 $0xFC00  }
0x2f0: {  	[tilespmem:s31], [sflag:$0x2] =	stream.indirect_vreg.gather [hbm4b:s1+s3], $0x80, v3, vm0, $0xb8;
	[tilespmem:$0x10400] =	vst v63  }
0x2f1: {  	_ =	swait.ge [sflag:s13], $0x8000  }
0x2f2: {  	[sflag:s13] =	ssyncset.done $0x0  }
0x2f3: {  	s30 =	rddreg [dreg:$0xa];
	[sflag:s13] =	ssyncadd.s32 $0xFFFF8000  }
0x2f4: {  	[hbm4b:s30+s3] =	stream.linear.scatter [tilespmem:s24], [sflag:$0x3], $0x8000, $0x38;
	[tilespmem:$0x10400] =	vst v63  }
0x2f5: {  	_ =	swait.ge [sflag:s6], $0x8000  }
0x2f6: {  	[sflag:s6] =	ssyncset.done $0x0  }
0x2f7: {  	[sflag:s6] =	ssyncadd.s32 $0xFFFF8000  }
0x2f8: {  	_ =	swait.ge [sflag:s14], $0x8000  }
0x2f9: {  	p0 =	sne.s32 s5, $0x1;
	[sflag:s14] =	ssyncset.done $0x0  }
.Ltmp0:
0x2fa: {  	s31 =	rddreg [dreg:$0xb];
	[sflag:s14] =	ssyncadd.s32 $0xFFFF8000;
	(pc) =	sbr.rel @p0 .LBB2_1-.Ltmp0, $4  }
0x2fb: {  	[hbm4b:s31+s3] =	stream.linear.scatter [tilespmem:s23], [sflag:$0x3], $0x8000, $0x38;
	[tilespmem:$0x10400] =	vst v63  }
0x2fc: {  	_ =	swait.ge [sflag:s6], $0x8000  }
0x2fd: {  	[sflag:s6] =	ssyncset.done $0x0  }
0x2fe: {  	s5 =	sadd.s32 $0xFFFFFFFF, s5;
	[sflag:s6] =	ssyncadd.s32 $0xFFFF8000  }
0x2ff: {  	_ =	sfence.sel $0x180000  }
0x300: {  	[bflag:$0x0] =	sbarrier.arrive $0xFFFF  }
0x301: {  	_ =	strace $0x90000047  }
0x302: {  	s0 =	stileid.u32;
	[bflag:$0x2] =	sbarrier.arrive $0xFFFF  }
0x303: {  	p0 =	sne.s32 s0, $0x0;
	s0 =	rddreg [dreg:$0x3]  }
0x304: {  	s0 =	sadd.s32 @!p0 $0x100000, s0  }
0x305: {  	[sflag:s0] =	ssyncadd.tile.s32 @!p0 $0x1;
	_ =	shalt  }
.Lfunc_end2:
_tile_overlayer_lowered:
.L_overlay_start_2:
0x306: {  	(tag) =	ssettag $0x2  }
0x307: {  	s0 =	rddreg [dreg:$0x0];
	s2 =	stileid.u32  }
0x308: {  	s1 =	rddreg [dreg:$0x1];
	p0 =	sne.s32 s2, $0x0  }
0x309: {  	s3 =	rddreg [dreg:$0x2];
	[bflag:$0x3] =	sbarrier.arrive $0xFFFF;
	s2 =	simm.s32 @!p0 $0x1C03  }
0x30a: {  	[timem:s3], [sflag:s2] =	dma.local @!p0 [hbm:s0], s1  }
0x30b: {  	s0 =	simm.s32 @!p0 $0x3  }
0x30c: {  	_ =	swait.ge @!p0 [sflag:s0], s1  }
0x30d: {  	s1 =	ssub.s32 @!p0 $0x0, s1;
	[sflag:s0] =	ssyncset.done @!p0 $0x0  }
0x30e: {  	[sflag:s0] =	ssyncadd.s32 @!p0 s1  }
0x30f: {  	[bflag:$0x3] =	sbarrier.arrive $0xFFFF  }
0x310: {  	_ =	shalt  }

// kernel: kernel.8.cloned.1.call-start
scs
__scs_entry_jumppad:
0x0: {  	(pc) =	sbr.rel $0x88, $3  }
0x1: {  	(tag) =	ssettag $0x0;
	lr =	simm.s32 $0x1  }
0x2: {  	[smem:$0x3F96] =	sst lr;
	_ =	strace $0xD0000000  }
0x3: {  	_ = 	snop  }
0x4: {  	_ = 	snop  }
0x5: {  	_ = 	snop  }
0x6: {  	_ = 	snop  }
0x7: {  	_ = 	snop  }
__scs_overlays_trampoline_lowered:
0x8: {  	[smem:$0x3FA5] =	sst s0  }
0x9: {  	[smem:$0x3FA6] =	sst s1  }
0xa: {  	[smem:$0x3FA7] =	sst s2  }
0xb: {  	[smem:$0x3FA8] =	sst s3  }
0xc: {  	[smem:$0x3FA9] =	sst s4  }
0xd: {  	[smem:$0x3FAA] =	sst s5  }
0xe: {  	[smem:$0x3FAB] =	sst s6  }
0xf: {  	[smem:$0x3FAC] =	sst s7  }
0x10: {  	[smem:$0x3FAD] =	sst s8  }
0x11: {  	[smem:$0x3FAE] =	sst s9;
	s0 =	simm.s32 @!p0 $0x0  }
0x12: {  	s1 =	sld [smem:$0x3F94];
	s0 =	simm.s32 @p0 $0x1  }
0x13: {  	[smem:$0x3FAF] =	sst s0;
	s0 =	simm.s32 @!p1 $0x0  }
0x14: {  	s2 =	sld [smem:$0x3F93];
	s0 =	simm.s32 @p1 $0x1  }
0x15: {  	[smem:$0x3FB0] =	sst s0;
	s0 =	simm.s32 @!p2 $0x0  }
0x16: {  	s3 =	sld [smem:$0x3FDB];
	s0 =	simm.s32 @p2 $0x1  }
0x17: {  	s4 =	simm.s32 $0x1BF5;
	[smem:$0x3FB2] =	sst s0  }
0x18: {  	s0 =	sld [smem:$0x3F95];
	_ =	swait.ge [sflag:s4], $0x0  }
0x19: {  	s7 =	sld [smem:$0x3F96]  }
0x1a: {  	s8 =	sadd.s32 $0xFFFFE003, lr  }
0x1b: {  	s9 =	sadd.s32 $0xFFFFFEF7, lr;
	s5 =	simm.s32 $0xFFFFFFFF;
	p2 =	slt.u32 s8, $0xFFFFF086  }
0x1c: {  	p1 =	slt.u32 s9, $0xF7A;
	s5 =	simm.s32 @!p2 $0x0  }
0x1d: {  	s5 =	simm.s32 @p1 $0x1;
	p0 =	seq.s32 s7, s2  }
0x1e: {  	s7 =	smul.u32 @!p0 $0xF7A, s2;
	p2 =	seq.s32 @!p0 s5, $0x0  }
0x1f: {  	s9 =	smul.u32 $0xF7A, s1;
	s8 =	simm.s32 @!p0 $0x1BF5;
	p2 =	por !p2, p0  }
0x20: {  	[sflag:s8] =	ssyncset.s32 @!p0 $0xFFFFF086;
	s6 =	sadd.s32 @!p0 s3, s7;
	s7 =	simm.s32 @!p0 $0x108  }
0x21: {  	s3 =	sadd.s32 s3, s9;
	s6 =	sadd.s32 @!p0 $0x88, s6;
	s7 =	simm.s32 @p2 $0x1082  }
0x22: {  	[simem:s7], [sflag:s8] =	dma.local @!p0 [hbm:s6], $0xF7A  }
0x23: {  	s9 =	sor.u32 $0xD0000000, s2;
	s6 =	simm.s32 $0x108;
	_ =	swait.ge @!p0 [sflag:s8], $0x0  }
0x24: {  	s3 =	sadd.s32 $0x88, s3;
	s6 =	simm.s32 @!p1 $0x1082;
	[sflag:s4] =	ssyncset.s32 $0xFFFFF086  }
0x25: {  	[simem:s6], [sflag:s4] =	dma.local [hbm:s3], $0xF7A  }
0x26: {  	[smem:$0x3F96] =	sst s1;
	(tag) =	ssettag s2;
	_ =	strace s9  }
0x27: {  	s1 =	sld [smem:$0x3FA6]  }
0x28: {  	s2 =	sld [smem:$0x3FA7]  }
0x29: {  	s4 =	sld [smem:$0x3FA9]  }
0x2a: {  	p0 =	seq.s32 s5, $0x0;
	s5 =	sld [smem:$0x3FAA]  }
0x2b: {  	s6 =	sld [smem:$0x3FAB]  }
0x2c: {  	s7 =	sld [smem:$0x3FAC]  }
0x2d: {  	s3 =	simm.s32 $0x108;
	s8 =	sld [smem:$0x3FAD]  }
0x2e: {  	s3 =	simm.s32 @!p0 $0x1082;
	s9 =	sld [smem:$0x3FAE]  }
0x2f: {  	lr =	sadd.s32 s0, s3;
	s0 =	sld [smem:$0x3FA5]  }
0x30: {  	s3 =	sld [smem:$0x3FA8]  }
0x31: {  	[smem:$0x3FB1] =	sst s10  }
0x32: {  	s10 =	sld [smem:$0x3FAF];
	_ =	sdelay $0x3  }
0x33: {  	p0 =	seq.s32 s10, $0x1;
	s10 =	sld [smem:$0x3FB1];
	_ =	sdelay $0x3  }
0x34: {  	[smem:$0x3FB1] =	sst s10  }
0x35: {  	s10 =	sld [smem:$0x3FB0];
	_ =	sdelay $0x3  }
0x36: {  	p1 =	seq.s32 s10, $0x1;
	s10 =	sld [smem:$0x3FB1];
	_ =	sdelay $0x3  }
0x37: {  	[smem:$0x3FB1] =	sst s10  }
0x38: {  	s10 =	sld [smem:$0x3FB2]  }
0x39: {  	_ = 	snop;
	(pc) =	sbr.ind lr, $3  }
0x3a: {  	_ = 	snop  }
0x3b: {  	_ = 	snop  }
0x3c: {  	p2 =	seq.s32 s10, $0x1;
	s10 =	sld [smem:$0x3FB1]  }
0x3d: {  	_ =	shalt  }
0x3e: {  	_ =	shalt  }
0x3f: {  	_ =	shalt  }
0x40: {  	_ =	shalt  }
0x41: {  	_ =	shalt  }
0x42: {  	_ =	shalt  }
0x43: {  	_ =	shalt  }
0x44: {  	_ =	shalt  }
0x45: {  	_ =	shalt  }
0x46: {  	_ =	shalt  }
0x47: {  	_ =	shalt  }
0x48: {  	_ =	shalt  }
0x49: {  	_ =	shalt  }
0x4a: {  	_ =	shalt  }
0x4b: {  	_ =	shalt  }
0x4c: {  	_ =	shalt  }
0x4d: {  	_ =	shalt  }
0x4e: {  	_ =	shalt  }
0x4f: {  	_ =	shalt  }
0x50: {  	_ =	shalt  }
0x51: {  	_ =	shalt  }
0x52: {  	_ =	shalt  }
0x53: {  	_ =	shalt  }
0x54: {  	_ =	shalt  }
0x55: {  	_ =	shalt  }
0x56: {  	_ =	shalt  }
0x57: {  	_ =	shalt  }
0x58: {  	_ =	shalt  }
0x59: {  	_ =	shalt  }
0x5a: {  	_ =	shalt  }
0x5b: {  	_ =	shalt  }
0x5c: {  	_ =	shalt  }
0x5d: {  	_ =	shalt  }
0x5e: {  	_ =	shalt  }
0x5f: {  	_ =	shalt  }
0x60: {  	_ =	shalt  }
0x61: {  	_ =	shalt  }
0x62: {  	_ =	shalt  }
0x63: {  	_ =	shalt  }
0x64: {  	_ =	shalt  }
0x65: {  	_ =	shalt  }
0x66: {  	_ =	shalt  }
0x67: {  	_ =	shalt  }
0x68: {  	_ =	shalt  }
0x69: {  	_ =	shalt  }
0x6a: {  	_ =	shalt  }
0x6b: {  	_ =	shalt  }
0x6c: {  	_ =	shalt  }
0x6d: {  	_ =	shalt  }
0x6e: {  	_ =	shalt  }
0x6f: {  	_ =	shalt  }
0x70: {  	_ =	shalt  }
0x71: {  	_ =	shalt  }
0x72: {  	_ =	shalt  }
0x73: {  	_ =	shalt  }
0x74: {  	_ =	shalt  }
0x75: {  	_ =	shalt  }
0x76: {  	_ =	shalt  }
0x77: {  	_ =	shalt  }
0x78: {  	_ =	shalt  }
0x79: {  	_ =	shalt  }
0x7a: {  	_ =	shalt  }
0x7b: {  	_ =	shalt  }
0x7c: {  	_ =	shalt  }
0x7d: {  	_ =	shalt  }
0x7e: {  	_ =	shalt  }
0x7f: {  	_ =	shalt  }
0x80: {  	_ =	shalt  }
0x81: {  	_ =	shalt  }
0x82: {  	_ =	shalt  }
0x83: {  	_ =	shalt  }
0x84: {  	_ =	shalt  }
0x85: {  	_ =	shalt  }
0x86: {  	_ =	shalt  }
0x87: {  	_ =	shalt  }
.Lfunc_end0:
.L_simem_size_0:
called_computation.1_lowered:
.L_overlay_start_0:
0x88: {  	s2 =	sld [smem:$0x3FD9]  }
0x89: {  	s3 =	sld [smem:$0x3FFE];
	_ =	sdelay $0x1  }
0x8a: {  	s1 =	srdreg.scid  }
0x8b: {  	s0 =	sand.u32 $0x1, s1  }
0x8c: {  	s17 =	sshll.u32 s0, $0xA;
	s2 =	sadd.s32 s3, s2  }
0x8d: {  	s2 =	sadd.s32 s2, s17  }
0x8e: {  	[smem:$0x3FBD] =	sst s2  }
0x8f: {  	_ = 	snop  }
0x90: {  	s2 =	sld [smem:$0x3FD0];
	(tm) =	ssettm $0x1  }
0x91: {  	s18 =	sld [smem:$0x3FFB];
	_ =	sdelay $0x3  }
0x92: {  	_ =	strace s18  }
0x93: {  	s3 =	sld [smem:$0x3FFC];
	_ =	sdelay $0x3  }
0x94: {  	_ =	strace s3  }
0x95: {  	s3 =	sld [smem:$0x3FFD];
	_ =	sdelay $0x3  }
0x96: {  	_ =	strace s3  }
0x97: {  	_ =	strace $0x8FFFFFFF  }
0x98: {  	s19 =	sld [smem:$0x3FDB];
	_ =	sdelay $0x1  }
0x99: {  	s4 =	simm.s32 $_scs_section_size  }
0x9a: {  	s5 =	simm.s32 $_size__tile_overlayer_lowered;
	s6 =	simm.s32 $_tile_overlayer_lowered  }
0x9b: {  	s22 =	simm.s32 $0x1BFF;
	s21 =	sshll.u32 s6, $0x1;
	s3 =	sadd.s32 s4, s19  }
0x9c: {  	s7 =	simm.s32 $0x0;
	s20 =	sshll.u32 s5, $0x1;
	s5 =	sadd.s32 s21, s3  }
0x9d: {  	[timem:s7], [sflag:s22] =	dma.local [hbm:s5], s20  }
0x9e: {  	_ =	swait.ge [sflag:s22], s20  }
0x9f: {  	s4 =	ssub.s32 $0x0, s20;
	[sflag:s22] =	ssyncset.done $0x0  }
0xa0: {  	[sflag:s22] =	ssyncadd.s32 s4;
	_ =	sdelay $0x1  }
0xa1: {  	s23 =	simm.s32 $0x1B8B  }
0xa2: {  	_ =	swait.ge [sflag:s23], $0x1  }
0xa3: {  	[sflag:s23] =	ssyncset.done $0x0  }
0xa4: {  	s25 =	simm.s32 $0x1B8E;
	s24 =	sld [smem:$0x3FFE];
	[sflag:s23] =	ssyncadd.s32 $0xFFFFFFFF  }
0xa5: {  	s26 =	simm.s32 $execute0_lowered;
	[smem:$0x3FD2] =	sst s25  }
0xa6: {  	s5 =	sshll.u32 s26, $0x1;
	_ =	strace $0x80000049;
	[dreg:$0x1] =	wrdreg $0xFFFFFFFF  }
0xa7: {  	s28 =	simm.s32 $_size_execute0_lowered;
	s3 =	sadd.s32 s3, s5;
	[dreg:$0x0] =	wrdreg $0x0  }
0xa8: {  	s5 =	sshll.u32 s28, $0x1;
	[dreg:$0x2] =	wrdreg s3  }
0xa9: {  	[dreg:$0x3] =	wrdreg s5  }
0xaa: {  	[dreg:$0x4] =	wrdreg $0xC0  }
0xab: {  	_ =	task [dreg:s7], $0x5FFFF  }
0xac: {  	[dreg:$0x1] =	wrdreg $0xFFFFFFFF  }
0xad: {  	[dreg:$0x0] =	wrdreg $0x60  }
0xae: {  	[dreg:$0x2] =	wrdreg s24  }
0xaf: {  	[dreg:$0x3] =	wrdreg s2  }
0xb0: {  	[dreg:$0x4] =	wrdreg $0x9  }
0xb1: {  	_ =	task.clear_ibuf [dreg:s7], $0x5FFFF;
	_ =	strace $0x90000049  }
0xb2: {  	s29 =	simm.s32 $0x9;
	_ =	strace $0x8000004B  }
0xb3: {  	_ =	swait.ge [sflag:s29], $0x1  }
0xb4: {  	[sflag:s29] =	ssyncadd.s32 $0xFFFFFFFF  }
0xb5: {  	_ =	strace $0x9000004B  }
0xb6: {  	_ =	sfence  }
0xb7: {  	s30 =	sld [smem:$0x0];
	_ =	sdelay $0x2  }
0xb8: {  	s31 =	sshll.u32 s1, $0xD;
	s1 =	sshrl.u32 s1, $0x2  }
0xb9: {  	s3 =	sand.u32 $0x4000, s31;
	s1 =	sadd.s32 s1, s30  }
0xba: {  	s0 =	sor.u32 s3, s0;
	s1 =	sshll.u32 s1, $0x11  }
0xbb: {  	s0 =	sor.u32 s1, s0  }
0xbc: {  	s0 =	sadd.s32 $0x8F2B, s0  }
0xbd: {  	[sflag:s0] =	ssyncadd.remote.s32 $0x1  }
0xbe: {  	_ =	sfence.sel $0xFFFF  }
0xbf: {  	[dreg:$0x0] =	wrdreg $0xFFFFFFFF;
	(pc) =	sbr.abs _section_cstart, $3  }
0xc0: {  	[dreg:$0x1] =	wrdreg $0xFFFFFFFF  }
0xc1: {  	_ =	task.clear_ibuf [dreg:s7], $0x2FFFF;
	_ =	strace $0x9FFFFFFF  }
0xc2: {  	(tm) =	ssettm $0x7FFFFFFF  }
0xc3: {  	_ =	shalt  }
tec
execute0_lowered:
.L_overlay_start_1:
0x0: {  	(tag) =	ssettag $0x1  }
0x1: {  	s0 =	srdreg.scid  }
0x2: {  	s2 =	stileid.u32;
	s0 =	sand.u32 $0x1, s0  }
0x3: {  	s3 =	sshll.u32 s2, $0xB;
	s4 =	sshll.u32 s0, $0xA  }
0x4: {  	s1 =	rddreg [dreg:$0x0];
	s4 =	sor.u32 s4, s3  }
0x5: {  	s2 =	rddreg [dreg:$0x1];
	s5 =	sshrl.u32 s4, $0x3  }
0x6: {  	s3 =	simm.s32 $0x0;
	s4 =	sshll.u32 s4, $0x5;
	s5 =	sadd.s32 s5, s1  }
0x7: {  	[smem:$0x7FF] =	sst s3;
	s1 =	sadd.s32 s4, s1;
	s22 =	sadd.s32 $0x1400, s5  }
0x8: {  	_ =	strace $0x8000004A;
	s23 =	sadd.s32 $0x2400, s1;
	[dreg:$0x3] =	wrdreg s22  }
0x9: {  	s7 =	simm.s32 $0x8400;
	s24 =	sadd.s32 $0x3400, s1;
	[dreg:$0x4] =	wrdreg s23  }
0xa: {  	s14 =	simm.s32 $0x2;
	s25 =	sadd.s32 $0x4400, s1;
	[dreg:$0x5] =	wrdreg s24  }
0xb: {  	s0 =	ssub.s32 $0x2, s0;
	s26 =	sadd.s32 $0x5400, s1;
	[dreg:$0x6] =	wrdreg s25  }
0xc: {  	s31 =	sshrl.u32 s0, $0x1;
	s28 =	sadd.s32 $0x6400, s1;
	[dreg:$0x7] =	wrdreg s26  }
0xd: {  	s0 =	ssub.s32 s0, s31;
	s29 =	sadd.s32 $0x7400, s1;
	[dreg:$0x8] =	wrdreg s28  }
0xe: {  	v2 =	vlaneseq.u32;
	s4 =	smax.u32 s0, $0x1;
	s30 =	sadd.s32 $0x8400, s1;
	[dreg:$0x9] =	wrdreg s29  }
0xf: {  	vm0 =	vmmov $0xffff;
	v1 =	vshrl.u32 v2, $0x3;
	s1 =	sadd.s32 $0x9400, s1;
	s5 =	simm.s32 $0x3;
	[dreg:$0xa] =	wrdreg s30  }
0x10: {  	v0 =	vand.u32 $0x7, v2;
	v2 =	vor.u32 $0x8, v2;
	v1 =	vmul.u32 $0x8, v1;
	[dreg:$0xb] =	wrdreg s1;
	s24 =	simm.s32 $0x400;
	s23 =	simm.s32 $0x1  }
.LBB2_1:
0x11: {  	s15 =	rddreg [dreg:$0x3]  }
0x12: {  	[tilespmem:s3], [sflag:$0x3] =	stream.linear.gather [hbm4b:s15+s3], $0x400, $0x38;
	[tilespmem:$0x10400] =	vst v63  }
0x13: {  	_ =	swait.ge [sflag:s5], $0x400  }
0x14: {  	[sflag:s5] =	ssyncset.done $0x0  }
0x15: {  	s1 =	rddreg [dreg:$0x4];
	[sflag:s5] =	ssyncadd.s32 $0xFFFFFC00  }
0x16: {  	[tilespmem:s24], [sflag:$0x3] =	stream.linear.gather [hbm4b:s1+s3], $0x8000, $0x38;
	[tilespmem:$0x10400] =	vst v63  }
0x17: {  	_ =	swait.ge [sflag:s5], $0x8000  }
0x18: {  	[sflag:s5] =	ssyncset.done $0x0  }
0x19: {  	s6 =	rddreg [dreg:$0x5];
	[sflag:s5] =	ssyncadd.s32 $0xFFFF8000  }
0x1a: {  	[tilespmem:s7], [sflag:$0x3] =	stream.linear.gather [hbm4b:s6+s3], $0x8000, $0x38;
	[tilespmem:$0x10400] =	vst v63  }
0x1b: {  	_ =	swait.ge [sflag:s5], $0x8000  }
0x1c: {  	[sflag:s5] =	ssyncset.done $0x0  }
0x1d: {  	[sflag:s5] =	ssyncadd.s32 $0xFFFF8000  }
0x1e: {  	v3 =	vld [tilespmem:$0x0];
	_ =	sdelay $0x4  }
0x1f: {  	v4 =	vshll.u32 v3, $0x1  }
0x20: {  	v3 =	vand.u32 $0x7, v3;
	v4 =	vand.u32 $0xFFFFFFF0, v4  }
0x21: {  	v3 =	vor.u32 v3, v4  }
0x22: {  	v4 =	vperm.xlane v3, v0;
	_ =	sdelay $0x1  }
0x23: {  	v3 =	vperm.xlane v3, v2;
	v4 =	vadd.s32 v1, v4;
	_ =	sdelay $0x1  }
0x24: {  	v3 =	vadd.s32 v1, v3;
	_ =	sdelay $0x2  }
0x25: {  	[hbm4b:s2+s3] =	stream.indirect_vreg.scatter [tilespmem:s24], [sflag:$0x1], $0x80, v4, vm0, $0xb8;
	[tilespmem:$0x10400] =	vst v63  }
0x26: {  	s0 =	simm.s32 $0xC00  }
0x27: {  	[hbm4b:s2+s3] =	stream.indirect_vreg.scatter [tilespmem:s0], [sflag:$0x1], $0x80, v3, vm0, $0xb8;
	[tilespmem:$0x10400] =	vst v63  }
0x28: {  	v3 =	vld [tilespmem:$0x10];
	_ =	sdelay $0x4  }
0x29: {  	v57 =	vshll.u32 v3, $0x1  }
0x2a: {  	v3 =	vand.u32 $0x7, v3;
	v4 =	vand.u32 $0xFFFFFFF0, v57  }
0x2b: {  	v3 =	vor.u32 v3, v4  }
0x2c: {  	v4 =	vperm.xlane v3, v0;
	_ =	sdelay $0x1  }
0x2d: {  	v3 =	vperm.xlane v3, v2;
	v4 =	vadd.s32 v1, v4;
	_ =	sdelay $0x1  }
0x2e: {  	v3 =	vadd.s32 v1, v3;
	_ =	sdelay $0x1  }
0x2f: {  	s8 =	simm.s32 $0x1400  }
0x30: {  	[hbm4b:s2+s3] =	stream.indirect_vreg.scatter [tilespmem:s8], [sflag:$0x1], $0x80, v4, vm0, $0xb8;
	[tilespmem:$0x10400] =	vst v63  }
0x31: {  	s9 =	simm.s32 $0x1C00  }
0x32: {  	[hbm4b:s2+s3] =	stream.indirect_vreg.scatter [tilespmem:s9], [sflag:$0x1], $0x80, v3, vm0, $0xb8;
	[tilespmem:$0x10400] =	vst v63  }
0x33: {  	v3 =	vld [tilespmem:$0x20];
	_ =	sdelay $0x4  }
0x34: {  	v58 =	vshll.u32 v3, $0x1  }
0x35: {  	v3 =	vand.u32 $0x7, v3;
	v4 =	vand.u32 $0xFFFFFFF0, v58  }
0x36: {  	v3 =	vor.u32 v3, v4  }
0x37: {  	v4 =	vperm.xlane v3, v0;
	_ =	sdelay $0x1  }
0x38: {  	v3 =	vperm.xlane v3, v2;
	v4 =	vadd.s32 v1, v4;
	_ =	sdelay $0x1  }
0x39: {  	v3 =	vadd.s32 v1, v3;
	_ =	sdelay $0x1  }
0x3a: {  	s10 =	simm.s32 $0x2400  }
0x3b: {  	[hbm4b:s2+s3] =	stream.indirect_vreg.scatter [tilespmem:s10], [sflag:$0x1], $0x80, v4, vm0, $0xb8;
	[tilespmem:$0x10400] =	vst v63  }
0x3c: {  	s11 =	simm.s32 $0x2C00  }
0x3d: {  	[hbm4b:s2+s3] =	stream.indirect_vreg.scatter [tilespmem:s11], [sflag:$0x1], $0x80, v3, vm0, $0xb8;
	[tilespmem:$0x10400] =	vst v63  }
0x3e: {  	v3 =	vld [tilespmem:$0x30];
	_ =	sdelay $0x4  }
0x3f: {  	v59 =	vshll.u32 v3, $0x1  }
0x40: {  	v3 =	vand.u32 $0x7, v3;
	v4 =	vand.u32 $0xFFFFFFF0, v59  }
0x41: {  	v3 =	vor.u32 v3, v4  }
0x42: {  	v4 =	vperm.xlane v3, v0;
	_ =	sdelay $0x1  }
0x43: {  	v3 =	vperm.xlane v3, v2;
	v4 =	vadd.s32 v1, v4;
	_ =	sdelay $0x1  }
0x44: {  	v3 =	vadd.s32 v1, v3;
	_ =	sdelay $0x1  }
0x45: {  	s12 =	simm.s32 $0x3400  }
0x46: {  	[hbm4b:s2+s3] =	stream.indirect_vreg.scatter [tilespmem:s12], [sflag:$0x1], $0x80, v4, vm0, $0xb8;
	[tilespmem:$0x10400] =	vst v63  }
0x47: {  	s13 =	simm.s32 $0x3C00  }
0x48: {  	[hbm4b:s2+s3] =	stream.indirect_vreg.scatter [tilespmem:s13], [sflag:$0x1], $0x80, v3, vm0, $0xb8;
	[tilespmem:$0x10400] =	vst v63  }
0x49: {  	v3 =	vld [tilespmem:$0x40];
	_ =	sdelay $0x4  }
0x4a: {  	v60 =	vshll.u32 v3, $0x1  }
0x4b: {  	v3 =	vand.u32 $0x7, v3;
	v4 =	vand.u32 $0xFFFFFFF0, v60  }
0x4c: {  	v3 =	vor.u32 v3, v4  }
0x4d: {  	v4 =	vperm.xlane v3, v0;
	_ =	sdelay $0x1  }
0x4e: {  	v3 =	vperm.xlane v3, v2;
	v4 =	vadd.s32 v1, v4;
	_ =	sdelay $0x1  }
0x4f: {  	v3 =	vadd.s32 v1, v3;
	_ =	sdelay $0x1  }
0x50: {  	s15 =	simm.s32 $0x4400  }
0x51: {  	[hbm4b:s2+s3] =	stream.indirect_vreg.scatter [tilespmem:s15], [sflag:$0x1], $0x80, v4, vm0, $0xb8;
	[tilespmem:$0x10400] =	vst v63  }
0x52: {  	s16 =	simm.s32 $0x4C00  }
0x53: {  	[hbm4b:s2+s3] =	stream.indirect_vreg.scatter [tilespmem:s16], [sflag:$0x1], $0x80, v3, vm0, $0xb8;
	[tilespmem:$0x10400] =	vst v63  }
0x54: {  	v3 =	vld [tilespmem:$0x50];
	_ =	sdelay $0x4  }
0x55: {  	v61 =	vshll.u32 v3, $0x1  }
0x56: {  	v3 =	vand.u32 $0x7, v3;
	v4 =	vand.u32 $0xFFFFFFF0, v61  }
0x57: {  	v3 =	vor.u32 v3, v4  }
0x58: {  	v4 =	vperm.xlane v3, v0;
	_ =	sdelay $0x1  }
0x59: {  	v3 =	vperm.xlane v3, v2;
	v4 =	vadd.s32 v1, v4;
	_ =	sdelay $0x1  }
0x5a: {  	v3 =	vadd.s32 v1, v3;
	_ =	sdelay $0x1  }
0x5b: {  	s17 =	simm.s32 $0x5400  }
0x5c: {  	[hbm4b:s2+s3] =	stream.indirect_vreg.scatter [tilespmem:s17], [sflag:$0x1], $0x80, v4, vm0, $0xb8;
	[tilespmem:$0x10400] =	vst v63  }
0x5d: {  	s18 =	simm.s32 $0x5C00  }
0x5e: {  	[hbm4b:s2+s3] =	stream.indirect_vreg.scatter [tilespmem:s18], [sflag:$0x1], $0x80, v3, vm0, $0xb8;
	[tilespmem:$0x10400] =	vst v63  }
0x5f: {  	v3 =	vld [tilespmem:$0x60];
	_ =	sdelay $0x4  }
0x60: {  	v62 =	vshll.u32 v3, $0x1  }
0x61: {  	v3 =	vand.u32 $0x7, v3;
	v4 =	vand.u32 $0xFFFFFFF0, v62  }
0x62: {  	v3 =	vor.u32 v3, v4  }
0x63: {  	v4 =	vperm.xlane v3, v0;
	_ =	sdelay $0x1  }
0x64: {  	v3 =	vperm.xlane v3, v2;
	v4 =	vadd.s32 v1, v4;
	_ =	sdelay $0x1  }
0x65: {  	v3 =	vadd.s32 v1, v3;
	_ =	sdelay $0x1  }
0x66: {  	s19 =	simm.s32 $0x6400  }
0x67: {  	[hbm4b:s2+s3] =	stream.indirect_vreg.scatter [tilespmem:s19], [sflag:$0x1], $0x80, v4, vm0, $0xb8;
	[tilespmem:$0x10400] =	vst v63  }
0x68: {  	s20 =	simm.s32 $0x6C00  }
0x69: {  	[hbm4b:s2+s3] =	stream.indirect_vreg.scatter [tilespmem:s20], [sflag:$0x1], $0x80, v3, vm0, $0xb8;
	[tilespmem:$0x10400] =	vst v63  }
0x6a: {  	v3 =	vld [tilespmem:$0x70];
	_ =	sdelay $0x4  }
0x6b: {  	v63 =	vshll.u32 v3, $0x1  }
0x6c: {  	v3 =	vand.u32 $0x7, v3;
	v4 =	vand.u32 $0xFFFFFFF0, v63  }
0x6d: {  	v3 =	vor.u32 v3, v4  }
0x6e: {  	v4 =	vperm.xlane v3, v0;
	_ =	sdelay $0x1  }
0x6f: {  	v3 =	vperm.xlane v3, v2;
	v4 =	vadd.s32 v1, v4;
	_ =	sdelay $0x1  }
0x70: {  	v3 =	vadd.s32 v1, v3;
	_ =	sdelay $0x1  }
0x71: {  	s21 =	simm.s32 $0x7400  }
0x72: {  	[hbm4b:s2+s3] =	stream.indirect_vreg.scatter [tilespmem:s21], [sflag:$0x1], $0x80, v4, vm0, $0xb8;
	[tilespmem:$0x10400] =	vst v63  }
0x73: {  	s25 =	simm.s32 $0x7C00  }
0x74: {  	[hbm4b:s2+s3] =	stream.indirect_vreg.scatter [tilespmem:s25], [sflag:$0x1], $0x80, v3, vm0, $0xb8;
	[tilespmem:$0x10400] =	vst v63  }
0x75: {  	s22 =	rddreg [dreg:$0x6]  }
0x76: {  	[tilespmem:s24], [sflag:$0x3] =	stream.linear.gather [hbm4b:s22+s3], $0x8000, $0x38;
	[tilespmem:$0x10400] =	vst v63  }
0x77: {  	_ =	swait.ge [sflag:s5], $0x8000  }
0x78: {  	[sflag:s5] =	ssyncset.done $0x0  }
0x79: {  	[sflag:s5] =	ssyncadd.s32 $0xFFFF8000  }
0x7a: {  	_ =	swait.ge [sflag:s23], $0x8000  }
0x7b: {  	[sflag:s23] =	ssyncset.done $0x0  }
0x7c: {  	[sflag:s23] =	ssyncadd.s32 $0xFFFF8000  }
0x7d: {  	v3 =	vld [tilespmem:$0x80];
	_ =	sdelay $0x4  }
0x7e: {  	v8 =	vshll.u32 v3, $0x1  }
0x7f: {  	v3 =	vand.u32 $0x7, v3;
	v4 =	vand.u32 $0xFFFFFFF0, v8  }
0x80: {  	v3 =	vor.u32 v3, v4  }
0x81: {  	v4 =	vperm.xlane v3, v0;
	_ =	sdelay $0x1  }
0x82: {  	v3 =	vperm.xlane v3, v2;
	v4 =	vadd.s32 v1, v4;
	_ =	sdelay $0x1  }
0x83: {  	v3 =	vadd.s32 v1, v3;
	_ =	sdelay $0x2  }
0x84: {  	[hbm4b:s2+s3] =	stream.indirect_vreg.scatter [tilespmem:s7], [sflag:$0x2], $0x80, v4, vm0, $0xb8;
	[tilespmem:$0x10400] =	vst v63  }
0x85: {  	s26 =	simm.s32 $0x8C00  }
0x86: {  	[hbm4b:s2+s3] =	stream.indirect_vreg.scatter [tilespmem:s26], [sflag:$0x2], $0x80, v3, vm0, $0xb8;
	[tilespmem:$0x10400] =	vst v63  }
0x87: {  	v3 =	vld [tilespmem:$0x90];
	_ =	sdelay $0x4  }
0x88: {  	v9 =	vshll.u32 v3, $0x1  }
0x89: {  	v3 =	vand.u32 $0x7, v3;
	v4 =	vand.u32 $0xFFFFFFF0, v9  }
0x8a: {  	v3 =	vor.u32 v3, v4  }
0x8b: {  	v4 =	vperm.xlane v3, v0;
	_ =	sdelay $0x1  }
0x8c: {  	v3 =	vperm.xlane v3, v2;
	v4 =	vadd.s32 v1, v4;
	_ =	sdelay $0x1  }
0x8d: {  	v3 =	vadd.s32 v1, v3;
	_ =	sdelay $0x1  }
0x8e: {  	s31 =	simm.s32 $0x9400  }
0x8f: {  	[hbm4b:s2+s3] =	stream.indirect_vreg.scatter [tilespmem:s31], [sflag:$0x2], $0x80, v4, vm0, $0xb8;
	[tilespmem:$0x10400] =	vst v63  }
0x90: {  	s9 =	simm.s32 $0x9C00  }
0x91: {  	[hbm4b:s2+s3] =	stream.indirect_vreg.scatter [tilespmem:s9], [sflag:$0x2], $0x80, v3, vm0, $0xb8;
	[tilespmem:$0x10400] =	vst v63  }
0x92: {  	v3 =	vld [tilespmem:$0xA0];
	_ =	sdelay $0x4  }
0x93: {  	v10 =	vshll.u32 v3, $0x1  }
0x94: {  	v3 =	vand.u32 $0x7, v3;
	v4 =	vand.u32 $0xFFFFFFF0, v10  }
0x95: {  	v3 =	vor.u32 v3, v4  }
0x96: {  	v4 =	vperm.xlane v3, v0;
	_ =	sdelay $0x1  }
0x97: {  	v3 =	vperm.xlane v3, v2;
	v4 =	vadd.s32 v1, v4;
	_ =	sdelay $0x1  }
0x98: {  	v3 =	vadd.s32 v1, v3;
	_ =	sdelay $0x1  }
0x99: {  	s11 =	simm.s32 $0xA400  }
0x9a: {  	[hbm4b:s2+s3] =	stream.indirect_vreg.scatter [tilespmem:s11], [sflag:$0x2], $0x80, v4, vm0, $0xb8;
	[tilespmem:$0x10400] =	vst v63  }
0x9b: {  	s13 =	simm.s32 $0xAC00  }
0x9c: {  	[hbm4b:s2+s3] =	stream.indirect_vreg.scatter [tilespmem:s13], [sflag:$0x2], $0x80, v3, vm0, $0xb8;
	[tilespmem:$0x10400] =	vst v63  }
0x9d: {  	v3 =	vld [tilespmem:$0xB0];
	_ =	sdelay $0x4  }
0x9e: {  	v11 =	vshll.u32 v3, $0x1  }
0x9f: {  	v3 =	vand.u32 $0x7, v3;
	v4 =	vand.u32 $0xFFFFFFF0, v11  }
0xa0: {  	v3 =	vor.u32 v3, v4  }
0xa1: {  	v4 =	vperm.xlane v3, v0;
	_ =	sdelay $0x1  }
0xa2: {  	v3 =	vperm.xlane v3, v2;
	v4 =	vadd.s32 v1, v4;
	_ =	sdelay $0x1  }
0xa3: {  	v3 =	vadd.s32 v1, v3;
	_ =	sdelay $0x1  }
0xa4: {  	s15 =	simm.s32 $0xB400  }
0xa5: {  	[hbm4b:s2+s3] =	stream.indirect_vreg.scatter [tilespmem:s15], [sflag:$0x2], $0x80, v4, vm0, $0xb8;
	[tilespmem:$0x10400] =	vst v63  }
0xa6: {  	s16 =	simm.s32 $0xBC00  }
0xa7: {  	[hbm4b:s2+s3] =	stream.indirect_vreg.scatter [tilespmem:s16], [sflag:$0x2], $0x80, v3, vm0, $0xb8;
	[tilespmem:$0x10400] =	vst v63  }
0xa8: {  	v3 =	vld [tilespmem:$0xC0];
	_ =	sdelay $0x4  }
0xa9: {  	v12 =	vshll.u32 v3, $0x1  }
0xaa: {  	v3 =	vand.u32 $0x7, v3;
	v4 =	vand.u32 $0xFFFFFFF0, v12  }
0xab: {  	v3 =	vor.u32 v3, v4  }
0xac: {  	v4 =	vperm.xlane v3, v0;
	_ =	sdelay $0x1  }
0xad: {  	v3 =	vperm.xlane v3, v2;
	v4 =	vadd.s32 v1, v4;
	_ =	sdelay $0x1  }
0xae: {  	v3 =	vadd.s32 v1, v3;
	_ =	sdelay $0x1  }
0xaf: {  	s17 =	simm.s32 $0xC400  }
0xb0: {  	[hbm4b:s2+s3] =	stream.indirect_vreg.scatter [tilespmem:s17], [sflag:$0x2], $0x80, v4, vm0, $0xb8;
	[tilespmem:$0x10400] =	vst v63  }
0xb1: {  	s18 =	simm.s32 $0xCC00  }
0xb2: {  	[hbm4b:s2+s3] =	stream.indirect_vreg.scatter [tilespmem:s18], [sflag:$0x2], $0x80, v3, vm0, $0xb8;
	[tilespmem:$0x10400] =	vst v63  }
0xb3: {  	v3 =	vld [tilespmem:$0xD0];
	_ =	sdelay $0x4  }
0xb4: {  	v13 =	vshll.u32 v3, $0x1  }
0xb5: {  	v3 =	vand.u32 $0x7, v3;
	v4 =	vand.u32 $0xFFFFFFF0, v13  }
0xb6: {  	v3 =	vor.u32 v3, v4  }
0xb7: {  	v4 =	vperm.xlane v3, v0;
	_ =	sdelay $0x1  }
0xb8: {  	v3 =	vperm.xlane v3, v2;
	v4 =	vadd.s32 v1, v4;
	_ =	sdelay $0x1  }
0xb9: {  	v3 =	vadd.s32 v1, v3;
	_ =	sdelay $0x1  }
0xba: {  	s19 =	simm.s32 $0xD400  }
0xbb: {  	[hbm4b:s2+s3] =	stream.indirect_vreg.scatter [tilespmem:s19], [sflag:$0x2], $0x80, v4, vm0, $0xb8;
	[tilespmem:$0x10400] =	vst v63  }
0xbc: {  	s20 =	simm.s32 $0xDC00  }
0xbd: {  	[hbm4b:s2+s3] =	stream.indirect_vreg.scatter [tilespmem:s20], [sflag:$0x2], $0x80, v3, vm0, $0xb8;
	[tilespmem:$0x10400] =	vst v63  }
0xbe: {  	v3 =	vld [tilespmem:$0xE0];
	_ =	sdelay $0x4  }
0xbf: {  	v14 =	vshll.u32 v3, $0x1  }
0xc0: {  	v3 =	vand.u32 $0x7, v3;
	v4 =	vand.u32 $0xFFFFFFF0, v14  }
0xc1: {  	v3 =	vor.u32 v3, v4  }
0xc2: {  	v4 =	vperm.xlane v3, v0;
	_ =	sdelay $0x1  }
0xc3: {  	v3 =	vperm.xlane v3, v2;
	v4 =	vadd.s32 v1, v4;
	_ =	sdelay $0x1  }
0xc4: {  	v3 =	vadd.s32 v1, v3;
	_ =	sdelay $0x1  }
0xc5: {  	s21 =	simm.s32 $0xE400  }
0xc6: {  	[hbm4b:s2+s3] =	stream.indirect_vreg.scatter [tilespmem:s21], [sflag:$0x2], $0x80, v4, vm0, $0xb8;
	[tilespmem:$0x10400] =	vst v63  }
0xc7: {  	s22 =	simm.s32 $0xEC00  }
0xc8: {  	[hbm4b:s2+s3] =	stream.indirect_vreg.scatter [tilespmem:s22], [sflag:$0x2], $0x80, v3, vm0, $0xb8;
	[tilespmem:$0x10400] =	vst v63  }
0xc9: {  	v3 =	vld [tilespmem:$0xF0];
	_ =	sdelay $0x4  }
0xca: {  	v15 =	vshll.u32 v3, $0x1  }
0xcb: {  	v3 =	vand.u32 $0x7, v3;
	v4 =	vand.u32 $0xFFFFFFF0, v15  }
0xcc: {  	v3 =	vor.u32 v3, v4  }
0xcd: {  	v4 =	vperm.xlane v3, v0;
	_ =	sdelay $0x1  }
0xce: {  	v3 =	vperm.xlane v3, v2;
	v4 =	vadd.s32 v1, v4;
	_ =	sdelay $0x1  }
0xcf: {  	v3 =	vadd.s32 v1, v3;
	_ =	sdelay $0x1  }
0xd0: {  	s26 =	simm.s32 $0xF400  }
0xd1: {  	[hbm4b:s2+s3] =	stream.indirect_vreg.scatter [tilespmem:s26], [sflag:$0x2], $0x80, v4, vm0, $0xb8;
	[tilespmem:$0x10400] =	vst v63  }
0xd2: {  	s9 =	simm.s32 $0xFC00  }
0xd3: {  	[hbm4b:s2+s3] =	stream.indirect_vreg.scatter [tilespmem:s9], [sflag:$0x2], $0x80, v3, vm0, $0xb8;
	[tilespmem:$0x10400] =	vst v63  }
0xd4: {  	s31 =	rddreg [dreg:$0x7]  }
0xd5: {  	[tilespmem:s7], [sflag:$0x3] =	stream.linear.gather [hbm4b:s31+s3], $0x8000, $0x38;
	[tilespmem:$0x10400] =	vst v63  }
0xd6: {  	_ =	swait.ge [sflag:s5], $0x8000  }
0xd7: {  	[sflag:s5] =	ssyncset.done $0x0  }
0xd8: {  	[sflag:s5] =	ssyncadd.s32 $0xFFFF8000  }
0xd9: {  	_ =	swait.ge [sflag:s14], $0x8000  }
0xda: {  	[sflag:s14] =	ssyncset.done $0x0  }
0xdb: {  	[sflag:s14] =	ssyncadd.s32 $0xFFFF8000  }
0xdc: {  	v3 =	vld [tilespmem:$0x100];
	_ =	sdelay $0x4  }
0xdd: {  	v16 =	vshll.u32 v3, $0x1  }
0xde: {  	v3 =	vand.u32 $0x7, v3;
	v4 =	vand.u32 $0xFFFFFFF0, v16  }
0xdf: {  	v3 =	vor.u32 v3, v4  }
0xe0: {  	v4 =	vperm.xlane v3, v0;
	_ =	sdelay $0x1  }
0xe1: {  	v3 =	vperm.xlane v3, v2;
	v4 =	vadd.s32 v1, v4;
	_ =	sdelay $0x1  }
0xe2: {  	v3 =	vadd.s32 v1, v3;
	_ =	sdelay $0x2  }
0xe3: {  	[hbm4b:s2+s3] =	stream.indirect_vreg.scatter [tilespmem:s24], [sflag:$0x1], $0x80, v4, vm0, $0xb8;
	[tilespmem:$0x10400] =	vst v63  }
0xe4: {  	s1 =	simm.s32 $0xC00  }
0xe5: {  	[hbm4b:s2+s3] =	stream.indirect_vreg.scatter [tilespmem:s1], [sflag:$0x1], $0x80, v3, vm0, $0xb8;
	[tilespmem:$0x10400] =	vst v63  }
0xe6: {  	v3 =	vld [tilespmem:$0x110];
	_ =	sdelay $0x4  }
0xe7: {  	v17 =	vshll.u32 v3, $0x1  }
0xe8: {  	v3 =	vand.u32 $0x7, v3;
	v4 =	vand.u32 $0xFFFFFFF0, v17  }
0xe9: {  	v3 =	vor.u32 v3, v4  }
0xea: {  	v4 =	vperm.xlane v3, v0;
	_ =	sdelay $0x1  }
0xeb: {  	v3 =	vperm.xlane v3, v2;
	v4 =	vadd.s32 v1, v4;
	_ =	sdelay $0x1  }
0xec: {  	v3 =	vadd.s32 v1, v3;
	_ =	sdelay $0x1  }
0xed: {  	s0 =	simm.s32 $0x1400  }
0xee: {  	[hbm4b:s2+s3] =	stream.indirect_vreg.scatter [tilespmem:s0], [sflag:$0x1], $0x80, v4, vm0, $0xb8;
	[tilespmem:$0x10400] =	vst v63  }
0xef: {  	s6 =	simm.s32 $0x1C00  }
0xf0: {  	[hbm4b:s2+s3] =	stream.indirect_vreg.scatter [tilespmem:s6], [sflag:$0x1], $0x80, v3, vm0, $0xb8;
	[tilespmem:$0x10400] =	vst v63  }
0xf1: {  	v3 =	vld [tilespmem:$0x120];
	_ =	sdelay $0x4  }
0xf2: {  	v18 =	vshll.u32 v3, $0x1  }
0xf3: {  	v3 =	vand.u32 $0x7, v3;
	v4 =	vand.u32 $0xFFFFFFF0, v18  }
0xf4: {  	v3 =	vor.u32 v3, v4  }
0xf5: {  	v4 =	vperm.xlane v3, v0;
	_ =	sdelay $0x1  }
0xf6: {  	v3 =	vperm.xlane v3, v2;
	v4 =	vadd.s32 v1, v4;
	_ =	sdelay $0x1  }
0xf7: {  	v3 =	vadd.s32 v1, v3;
	_ =	sdelay $0x1  }
0xf8: {  	s1 =	simm.s32 $0x2400  }
0xf9: {  	[hbm4b:s2+s3] =	stream.indirect_vreg.scatter [tilespmem:s1], [sflag:$0x1], $0x80, v4, vm0, $0xb8;
	[tilespmem:$0x10400] =	vst v63  }
0xfa: {  	s28 =	simm.s32 $0x2C00  }
0xfb: {  	[hbm4b:s2+s3] =	stream.indirect_vreg.scatter [tilespmem:s28], [sflag:$0x1], $0x80, v3, vm0, $0xb8;
	[tilespmem:$0x10400] =	vst v63  }
0xfc: {  	v3 =	vld [tilespmem:$0x130];
	_ =	sdelay $0x4  }
0xfd: {  	v19 =	vshll.u32 v3, $0x1  }
0xfe: {  	v3 =	vand.u32 $0x7, v3;
	v4 =	vand.u32 $0xFFFFFFF0, v19  }
0xff: {  	v3 =	vor.u32 v3, v4  }
0x100: {  	v4 =	vperm.xlane v3, v0;
	_ =	sdelay $0x1  }
0x101: {  	v3 =	vperm.xlane v3, v2;
	v4 =	vadd.s32 v1, v4;
	_ =	sdelay $0x1  }
0x102: {  	v3 =	vadd.s32 v1, v3;
	_ =	sdelay $0x1  }
0x103: {  	s6 =	simm.s32 $0x3400  }
0x104: {  	[hbm4b:s2+s3] =	stream.indirect_vreg.scatter [tilespmem:s6], [sflag:$0x1], $0x80, v4, vm0, $0xb8;
	[tilespmem:$0x10400] =	vst v63  }
0x105: {  	s29 =	simm.s32 $0x3C00  }
0x106: {  	[hbm4b:s2+s3] =	stream.indirect_vreg.scatter [tilespmem:s29], [sflag:$0x1], $0x80, v3, vm0, $0xb8;
	[tilespmem:$0x10400] =	vst v63  }
0x107: {  	v3 =	vld [tilespmem:$0x140];
	_ =	sdelay $0x4  }
0x108: {  	v20 =	vshll.u32 v3, $0x1  }
0x109: {  	v3 =	vand.u32 $0x7, v3;
	v4 =	vand.u32 $0xFFFFFFF0, v20  }
0x10a: {  	v3 =	vor.u32 v3, v4  }
0x10b: {  	v4 =	vperm.xlane v3, v0;
	_ =	sdelay $0x1  }
0x10c: {  	v3 =	vperm.xlane v3, v2;
	v4 =	vadd.s32 v1, v4;
	_ =	sdelay $0x1  }
0x10d: {  	v3 =	vadd.s32 v1, v3;
	_ =	sdelay $0x1  }
0x10e: {  	s28 =	simm.s32 $0x4400  }
0x10f: {  	[hbm4b:s2+s3] =	stream.indirect_vreg.scatter [tilespmem:s28], [sflag:$0x1], $0x80, v4, vm0, $0xb8;
	[tilespmem:$0x10400] =	vst v63  }
0x110: {  	s30 =	simm.s32 $0x4C00  }
0x111: {  	[hbm4b:s2+s3] =	stream.indirect_vreg.scatter [tilespmem:s30], [sflag:$0x1], $0x80, v3, vm0, $0xb8;
	[tilespmem:$0x10400] =	vst v63  }
0x112: {  	v3 =	vld [tilespmem:$0x150];
	_ =	sdelay $0x4  }
0x113: {  	v21 =	vshll.u32 v3, $0x1  }
0x114: {  	v3 =	vand.u32 $0x7, v3;
	v4 =	vand.u32 $0xFFFFFFF0, v21  }
0x115: {  	v3 =	vor.u32 v3, v4  }
0x116: {  	v4 =	vperm.xlane v3, v0;
	_ =	sdelay $0x1  }
0x117: {  	v3 =	vperm.xlane v3, v2;
	v4 =	vadd.s32 v1, v4;
	_ =	sdelay $0x1  }
0x118: {  	v3 =	vadd.s32 v1, v3;
	_ =	sdelay $0x1  }
0x119: {  	s29 =	simm.s32 $0x5400  }
0x11a: {  	[hbm4b:s2+s3] =	stream.indirect_vreg.scatter [tilespmem:s29], [sflag:$0x1], $0x80, v4, vm0, $0xb8;
	[tilespmem:$0x10400] =	vst v63  }
0x11b: {  	s31 =	simm.s32 $0x5C00  }
0x11c: {  	[hbm4b:s2+s3] =	stream.indirect_vreg.scatter [tilespmem:s31], [sflag:$0x1], $0x80, v3, vm0, $0xb8;
	[tilespmem:$0x10400] =	vst v63  }
0x11d: {  	v3 =	vld [tilespmem:$0x160];
	_ =	sdelay $0x4  }
0x11e: {  	v22 =	vshll.u32 v3, $0x1  }
0x11f: {  	v3 =	vand.u32 $0x7, v3;
	v4 =	vand.u32 $0xFFFFFFF0, v22  }
0x120: {  	v3 =	vor.u32 v3, v4  }
0x121: {  	v4 =	vperm.xlane v3, v0;
	_ =	sdelay $0x1  }
0x122: {  	v3 =	vperm.xlane v3, v2;
	v4 =	vadd.s32 v1, v4;
	_ =	sdelay $0x1  }
0x123: {  	v3 =	vadd.s32 v1, v3;
	_ =	sdelay $0x1  }
0x124: {  	s30 =	simm.s32 $0x6400  }
0x125: {  	[hbm4b:s2+s3] =	stream.indirect_vreg.scatter [tilespmem:s30], [sflag:$0x1], $0x80, v4, vm0, $0xb8;
	[tilespmem:$0x10400] =	vst v63  }
0x126: {  	s26 =	simm.s32 $0x6C00  }
0x127: {  	[hbm4b:s2+s3] =	stream.indirect_vreg.scatter [tilespmem:s26], [sflag:$0x1], $0x80, v3, vm0, $0xb8;
	[tilespmem:$0x10400] =	vst v63  }
0x128: {  	v3 =	vld [tilespmem:$0x170];
	_ =	sdelay $0x4  }
0x129: {  	v23 =	vshll.u32 v3, $0x1  }
0x12a: {  	v3 =	vand.u32 $0x7, v3;
	v4 =	vand.u32 $0xFFFFFFF0, v23  }
0x12b: {  	v3 =	vor.u32 v3, v4  }
0x12c: {  	v4 =	vperm.xlane v3, v0;
	_ =	sdelay $0x1  }
0x12d: {  	v3 =	vperm.xlane v3, v2;
	v4 =	vadd.s32 v1, v4;
	_ =	sdelay $0x1  }
0x12e: {  	v3 =	vadd.s32 v1, v3;
	_ =	sdelay $0x1  }
0x12f: {  	s9 =	simm.s32 $0x7400  }
0x130: {  	[hbm4b:s2+s3] =	stream.indirect_vreg.scatter [tilespmem:s9], [sflag:$0x1], $0x80, v4, vm0, $0xb8;
	[tilespmem:$0x10400] =	vst v63  }
0x131: {  	s8 =	simm.s32 $0x7C00  }
0x132: {  	[hbm4b:s2+s3] =	stream.indirect_vreg.scatter [tilespmem:s8], [sflag:$0x1], $0x80, v3, vm0, $0xb8;
	[tilespmem:$0x10400] =	vst v63  }
0x133: {  	s16 =	rddreg [dreg:$0x8]  }
0x134: {  	[tilespmem:s24], [sflag:$0x3] =	stream.linear.gather [hbm4b:s16+s3], $0x8000, $0x38;
	[tilespmem:$0x10400] =	vst v63  }
0x135: {  	_ =	swait.ge [sflag:s5], $0x8000  }
0x136: {  	[sflag:s5] =	ssyncset.done $0x0  }
0x137: {  	[sflag:s5] =	ssyncadd.s32 $0xFFFF8000  }
0x138: {  	_ =	swait.ge [sflag:s23], $0x8000  }
0x139: {  	[sflag:s23] =	ssyncset.done $0x0  }
0x13a: {  	[sflag:s23] =	ssyncadd.s32 $0xFFFF8000  }
0x13b: {  	v3 =	vld [tilespmem:$0x180];
	_ =	sdelay $0x4  }
0x13c: {  	v24 =	vshll.u32 v3, $0x1  }
0x13d: {  	v3 =	vand.u32 $0x7, v3;
	v4 =	vand.u32 $0xFFFFFFF0, v24  }
0x13e: {  	v3 =	vor.u32 v3, v4  }
0x13f: {  	v4 =	vperm.xlane v3, v0;
	_ =	sdelay $0x1  }
0x140: {  	v3 =	vperm.xlane v3, v2;
	v4 =	vadd.s32 v1, v4;
	_ =	sdelay $0x1  }
0x141: {  	v3 =	vadd.s32 v1, v3;
	_ =	sdelay $0x2  }
0x142: {  	[hbm4b:s2+s3] =	stream.indirect_vreg.scatter [tilespmem:s7], [sflag:$0x2], $0x80, v4, vm0, $0xb8;
	[tilespmem:$0x10400] =	vst v63  }
0x143: {  	s10 =	simm.s32 $0x8C00  }
0x144: {  	[hbm4b:s2+s3] =	stream.indirect_vreg.scatter [tilespmem:s10], [sflag:$0x2], $0x80, v3, vm0, $0xb8;
	[tilespmem:$0x10400] =	vst v63  }
0x145: {  	v3 =	vld [tilespmem:$0x190];
	_ =	sdelay $0x4  }
0x146: {  	v25 =	vshll.u32 v3, $0x1  }
0x147: {  	v3 =	vand.u32 $0x7, v3;
	v4 =	vand.u32 $0xFFFFFFF0, v25  }
0x148: {  	v3 =	vor.u32 v3, v4  }
0x149: {  	v4 =	vperm.xlane v3, v0;
	_ =	sdelay $0x1  }
0x14a: {  	v3 =	vperm.xlane v3, v2;
	v4 =	vadd.s32 v1, v4;
	_ =	sdelay $0x1  }
0x14b: {  	v3 =	vadd.s32 v1, v3;
	_ =	sdelay $0x1  }
0x14c: {  	s12 =	simm.s32 $0x9400  }
0x14d: {  	[hbm4b:s2+s3] =	stream.indirect_vreg.scatter [tilespmem:s12], [sflag:$0x2], $0x80, v4, vm0, $0xb8;
	[tilespmem:$0x10400] =	vst v63  }
0x14e: {  	s10 =	simm.s32 $0x9C00  }
0x14f: {  	[hbm4b:s2+s3] =	stream.indirect_vreg.scatter [tilespmem:s10], [sflag:$0x2], $0x80, v3, vm0, $0xb8;
	[tilespmem:$0x10400] =	vst v63  }
0x150: {  	v3 =	vld [tilespmem:$0x1A0];
	_ =	sdelay $0x4  }
0x151: {  	v26 =	vshll.u32 v3, $0x1  }
0x152: {  	v3 =	vand.u32 $0x7, v3;
	v4 =	vand.u32 $0xFFFFFFF0, v26  }
0x153: {  	v3 =	vor.u32 v3, v4  }
0x154: {  	v4 =	vperm.xlane v3, v0;
	_ =	sdelay $0x1  }
0x155: {  	v3 =	vperm.xlane v3, v2;
	v4 =	vadd.s32 v1, v4;
	_ =	sdelay $0x1  }
0x156: {  	v3 =	vadd.s32 v1, v3;
	_ =	sdelay $0x1  }
0x157: {  	s8 =	simm.s32 $0xA400  }
0x158: {  	[hbm4b:s2+s3] =	stream.indirect_vreg.scatter [tilespmem:s8], [sflag:$0x2], $0x80, v4, vm0, $0xb8;
	[tilespmem:$0x10400] =	vst v63  }
0x159: {  	s12 =	simm.s32 $0xAC00  }
0x15a: {  	[hbm4b:s2+s3] =	stream.indirect_vreg.scatter [tilespmem:s12], [sflag:$0x2], $0x80, v3, vm0, $0xb8;
	[tilespmem:$0x10400] =	vst v63  }
0x15b: {  	v3 =	vld [tilespmem:$0x1B0];
	_ =	sdelay $0x4  }
0x15c: {  	v27 =	vshll.u32 v3, $0x1  }
0x15d: {  	v3 =	vand.u32 $0x7, v3;
	v4 =	vand.u32 $0xFFFFFFF0, v27  }
0x15e: {  	v3 =	vor.u32 v3, v4  }
0x15f: {  	v4 =	vperm.xlane v3, v0;
	_ =	sdelay $0x1  }
0x160: {  	v3 =	vperm.xlane v3, v2;
	v4 =	vadd.s32 v1, v4;
	_ =	sdelay $0x1  }
0x161: {  	v3 =	vadd.s32 v1, v3;
	_ =	sdelay $0x1  }
0x162: {  	s11 =	simm.s32 $0xB400  }
0x163: {  	[hbm4b:s2+s3] =	stream.indirect_vreg.scatter [tilespmem:s11], [sflag:$0x2], $0x80, v4, vm0, $0xb8;
	[tilespmem:$0x10400] =	vst v63  }
0x164: {  	s11 =	simm.s32 $0xBC00  }
0x165: {  	[hbm4b:s2+s3] =	stream.indirect_vreg.scatter [tilespmem:s11], [sflag:$0x2], $0x80, v3, vm0, $0xb8;
	[tilespmem:$0x10400] =	vst v63  }
0x166: {  	v3 =	vld [tilespmem:$0x1C0];
	_ =	sdelay $0x4  }
0x167: {  	v28 =	vshll.u32 v3, $0x1  }
0x168: {  	v3 =	vand.u32 $0x7, v3;
	v4 =	vand.u32 $0xFFFFFFF0, v28  }
0x169: {  	v3 =	vor.u32 v3, v4  }
0x16a: {  	v4 =	vperm.xlane v3, v0;
	_ =	sdelay $0x1  }
0x16b: {  	v3 =	vperm.xlane v3, v2;
	v4 =	vadd.s32 v1, v4;
	_ =	sdelay $0x1  }
0x16c: {  	v3 =	vadd.s32 v1, v3;
	_ =	sdelay $0x1  }
0x16d: {  	s16 =	simm.s32 $0xC400  }
0x16e: {  	[hbm4b:s2+s3] =	stream.indirect_vreg.scatter [tilespmem:s16], [sflag:$0x2], $0x80, v4, vm0, $0xb8;
	[tilespmem:$0x10400] =	vst v63  }
0x16f: {  	s13 =	simm.s32 $0xCC00  }
0x170: {  	[hbm4b:s2+s3] =	stream.indirect_vreg.scatter [tilespmem:s13], [sflag:$0x2], $0x80, v3, vm0, $0xb8;
	[tilespmem:$0x10400] =	vst v63  }
0x171: {  	v3 =	vld [tilespmem:$0x1D0];
	_ =	sdelay $0x4  }
0x172: {  	v29 =	vshll.u32 v3, $0x1  }
0x173: {  	v3 =	vand.u32 $0x7, v3;
	v4 =	vand.u32 $0xFFFFFFF0, v29  }
0x174: {  	v3 =	vor.u32 v3, v4  }
0x175: {  	v4 =	vperm.xlane v3, v0;
	_ =	sdelay $0x1  }
0x176: {  	v3 =	vperm.xlane v3, v2;
	v4 =	vadd.s32 v1, v4;
	_ =	sdelay $0x1  }
0x177: {  	v3 =	vadd.s32 v1, v3;
	_ =	sdelay $0x1  }
0x178: {  	s15 =	simm.s32 $0xD400  }
0x179: {  	[hbm4b:s2+s3] =	stream.indirect_vreg.scatter [tilespmem:s15], [sflag:$0x2], $0x80, v4, vm0, $0xb8;
	[tilespmem:$0x10400] =	vst v63  }
0x17a: {  	s25 =	simm.s32 $0xDC00  }
0x17b: {  	[hbm4b:s2+s3] =	stream.indirect_vreg.scatter [tilespmem:s25], [sflag:$0x2], $0x80, v3, vm0, $0xb8;
	[tilespmem:$0x10400] =	vst v63  }
0x17c: {  	v3 =	vld [tilespmem:$0x1E0];
	_ =	sdelay $0x4  }
0x17d: {  	v30 =	vshll.u32 v3, $0x1  }
0x17e: {  	v3 =	vand.u32 $0x7, v3;
	v4 =	vand.u32 $0xFFFFFFF0, v30  }
0x17f: {  	v3 =	vor.u32 v3, v4  }
0x180: {  	v4 =	vperm.xlane v3, v0;
	_ =	sdelay $0x1  }
0x181: {  	v3 =	vperm.xlane v3, v2;
	v4 =	vadd.s32 v1, v4;
	_ =	sdelay $0x1  }
0x182: {  	v3 =	vadd.s32 v1, v3;
	_ =	sdelay $0x1  }
0x183: {  	s15 =	simm.s32 $0xE400  }
0x184: {  	[hbm4b:s2+s3] =	stream.indirect_vreg.scatter [tilespmem:s15], [sflag:$0x2], $0x80, v4, vm0, $0xb8;
	[tilespmem:$0x10400] =	vst v63  }
0x185: {  	s17 =	simm.s32 $0xEC00  }
0x186: {  	[hbm4b:s2+s3] =	stream.indirect_vreg.scatter [tilespmem:s17], [sflag:$0x2], $0x80, v3, vm0, $0xb8;
	[tilespmem:$0x10400] =	vst v63  }
0x187: {  	v3 =	vld [tilespmem:$0x1F0];
	_ =	sdelay $0x4  }
0x188: {  	v31 =	vshll.u32 v3, $0x1  }
0x189: {  	v3 =	vand.u32 $0x7, v3;
	v4 =	vand.u32 $0xFFFFFFF0, v31  }
0x18a: {  	v3 =	vor.u32 v3, v4  }
0x18b: {  	v4 =	vperm.xlane v3, v0;
	_ =	sdelay $0x1  }
0x18c: {  	v3 =	vperm.xlane v3, v2;
	v4 =	vadd.s32 v1, v4;
	_ =	sdelay $0x1  }
0x18d: {  	v3 =	vadd.s32 v1, v3;
	_ =	sdelay $0x1  }
0x18e: {  	s18 =	simm.s32 $0xF400  }
0x18f: {  	[hbm4b:s2+s3] =	stream.indirect_vreg.scatter [tilespmem:s18], [sflag:$0x2], $0x80, v4, vm0, $0xb8;
	[tilespmem:$0x10400] =	vst v63  }
0x190: {  	s21 =	simm.s32 $0xFC00  }
0x191: {  	[hbm4b:s2+s3] =	stream.indirect_vreg.scatter [tilespmem:s21], [sflag:$0x2], $0x80, v3, vm0, $0xb8;
	[tilespmem:$0x10400] =	vst v63  }
0x192: {  	s18 =	rddreg [dreg:$0x9]  }
0x193: {  	[tilespmem:s7], [sflag:$0x3] =	stream.linear.gather [hbm4b:s18+s3], $0x8000, $0x38;
	[tilespmem:$0x10400] =	vst v63  }
0x194: {  	_ =	swait.ge [sflag:s5], $0x8000  }
0x195: {  	[sflag:s5] =	ssyncset.done $0x0  }
0x196: {  	[sflag:s5] =	ssyncadd.s32 $0xFFFF8000  }
0x197: {  	_ =	swait.ge [sflag:s14], $0x8000  }
0x198: {  	[sflag:s14] =	ssyncset.done $0x0  }
0x199: {  	[sflag:s14] =	ssyncadd.s32 $0xFFFF8000  }
0x19a: {  	v3 =	vld [tilespmem:$0x200];
	_ =	sdelay $0x4  }
0x19b: {  	v32 =	vshll.u32 v3, $0x1  }
0x19c: {  	v3 =	vand.u32 $0x7, v3;
	v4 =	vand.u32 $0xFFFFFFF0, v32  }
0x19d: {  	v3 =	vor.u32 v3, v4  }
0x19e: {  	v4 =	vperm.xlane v3, v0;
	_ =	sdelay $0x1  }
0x19f: {  	v3 =	vperm.xlane v3, v2;
	v4 =	vadd.s32 v1, v4;
	_ =	sdelay $0x1  }
0x1a0: {  	v3 =	vadd.s32 v1, v3;
	_ =	sdelay $0x2  }
0x1a1: {  	[hbm4b:s2+s3] =	stream.indirect_vreg.scatter [tilespmem:s24], [sflag:$0x1], $0x80, v4, vm0, $0xb8;
	[tilespmem:$0x10400] =	vst v63  }
0x1a2: {  	s19 =	simm.s32 $0xC00  }
0x1a3: {  	[hbm4b:s2+s3] =	stream.indirect_vreg.scatter [tilespmem:s19], [sflag:$0x1], $0x80, v3, vm0, $0xb8;
	[tilespmem:$0x10400] =	vst v63  }
0x1a4: {  	v3 =	vld [tilespmem:$0x210];
	_ =	sdelay $0x4  }
0x1a5: {  	v33 =	vshll.u32 v3, $0x1  }
0x1a6: {  	v3 =	vand.u32 $0x7, v3;
	v4 =	vand.u32 $0xFFFFFFF0, v33  }
0x1a7: {  	v3 =	vor.u32 v3, v4  }
0x1a8: {  	v4 =	vperm.xlane v3, v0;
	_ =	sdelay $0x1  }
0x1a9: {  	v3 =	vperm.xlane v3, v2;
	v4 =	vadd.s32 v1, v4;
	_ =	sdelay $0x1  }
0x1aa: {  	v3 =	vadd.s32 v1, v3;
	_ =	sdelay $0x2  }
0x1ab: {  	[hbm4b:s2+s3] =	stream.indirect_vreg.scatter [tilespmem:s0], [sflag:$0x1], $0x80, v4, vm0, $0xb8;
	[tilespmem:$0x10400] =	vst v63  }
0x1ac: {  	s20 =	simm.s32 $0x1C00  }
0x1ad: {  	[hbm4b:s2+s3] =	stream.indirect_vreg.scatter [tilespmem:s20], [sflag:$0x1], $0x80, v3, vm0, $0xb8;
	[tilespmem:$0x10400] =	vst v63  }
0x1ae: {  	v3 =	vld [tilespmem:$0x220];
	_ =	sdelay $0x4  }
0x1af: {  	v34 =	vshll.u32 v3, $0x1  }
0x1b0: {  	v3 =	vand.u32 $0x7, v3;
	v4 =	vand.u32 $0xFFFFFFF0, v34  }
0x1b1: {  	v3 =	vor.u32 v3, v4  }
0x1b2: {  	v4 =	vperm.xlane v3, v0;
	_ =	sdelay $0x1  }
0x1b3: {  	v3 =	vperm.xlane v3, v2;
	v4 =	vadd.s32 v1, v4;
	_ =	sdelay $0x1  }
0x1b4: {  	v3 =	vadd.s32 v1, v3;
	_ =	sdelay $0x2  }
0x1b5: {  	[hbm4b:s2+s3] =	stream.indirect_vreg.scatter [tilespmem:s1], [sflag:$0x1], $0x80, v4, vm0, $0xb8;
	[tilespmem:$0x10400] =	vst v63  }
0x1b6: {  	s22 =	simm.s32 $0x2C00  }
0x1b7: {  	[hbm4b:s2+s3] =	stream.indirect_vreg.scatter [tilespmem:s22], [sflag:$0x1], $0x80, v3, vm0, $0xb8;
	[tilespmem:$0x10400] =	vst v63  }
0x1b8: {  	v3 =	vld [tilespmem:$0x230];
	_ =	sdelay $0x4  }
0x1b9: {  	v35 =	vshll.u32 v3, $0x1  }
0x1ba: {  	v3 =	vand.u32 $0x7, v3;
	v4 =	vand.u32 $0xFFFFFFF0, v35  }
0x1bb: {  	v3 =	vor.u32 v3, v4  }
0x1bc: {  	v4 =	vperm.xlane v3, v0;
	_ =	sdelay $0x1  }
0x1bd: {  	v3 =	vperm.xlane v3, v2;
	v4 =	vadd.s32 v1, v4;
	_ =	sdelay $0x1  }
0x1be: {  	v3 =	vadd.s32 v1, v3;
	_ =	sdelay $0x2  }
0x1bf: {  	[hbm4b:s2+s3] =	stream.indirect_vreg.scatter [tilespmem:s6], [sflag:$0x1], $0x80, v4, vm0, $0xb8;
	[tilespmem:$0x10400] =	vst v63  }
0x1c0: {  	s20 =	simm.s32 $0x3C00  }
0x1c1: {  	[hbm4b:s2+s3] =	stream.indirect_vreg.scatter [tilespmem:s20], [sflag:$0x1], $0x80, v3, vm0, $0xb8;
	[tilespmem:$0x10400] =	vst v63  }
0x1c2: {  	v3 =	vld [tilespmem:$0x240];
	_ =	sdelay $0x4  }
0x1c3: {  	v36 =	vshll.u32 v3, $0x1  }
0x1c4: {  	v3 =	vand.u32 $0x7, v3;
	v4 =	vand.u32 $0xFFFFFFF0, v36  }
0x1c5: {  	v3 =	vor.u32 v3, v4  }
0x1c6: {  	v4 =	vperm.xlane v3, v0;
	_ =	sdelay $0x1  }
0x1c7: {  	v3 =	vperm.xlane v3, v2;
	v4 =	vadd.s32 v1, v4;
	_ =	sdelay $0x1  }
0x1c8: {  	v3 =	vadd.s32 v1, v3;
	_ =	sdelay $0x2  }
0x1c9: {  	[hbm4b:s2+s3] =	stream.indirect_vreg.scatter [tilespmem:s28], [sflag:$0x1], $0x80, v4, vm0, $0xb8;
	[tilespmem:$0x10400] =	vst v63  }
0x1ca: {  	s21 =	simm.s32 $0x4C00  }
0x1cb: {  	[hbm4b:s2+s3] =	stream.indirect_vreg.scatter [tilespmem:s21], [sflag:$0x1], $0x80, v3, vm0, $0xb8;
	[tilespmem:$0x10400] =	vst v63  }
0x1cc: {  	v3 =	vld [tilespmem:$0x250];
	_ =	sdelay $0x4  }
0x1cd: {  	v37 =	vshll.u32 v3, $0x1  }
0x1ce: {  	v3 =	vand.u32 $0x7, v3;
	v4 =	vand.u32 $0xFFFFFFF0, v37  }
0x1cf: {  	v3 =	vor.u32 v3, v4  }
0x1d0: {  	v4 =	vperm.xlane v3, v0;
	_ =	sdelay $0x1  }
0x1d1: {  	v3 =	vperm.xlane v3, v2;
	v4 =	vadd.s32 v1, v4;
	_ =	sdelay $0x1  }
0x1d2: {  	v3 =	vadd.s32 v1, v3;
	_ =	sdelay $0x2  }
0x1d3: {  	[hbm4b:s2+s3] =	stream.indirect_vreg.scatter [tilespmem:s29], [sflag:$0x1], $0x80, v4, vm0, $0xb8;
	[tilespmem:$0x10400] =	vst v63  }
0x1d4: {  	_ = 	snop  }
0x1d5: {  	[hbm4b:s2+s3] =	stream.indirect_vreg.scatter [tilespmem:s31], [sflag:$0x1], $0x80, v3, vm0, $0xb8;
	[tilespmem:$0x10400] =	vst v63  }
0x1d6: {  	v3 =	vld [tilespmem:$0x260];
	_ =	sdelay $0x4  }
0x1d7: {  	v38 =	vshll.u32 v3, $0x1  }
0x1d8: {  	v3 =	vand.u32 $0x7, v3;
	v4 =	vand.u32 $0xFFFFFFF0, v38  }
0x1d9: {  	v3 =	vor.u32 v3, v4  }
0x1da: {  	v4 =	vperm.xlane v3, v0;
	_ =	sdelay $0x1  }
0x1db: {  	v3 =	vperm.xlane v3, v2;
	v4 =	vadd.s32 v1, v4;
	_ =	sdelay $0x1  }
0x1dc: {  	v3 =	vadd.s32 v1, v3;
	_ =	sdelay $0x2  }
0x1dd: {  	[hbm4b:s2+s3] =	stream.indirect_vreg.scatter [tilespmem:s30], [sflag:$0x1], $0x80, v4, vm0, $0xb8;
	[tilespmem:$0x10400] =	vst v63  }
0x1de: {  	_ = 	snop  }
0x1df: {  	[hbm4b:s2+s3] =	stream.indirect_vreg.scatter [tilespmem:s26], [sflag:$0x1], $0x80, v3, vm0, $0xb8;
	[tilespmem:$0x10400] =	vst v63  }
0x1e0: {  	v3 =	vld [tilespmem:$0x270];
	_ =	sdelay $0x4  }
0x1e1: {  	v39 =	vshll.u32 v3, $0x1  }
0x1e2: {  	v3 =	vand.u32 $0x7, v3;
	v4 =	vand.u32 $0xFFFFFFF0, v39  }
0x1e3: {  	v3 =	vor.u32 v3, v4  }
0x1e4: {  	v4 =	vperm.xlane v3, v0;
	_ =	sdelay $0x1  }
0x1e5: {  	v3 =	vperm.xlane v3, v2;
	v4 =	vadd.s32 v1, v4;
	_ =	sdelay $0x1  }
0x1e6: {  	v3 =	vadd.s32 v1, v3;
	_ =	sdelay $0x2  }
0x1e7: {  	[hbm4b:s2+s3] =	stream.indirect_vreg.scatter [tilespmem:s9], [sflag:$0x1], $0x80, v4, vm0, $0xb8;
	[tilespmem:$0x10400] =	vst v63  }
0x1e8: {  	s25 =	simm.s32 $0x7C00  }
0x1e9: {  	[hbm4b:s2+s3] =	stream.indirect_vreg.scatter [tilespmem:s25], [sflag:$0x1], $0x80, v3, vm0, $0xb8;
	[tilespmem:$0x10400] =	vst v63  }
0x1ea: {  	s22 =	rddreg [dreg:$0xa]  }
0x1eb: {  	[tilespmem:s24], [sflag:$0x3] =	stream.linear.gather [hbm4b:s22+s3], $0x8000, $0x38;
	[tilespmem:$0x10400] =	vst v63  }
0x1ec: {  	_ =	swait.ge [sflag:s5], $0x8000  }
0x1ed: {  	[sflag:s5] =	ssyncset.done $0x0  }
0x1ee: {  	[sflag:s5] =	ssyncadd.s32 $0xFFFF8000  }
0x1ef: {  	_ =	swait.ge [sflag:s23], $0x8000  }
0x1f0: {  	[sflag:s23] =	ssyncset.done $0x0  }
0x1f1: {  	[sflag:s23] =	ssyncadd.s32 $0xFFFF8000  }
0x1f2: {  	v3 =	vld [tilespmem:$0x280];
	_ =	sdelay $0x4  }
0x1f3: {  	v40 =	vshll.u32 v3, $0x1  }
0x1f4: {  	v3 =	vand.u32 $0x7, v3;
	v4 =	vand.u32 $0xFFFFFFF0, v40  }
0x1f5: {  	v3 =	vor.u32 v3, v4  }
0x1f6: {  	v4 =	vperm.xlane v3, v0;
	_ =	sdelay $0x1  }
0x1f7: {  	v3 =	vperm.xlane v3, v2;
	v4 =	vadd.s32 v1, v4;
	_ =	sdelay $0x1  }
0x1f8: {  	v3 =	vadd.s32 v1, v3;
	_ =	sdelay $0x2  }
0x1f9: {  	[hbm4b:s2+s3] =	stream.indirect_vreg.scatter [tilespmem:s7], [sflag:$0x2], $0x80, v4, vm0, $0xb8;
	[tilespmem:$0x10400] =	vst v63  }
0x1fa: {  	s21 =	simm.s32 $0x8C00  }
0x1fb: {  	[hbm4b:s2+s3] =	stream.indirect_vreg.scatter [tilespmem:s21], [sflag:$0x2], $0x80, v3, vm0, $0xb8;
	[tilespmem:$0x10400] =	vst v63  }
0x1fc: {  	v3 =	vld [tilespmem:$0x290];
	_ =	sdelay $0x4  }
0x1fd: {  	v41 =	vshll.u32 v3, $0x1  }
0x1fe: {  	v3 =	vand.u32 $0x7, v3;
	v4 =	vand.u32 $0xFFFFFFF0, v41  }
0x1ff: {  	v3 =	vor.u32 v3, v4  }
0x200: {  	v4 =	vperm.xlane v3, v0;
	_ =	sdelay $0x1  }
0x201: {  	v3 =	vperm.xlane v3, v2;
	v4 =	vadd.s32 v1, v4;
	_ =	sdelay $0x1  }
0x202: {  	v3 =	vadd.s32 v1, v3;
	_ =	sdelay $0x1  }
0x203: {  	s0 =	simm.s32 $0x9400  }
0x204: {  	[hbm4b:s2+s3] =	stream.indirect_vreg.scatter [tilespmem:s0], [sflag:$0x2], $0x80, v4, vm0, $0xb8;
	[tilespmem:$0x10400] =	vst v63  }
0x205: {  	_ = 	snop  }
0x206: {  	[hbm4b:s2+s3] =	stream.indirect_vreg.scatter [tilespmem:s10], [sflag:$0x2], $0x80, v3, vm0, $0xb8;
	[tilespmem:$0x10400] =	vst v63  }
0x207: {  	v3 =	vld [tilespmem:$0x2A0];
	_ =	sdelay $0x4  }
0x208: {  	v42 =	vshll.u32 v3, $0x1  }
0x209: {  	v3 =	vand.u32 $0x7, v3;
	v4 =	vand.u32 $0xFFFFFFF0, v42  }
0x20a: {  	v3 =	vor.u32 v3, v4  }
0x20b: {  	v4 =	vperm.xlane v3, v0;
	_ =	sdelay $0x1  }
0x20c: {  	v3 =	vperm.xlane v3, v2;
	v4 =	vadd.s32 v1, v4;
	_ =	sdelay $0x1  }
0x20d: {  	v3 =	vadd.s32 v1, v3;
	_ =	sdelay $0x2  }
0x20e: {  	[hbm4b:s2+s3] =	stream.indirect_vreg.scatter [tilespmem:s8], [sflag:$0x2], $0x80, v4, vm0, $0xb8;
	[tilespmem:$0x10400] =	vst v63  }
0x20f: {  	_ = 	snop  }
0x210: {  	[hbm4b:s2+s3] =	stream.indirect_vreg.scatter [tilespmem:s12], [sflag:$0x2], $0x80, v3, vm0, $0xb8;
	[tilespmem:$0x10400] =	vst v63  }
0x211: {  	v3 =	vld [tilespmem:$0x2B0];
	_ =	sdelay $0x4  }
0x212: {  	v43 =	vshll.u32 v3, $0x1  }
0x213: {  	v3 =	vand.u32 $0x7, v3;
	v4 =	vand.u32 $0xFFFFFFF0, v43  }
0x214: {  	v3 =	vor.u32 v3, v4  }
0x215: {  	v4 =	vperm.xlane v3, v0;
	_ =	sdelay $0x1  }
0x216: {  	v3 =	vperm.xlane v3, v2;
	v4 =	vadd.s32 v1, v4;
	_ =	sdelay $0x1  }
0x217: {  	v3 =	vadd.s32 v1, v3;
	_ =	sdelay $0x1  }
0x218: {  	s1 =	simm.s32 $0xB400  }
0x219: {  	[hbm4b:s2+s3] =	stream.indirect_vreg.scatter [tilespmem:s1], [sflag:$0x2], $0x80, v4, vm0, $0xb8;
	[tilespmem:$0x10400] =	vst v63  }
0x21a: {  	_ = 	snop  }
0x21b: {  	[hbm4b:s2+s3] =	stream.indirect_vreg.scatter [tilespmem:s11], [sflag:$0x2], $0x80, v3, vm0, $0xb8;
	[tilespmem:$0x10400] =	vst v63  }
0x21c: {  	v3 =	vld [tilespmem:$0x2C0];
	_ =	sdelay $0x4  }
0x21d: {  	v44 =	vshll.u32 v3, $0x1  }
0x21e: {  	v3 =	vand.u32 $0x7, v3;
	v4 =	vand.u32 $0xFFFFFFF0, v44  }
0x21f: {  	v3 =	vor.u32 v3, v4  }
0x220: {  	v4 =	vperm.xlane v3, v0;
	_ =	sdelay $0x1  }
0x221: {  	v3 =	vperm.xlane v3, v2;
	v4 =	vadd.s32 v1, v4;
	_ =	sdelay $0x1  }
0x222: {  	v3 =	vadd.s32 v1, v3;
	_ =	sdelay $0x2  }
0x223: {  	[hbm4b:s2+s3] =	stream.indirect_vreg.scatter [tilespmem:s16], [sflag:$0x2], $0x80, v4, vm0, $0xb8;
	[tilespmem:$0x10400] =	vst v63  }
0x224: {  	s25 =	simm.s32 $0xCC00  }
0x225: {  	[hbm4b:s2+s3] =	stream.indirect_vreg.scatter [tilespmem:s25], [sflag:$0x2], $0x80, v3, vm0, $0xb8;
	[tilespmem:$0x10400] =	vst v63  }
0x226: {  	v3 =	vld [tilespmem:$0x2D0];
	_ =	sdelay $0x4  }
0x227: {  	v45 =	vshll.u32 v3, $0x1  }
0x228: {  	v3 =	vand.u32 $0x7, v3;
	v4 =	vand.u32 $0xFFFFFFF0, v45  }
0x229: {  	v3 =	vor.u32 v3, v4  }
0x22a: {  	v4 =	vperm.xlane v3, v0;
	_ =	sdelay $0x1  }
0x22b: {  	v3 =	vperm.xlane v3, v2;
	v4 =	vadd.s32 v1, v4;
	_ =	sdelay $0x1  }
0x22c: {  	v3 =	vadd.s32 v1, v3;
	_ =	sdelay $0x1  }
0x22d: {  	s6 =	simm.s32 $0xD400  }
0x22e: {  	[hbm4b:s2+s3] =	stream.indirect_vreg.scatter [tilespmem:s6], [sflag:$0x2], $0x80, v4, vm0, $0xb8;
	[tilespmem:$0x10400] =	vst v63  }
0x22f: {  	s17 =	simm.s32 $0xDC00  }
0x230: {  	[hbm4b:s2+s3] =	stream.indirect_vreg.scatter [tilespmem:s17], [sflag:$0x2], $0x80, v3, vm0, $0xb8;
	[tilespmem:$0x10400] =	vst v63  }
0x231: {  	v3 =	vld [tilespmem:$0x2E0];
	_ =	sdelay $0x4  }
0x232: {  	v46 =	vshll.u32 v3, $0x1  }
0x233: {  	v3 =	vand.u32 $0x7, v3;
	v4 =	vand.u32 $0xFFFFFFF0, v46  }
0x234: {  	v3 =	vor.u32 v3, v4  }
0x235: {  	v4 =	vperm.xlane v3, v0;
	_ =	sdelay $0x1  }
0x236: {  	v3 =	vperm.xlane v3, v2;
	v4 =	vadd.s32 v1, v4;
	_ =	sdelay $0x1  }
0x237: {  	v3 =	vadd.s32 v1, v3;
	_ =	sdelay $0x1  }
0x238: {  	s18 =	simm.s32 $0xE400  }
0x239: {  	[hbm4b:s2+s3] =	stream.indirect_vreg.scatter [tilespmem:s18], [sflag:$0x2], $0x80, v4, vm0, $0xb8;
	[tilespmem:$0x10400] =	vst v63  }
0x23a: {  	s19 =	simm.s32 $0xEC00  }
0x23b: {  	[hbm4b:s2+s3] =	stream.indirect_vreg.scatter [tilespmem:s19], [sflag:$0x2], $0x80, v3, vm0, $0xb8;
	[tilespmem:$0x10400] =	vst v63  }
0x23c: {  	v3 =	vld [tilespmem:$0x2F0];
	_ =	sdelay $0x4  }
0x23d: {  	v47 =	vshll.u32 v3, $0x1  }
0x23e: {  	v3 =	vand.u32 $0x7, v3;
	v4 =	vand.u32 $0xFFFFFFF0, v47  }
0x23f: {  	v3 =	vor.u32 v3, v4  }
0x240: {  	v4 =	vperm.xlane v3, v0;
	_ =	sdelay $0x1  }
0x241: {  	v3 =	vperm.xlane v3, v2;
	v4 =	vadd.s32 v1, v4;
	_ =	sdelay $0x1  }
0x242: {  	v3 =	vadd.s32 v1, v3;
	_ =	sdelay $0x1  }
0x243: {  	s20 =	simm.s32 $0xF400  }
0x244: {  	[hbm4b:s2+s3] =	stream.indirect_vreg.scatter [tilespmem:s20], [sflag:$0x2], $0x80, v4, vm0, $0xb8;
	[tilespmem:$0x10400] =	vst v63  }
0x245: {  	s22 =	simm.s32 $0xFC00  }
0x246: {  	[hbm4b:s2+s3] =	stream.indirect_vreg.scatter [tilespmem:s22], [sflag:$0x2], $0x80, v3, vm0, $0xb8;
	[tilespmem:$0x10400] =	vst v63  }
0x247: {  	s15 =	rddreg [dreg:$0xb]  }
0x248: {  	[tilespmem:s7], [sflag:$0x3] =	stream.linear.gather [hbm4b:s15+s3], $0x8000, $0x38;
	[tilespmem:$0x10400] =	vst v63  }
0x249: {  	_ =	swait.ge [sflag:s5], $0x8000  }
0x24a: {  	[sflag:s5] =	ssyncset.done $0x0  }
0x24b: {  	[sflag:s5] =	ssyncadd.s32 $0xFFFF8000  }
0x24c: {  	_ =	swait.ge [sflag:s14], $0x8000  }
0x24d: {  	[sflag:s14] =	ssyncset.done $0x0  }
0x24e: {  	[sflag:s14] =	ssyncadd.s32 $0xFFFF8000  }
0x24f: {  	v3 =	vld [tilespmem:$0x300];
	_ =	sdelay $0x4  }
0x250: {  	v48 =	vshll.u32 v3, $0x1  }
0x251: {  	v3 =	vand.u32 $0x7, v3;
	v4 =	vand.u32 $0xFFFFFFF0, v48  }
0x252: {  	v3 =	vor.u32 v3, v4  }
0x253: {  	v4 =	vperm.xlane v3, v0;
	_ =	sdelay $0x1  }
0x254: {  	v3 =	vperm.xlane v3, v2;
	v4 =	vadd.s32 v1, v4;
	_ =	sdelay $0x1  }
0x255: {  	v3 =	vadd.s32 v1, v3;
	_ =	sdelay $0x2  }
0x256: {  	[hbm4b:s2+s3] =	stream.indirect_vreg.scatter [tilespmem:s24], [sflag:$0x1], $0x80, v4, vm0, $0xb8;
	[tilespmem:$0x10400] =	vst v63  }
0x257: {  	s15 =	simm.s32 $0xC00  }
0x258: {  	[hbm4b:s2+s3] =	stream.indirect_vreg.scatter [tilespmem:s15], [sflag:$0x1], $0x80, v3, vm0, $0xb8;
	[tilespmem:$0x10400] =	vst v63  }
0x259: {  	v3 =	vld [tilespmem:$0x310];
	_ =	sdelay $0x4  }
0x25a: {  	v49 =	vshll.u32 v3, $0x1  }
0x25b: {  	v3 =	vand.u32 $0x7, v3;
	v4 =	vand.u32 $0xFFFFFFF0, v49  }
0x25c: {  	v3 =	vor.u32 v3, v4  }
0x25d: {  	v4 =	vperm.xlane v3, v0;
	_ =	sdelay $0x1  }
0x25e: {  	v3 =	vperm.xlane v3, v2;
	v4 =	vadd.s32 v1, v4;
	_ =	sdelay $0x1  }
0x25f: {  	v3 =	vadd.s32 v1, v3;
	_ =	sdelay $0x1  }
0x260: {  	s15 =	simm.s32 $0x1400  }
0x261: {  	[hbm4b:s2+s3] =	stream.indirect_vreg.scatter [tilespmem:s15], [sflag:$0x1], $0x80, v4, vm0, $0xb8;
	[tilespmem:$0x10400] =	vst v63  }
0x262: {  	s15 =	simm.s32 $0x1C00  }
0x263: {  	[hbm4b:s2+s3] =	stream.indirect_vreg.scatter [tilespmem:s15], [sflag:$0x1], $0x80, v3, vm0, $0xb8;
	[tilespmem:$0x10400] =	vst v63  }
0x264: {  	v3 =	vld [tilespmem:$0x320];
	_ =	sdelay $0x4  }
0x265: {  	v50 =	vshll.u32 v3, $0x1  }
0x266: {  	v3 =	vand.u32 $0x7, v3;
	v4 =	vand.u32 $0xFFFFFFF0, v50  }
0x267: {  	v3 =	vor.u32 v3, v4  }
0x268: {  	v4 =	vperm.xlane v3, v0;
	_ =	sdelay $0x1  }
0x269: {  	v3 =	vperm.xlane v3, v2;
	v4 =	vadd.s32 v1, v4;
	_ =	sdelay $0x1  }
0x26a: {  	v3 =	vadd.s32 v1, v3;
	_ =	sdelay $0x1  }
0x26b: {  	s15 =	simm.s32 $0x2400  }
0x26c: {  	[hbm4b:s2+s3] =	stream.indirect_vreg.scatter [tilespmem:s15], [sflag:$0x1], $0x80, v4, vm0, $0xb8;
	[tilespmem:$0x10400] =	vst v63  }
0x26d: {  	s15 =	simm.s32 $0x2C00  }
0x26e: {  	[hbm4b:s2+s3] =	stream.indirect_vreg.scatter [tilespmem:s15], [sflag:$0x1], $0x80, v3, vm0, $0xb8;
	[tilespmem:$0x10400] =	vst v63  }
0x26f: {  	v3 =	vld [tilespmem:$0x330];
	_ =	sdelay $0x4  }
0x270: {  	v51 =	vshll.u32 v3, $0x1  }
0x271: {  	v3 =	vand.u32 $0x7, v3;
	v4 =	vand.u32 $0xFFFFFFF0, v51  }
0x272: {  	v3 =	vor.u32 v3, v4  }
0x273: {  	v4 =	vperm.xlane v3, v0;
	_ =	sdelay $0x1  }
0x274: {  	v3 =	vperm.xlane v3, v2;
	v4 =	vadd.s32 v1, v4;
	_ =	sdelay $0x1  }
0x275: {  	v3 =	vadd.s32 v1, v3;
	_ =	sdelay $0x1  }
0x276: {  	s15 =	simm.s32 $0x3400  }
0x277: {  	[hbm4b:s2+s3] =	stream.indirect_vreg.scatter [tilespmem:s15], [sflag:$0x1], $0x80, v4, vm0, $0xb8;
	[tilespmem:$0x10400] =	vst v63  }
0x278: {  	s15 =	simm.s32 $0x3C00  }
0x279: {  	[hbm4b:s2+s3] =	stream.indirect_vreg.scatter [tilespmem:s15], [sflag:$0x1], $0x80, v3, vm0, $0xb8;
	[tilespmem:$0x10400] =	vst v63  }
0x27a: {  	v3 =	vld [tilespmem:$0x340];
	_ =	sdelay $0x4  }
0x27b: {  	v52 =	vshll.u32 v3, $0x1  }
0x27c: {  	v3 =	vand.u32 $0x7, v3;
	v4 =	vand.u32 $0xFFFFFFF0, v52  }
0x27d: {  	v3 =	vor.u32 v3, v4  }
0x27e: {  	v4 =	vperm.xlane v3, v0;
	_ =	sdelay $0x1  }
0x27f: {  	v3 =	vperm.xlane v3, v2;
	v4 =	vadd.s32 v1, v4;
	_ =	sdelay $0x1  }
0x280: {  	v3 =	vadd.s32 v1, v3;
	_ =	sdelay $0x1  }
0x281: {  	s28 =	simm.s32 $0x4400  }
0x282: {  	[hbm4b:s2+s3] =	stream.indirect_vreg.scatter [tilespmem:s28], [sflag:$0x1], $0x80, v4, vm0, $0xb8;
	[tilespmem:$0x10400] =	vst v63  }
0x283: {  	s13 =	simm.s32 $0x4C00  }
0x284: {  	[hbm4b:s2+s3] =	stream.indirect_vreg.scatter [tilespmem:s13], [sflag:$0x1], $0x80, v3, vm0, $0xb8;
	[tilespmem:$0x10400] =	vst v63  }
0x285: {  	v3 =	vld [tilespmem:$0x350];
	_ =	sdelay $0x4  }
0x286: {  	v53 =	vshll.u32 v3, $0x1  }
0x287: {  	v3 =	vand.u32 $0x7, v3;
	v4 =	vand.u32 $0xFFFFFFF0, v53  }
0x288: {  	v3 =	vor.u32 v3, v4  }
0x289: {  	v4 =	vperm.xlane v3, v0;
	_ =	sdelay $0x1  }
0x28a: {  	v3 =	vperm.xlane v3, v2;
	v4 =	vadd.s32 v1, v4;
	_ =	sdelay $0x1  }
0x28b: {  	v3 =	vadd.s32 v1, v3;
	_ =	sdelay $0x1  }
0x28c: {  	s29 =	simm.s32 $0x5400  }
0x28d: {  	[hbm4b:s2+s3] =	stream.indirect_vreg.scatter [tilespmem:s29], [sflag:$0x1], $0x80, v4, vm0, $0xb8;
	[tilespmem:$0x10400] =	vst v63  }
0x28e: {  	s31 =	simm.s32 $0x5C00  }
0x28f: {  	[hbm4b:s2+s3] =	stream.indirect_vreg.scatter [tilespmem:s31], [sflag:$0x1], $0x80, v3, vm0, $0xb8;
	[tilespmem:$0x10400] =	vst v63  }
0x290: {  	v3 =	vld [tilespmem:$0x360];
	_ =	sdelay $0x4  }
0x291: {  	v54 =	vshll.u32 v3, $0x1  }
0x292: {  	v3 =	vand.u32 $0x7, v3;
	v4 =	vand.u32 $0xFFFFFFF0, v54  }
0x293: {  	v3 =	vor.u32 v3, v4  }
0x294: {  	v4 =	vperm.xlane v3, v0;
	_ =	sdelay $0x1  }
0x295: {  	v3 =	vperm.xlane v3, v2;
	v4 =	vadd.s32 v1, v4;
	_ =	sdelay $0x1  }
0x296: {  	v3 =	vadd.s32 v1, v3;
	_ =	sdelay $0x1  }
0x297: {  	s30 =	simm.s32 $0x6400  }
0x298: {  	[hbm4b:s2+s3] =	stream.indirect_vreg.scatter [tilespmem:s30], [sflag:$0x1], $0x80, v4, vm0, $0xb8;
	[tilespmem:$0x10400] =	vst v63  }
0x299: {  	s26 =	simm.s32 $0x6C00  }
0x29a: {  	[hbm4b:s2+s3] =	stream.indirect_vreg.scatter [tilespmem:s26], [sflag:$0x1], $0x80, v3, vm0, $0xb8;
	[tilespmem:$0x10400] =	vst v63  }
0x29b: {  	v3 =	vld [tilespmem:$0x370];
	_ =	sdelay $0x4  }
0x29c: {  	v55 =	vshll.u32 v3, $0x1  }
0x29d: {  	v3 =	vand.u32 $0x7, v3;
	v4 =	vand.u32 $0xFFFFFFF0, v55  }
0x29e: {  	v3 =	vor.u32 v3, v4  }
0x29f: {  	v4 =	vperm.xlane v3, v0;
	_ =	sdelay $0x1  }
0x2a0: {  	v3 =	vperm.xlane v3, v2;
	v4 =	vadd.s32 v1, v4;
	_ =	sdelay $0x1  }
0x2a1: {  	v3 =	vadd.s32 v1, v3;
	_ =	sdelay $0x1  }
0x2a2: {  	s31 =	simm.s32 $0x7400  }
0x2a3: {  	[hbm4b:s2+s3] =	stream.indirect_vreg.scatter [tilespmem:s31], [sflag:$0x1], $0x80, v4, vm0, $0xb8;
	[tilespmem:$0x10400] =	vst v63  }
0x2a4: {  	s9 =	simm.s32 $0x7C00  }
0x2a5: {  	[hbm4b:s2+s3] =	stream.indirect_vreg.scatter [tilespmem:s9], [sflag:$0x1], $0x80, v3, vm0, $0xb8;
	[tilespmem:$0x10400] =	vst v63  }
0x2a6: {  	_ =	swait.ge [sflag:s23], $0x8000  }
0x2a7: {  	[sflag:s23] =	ssyncset.done $0x0  }
0x2a8: {  	[sflag:s23] =	ssyncadd.s32 $0xFFFF8000  }
0x2a9: {  	v3 =	vld [tilespmem:$0x380];
	_ =	sdelay $0x4  }
0x2aa: {  	v56 =	vshll.u32 v3, $0x1  }
0x2ab: {  	v3 =	vand.u32 $0x7, v3;
	v4 =	vand.u32 $0xFFFFFFF0, v56  }
0x2ac: {  	v3 =	vor.u32 v3, v4  }
0x2ad: {  	v4 =	vperm.xlane v3, v0;
	_ =	sdelay $0x1  }
0x2ae: {  	v3 =	vperm.xlane v3, v2;
	v4 =	vadd.s32 v1, v4;
	_ =	sdelay $0x1  }
0x2af: {  	v3 =	vadd.s32 v1, v3;
	_ =	sdelay $0x2  }
0x2b0: {  	[hbm4b:s2+s3] =	stream.indirect_vreg.scatter [tilespmem:s7], [sflag:$0x2], $0x80, v4, vm0, $0xb8;
	[tilespmem:$0x10400] =	vst v63  }
0x2b1: {  	_ = 	snop  }
0x2b2: {  	[hbm4b:s2+s3] =	stream.indirect_vreg.scatter [tilespmem:s21], [sflag:$0x2], $0x80, v3, vm0, $0xb8;
	[tilespmem:$0x10400] =	vst v63  }
0x2b3: {  	v3 =	vld [tilespmem:$0x390];
	_ =	sdelay $0x4  }
0x2b4: {  	v57 =	vshll.u32 v3, $0x1  }
0x2b5: {  	v3 =	vand.u32 $0x7, v3;
	v4 =	vand.u32 $0xFFFFFFF0, v57  }
0x2b6: {  	v3 =	vor.u32 v3, v4  }
0x2b7: {  	v4 =	vperm.xlane v3, v0;
	_ =	sdelay $0x1  }
0x2b8: {  	v3 =	vperm.xlane v3, v2;
	v4 =	vadd.s32 v1, v4;
	_ =	sdelay $0x1  }
0x2b9: {  	v3 =	vadd.s32 v1, v3;
	_ =	sdelay $0x2  }
0x2ba: {  	[hbm4b:s2+s3] =	stream.indirect_vreg.scatter [tilespmem:s0], [sflag:$0x2], $0x80, v4, vm0, $0xb8;
	[tilespmem:$0x10400] =	vst v63  }
0x2bb: {  	s10 =	simm.s32 $0x9C00  }
0x2bc: {  	[hbm4b:s2+s3] =	stream.indirect_vreg.scatter [tilespmem:s10], [sflag:$0x2], $0x80, v3, vm0, $0xb8;
	[tilespmem:$0x10400] =	vst v63  }
0x2bd: {  	v3 =	vld [tilespmem:$0x3A0];
	_ =	sdelay $0x4  }
0x2be: {  	v58 =	vshll.u32 v3, $0x1  }
0x2bf: {  	v3 =	vand.u32 $0x7, v3;
	v4 =	vand.u32 $0xFFFFFFF0, v58  }
0x2c0: {  	v3 =	vor.u32 v3, v4  }
0x2c1: {  	v4 =	vperm.xlane v3, v0;
	_ =	sdelay $0x1  }
0x2c2: {  	v3 =	vperm.xlane v3, v2;
	v4 =	vadd.s32 v1, v4;
	_ =	sdelay $0x1  }
0x2c3: {  	v3 =	vadd.s32 v1, v3;
	_ =	sdelay $0x1  }
0x2c4: {  	s8 =	simm.s32 $0xA400  }
0x2c5: {  	[hbm4b:s2+s3] =	stream.indirect_vreg.scatter [tilespmem:s8], [sflag:$0x2], $0x80, v4, vm0, $0xb8;
	[tilespmem:$0x10400] =	vst v63  }
0x2c6: {  	s12 =	simm.s32 $0xAC00  }
0x2c7: {  	[hbm4b:s2+s3] =	stream.indirect_vreg.scatter [tilespmem:s12], [sflag:$0x2], $0x80, v3, vm0, $0xb8;
	[tilespmem:$0x10400] =	vst v63  }
0x2c8: {  	v3 =	vld [tilespmem:$0x3B0];
	_ =	sdelay $0x4  }
0x2c9: {  	v59 =	vshll.u32 v3, $0x1  }
0x2ca: {  	v3 =	vand.u32 $0x7, v3;
	v4 =	vand.u32 $0xFFFFFFF0, v59  }
0x2cb: {  	v3 =	vor.u32 v3, v4  }
0x2cc: {  	v4 =	vperm.xlane v3, v0;
	_ =	sdelay $0x1  }
0x2cd: {  	v3 =	vperm.xlane v3, v2;
	v4 =	vadd.s32 v1, v4;
	_ =	sdelay $0x1  }
0x2ce: {  	v3 =	vadd.s32 v1, v3;
	_ =	sdelay $0x2  }
0x2cf: {  	[hbm4b:s2+s3] =	stream.indirect_vreg.scatter [tilespmem:s1], [sflag:$0x2], $0x80, v4, vm0, $0xb8;
	[tilespmem:$0x10400] =	vst v63  }
0x2d0: {  	s11 =	simm.s32 $0xBC00  }
0x2d1: {  	[hbm4b:s2+s3] =	stream.indirect_vreg.scatter [tilespmem:s11], [sflag:$0x2], $0x80, v3, vm0, $0xb8;
	[tilespmem:$0x10400] =	vst v63  }
0x2d2: {  	v3 =	vld [tilespmem:$0x3C0];
	_ =	sdelay $0x4  }
0x2d3: {  	v60 =	vshll.u32 v3, $0x1  }
0x2d4: {  	v3 =	vand.u32 $0x7, v3;
	v4 =	vand.u32 $0xFFFFFFF0, v60  }
0x2d5: {  	v3 =	vor.u32 v3, v4  }
0x2d6: {  	v4 =	vperm.xlane v3, v0;
	_ =	sdelay $0x1  }
0x2d7: {  	v3 =	vperm.xlane v3, v2;
	v4 =	vadd.s32 v1, v4;
	_ =	sdelay $0x1  }
0x2d8: {  	v3 =	vadd.s32 v1, v3;
	_ =	sdelay $0x1  }
0x2d9: {  	s16 =	simm.s32 $0xC400  }
0x2da: {  	[hbm4b:s2+s3] =	stream.indirect_vreg.scatter [tilespmem:s16], [sflag:$0x2], $0x80, v4, vm0, $0xb8;
	[tilespmem:$0x10400] =	vst v63  }
0x2db: {  	_ = 	snop  }
0x2dc: {  	[hbm4b:s2+s3] =	stream.indirect_vreg.scatter [tilespmem:s25], [sflag:$0x2], $0x80, v3, vm0, $0xb8;
	[tilespmem:$0x10400] =	vst v63  }
0x2dd: {  	v3 =	vld [tilespmem:$0x3D0];
	_ =	sdelay $0x4  }
0x2de: {  	v61 =	vshll.u32 v3, $0x1  }
0x2df: {  	v3 =	vand.u32 $0x7, v3;
	v4 =	vand.u32 $0xFFFFFFF0, v61  }
0x2e0: {  	v3 =	vor.u32 v3, v4  }
0x2e1: {  	v4 =	vperm.xlane v3, v0;
	_ =	sdelay $0x1  }
0x2e2: {  	v3 =	vperm.xlane v3, v2;
	v4 =	vadd.s32 v1, v4;
	_ =	sdelay $0x1  }
0x2e3: {  	v3 =	vadd.s32 v1, v3;
	_ =	sdelay $0x2  }
0x2e4: {  	[hbm4b:s2+s3] =	stream.indirect_vreg.scatter [tilespmem:s6], [sflag:$0x2], $0x80, v4, vm0, $0xb8;
	[tilespmem:$0x10400] =	vst v63  }
0x2e5: {  	_ = 	snop  }
0x2e6: {  	[hbm4b:s2+s3] =	stream.indirect_vreg.scatter [tilespmem:s17], [sflag:$0x2], $0x80, v3, vm0, $0xb8;
	[tilespmem:$0x10400] =	vst v63  }
0x2e7: {  	v3 =	vld [tilespmem:$0x3E0];
	_ =	sdelay $0x4  }
0x2e8: {  	v62 =	vshll.u32 v3, $0x1  }
0x2e9: {  	v3 =	vand.u32 $0x7, v3;
	v4 =	vand.u32 $0xFFFFFFF0, v62  }
0x2ea: {  	v3 =	vor.u32 v3, v4  }
0x2eb: {  	v4 =	vperm.xlane v3, v0;
	_ =	sdelay $0x1  }
0x2ec: {  	v3 =	vperm.xlane v3, v2;
	v4 =	vadd.s32 v1, v4;
	_ =	sdelay $0x1  }
0x2ed: {  	v3 =	vadd.s32 v1, v3;
	_ =	sdelay $0x2  }
0x2ee: {  	[hbm4b:s2+s3] =	stream.indirect_vreg.scatter [tilespmem:s18], [sflag:$0x2], $0x80, v4, vm0, $0xb8;
	[tilespmem:$0x10400] =	vst v63  }
0x2ef: {  	_ = 	snop  }
0x2f0: {  	[hbm4b:s2+s3] =	stream.indirect_vreg.scatter [tilespmem:s19], [sflag:$0x2], $0x80, v3, vm0, $0xb8;
	[tilespmem:$0x10400] =	vst v63  }
0x2f1: {  	v3 =	vld [tilespmem:$0x3F0];
	_ =	sdelay $0x4  }
0x2f2: {  	v63 =	vshll.u32 v3, $0x1  }
0x2f3: {  	v3 =	vand.u32 $0x7, v3;
	v4 =	vand.u32 $0xFFFFFFF0, v63  }
0x2f4: {  	v3 =	vor.u32 v3, v4  }
0x2f5: {  	v4 =	vperm.xlane v3, v0;
	_ =	sdelay $0x1  }
0x2f6: {  	v3 =	vperm.xlane v3, v2;
	v4 =	vadd.s32 v1, v4;
	_ =	sdelay $0x1  }
0x2f7: {  	v3 =	vadd.s32 v1, v3;
	_ =	sdelay $0x1  }
0x2f8: {  	p0 =	sne.s32 s4, $0x1  }
0x2f9: {  	[hbm4b:s2+s3] =	stream.indirect_vreg.scatter [tilespmem:s20], [sflag:$0x2], $0x80, v4, vm0, $0xb8;
	[tilespmem:$0x10400] =	vst v63  }
.Ltmp0:
0x2fa: {  	_ = 	snop;
	(pc) =	sbr.rel @p0 .LBB2_1-.Ltmp0, $4  }
0x2fb: {  	[hbm4b:s2+s3] =	stream.indirect_vreg.scatter [tilespmem:s22], [sflag:$0x2], $0x80, v3, vm0, $0xb8;
	[tilespmem:$0x10400] =	vst v63  }
0x2fc: {  	_ =	swait.ge [sflag:s14], $0x8000  }
0x2fd: {  	[sflag:s14] =	ssyncset.done $0x0  }
0x2fe: {  	s4 =	sadd.s32 $0xFFFFFFFF, s4;
	[sflag:s14] =	ssyncadd.s32 $0xFFFF8000  }
0x2ff: {  	_ =	sfence.sel $0x180000  }
0x300: {  	[bflag:$0x0] =	sbarrier.arrive $0xFFFF  }
0x301: {  	_ =	strace $0x9000004A  }
0x302: {  	s0 =	stileid.u32;
	[bflag:$0x2] =	sbarrier.arrive $0xFFFF  }
0x303: {  	p0 =	sne.s32 s0, $0x0;
	s0 =	rddreg [dreg:$0x2]  }
0x304: {  	s0 =	sadd.s32 @!p0 $0x100000, s0  }
0x305: {  	[sflag:s0] =	ssyncadd.tile.s32 @!p0 $0x1;
	_ =	shalt  }
.Lfunc_end2:
_tile_overlayer_lowered:
.L_overlay_start_2:
0x306: {  	(tag) =	ssettag $0x2  }
0x307: {  	s0 =	rddreg [dreg:$0x0];
	s2 =	stileid.u32  }
0x308: {  	s1 =	rddreg [dreg:$0x1];
	p0 =	sne.s32 s2, $0x0  }
0x309: {  	s3 =	rddreg [dreg:$0x2];
	[bflag:$0x3] =	sbarrier.arrive $0xFFFF;
	s2 =	simm.s32 @!p0 $0x1C03  }
0x30a: {  	[timem:s3], [sflag:s2] =	dma.local @!p0 [hbm:s0], s1  }
0x30b: {  	s0 =	simm.s32 @!p0 $0x3  }
0x30c: {  	_ =	swait.ge @!p0 [sflag:s0], s1  }
0x30d: {  	s1 =	ssub.s32 @!p0 $0x0, s1;
	[sflag:s0] =	ssyncset.done @!p0 $0x0  }
0x30e: {  	[sflag:s0] =	ssyncadd.s32 @!p0 s1  }
0x30f: {  	[bflag:$0x3] =	sbarrier.arrive $0xFFFF  }
0x310: {  	_ =	shalt  }

</sc_bundles>
